<compile_context>
chip_gen: v7x
topology: tpu7x:2x2x1
jax: 0.10.2.dev20260603
libtpu: 0.0.44.dev20260713+nightly
codegen_flags: <defaults>
</compile_context>

<pallas_src>
import functools

import jax
import jax.numpy as jnp
from jax import lax
from jax.experimental import pallas as pl
from jax.experimental.pallas import tpu as pltpu
from jax.experimental.pallas import tpu_sc as plsc

N_NODES = 10000
NPAD = 10240
E = 320000
NC, NS = 2, 16
CHUNK = 128
CPT = 80
EPAD = NC * NS * CPT * CHUNK
DEG_W = 64
NBUF = 6
ROWS_PER_SUB = NPAD // NS

_mesh = plsc.VectorSubcoreMesh(core_axis_name="c", subcore_axis_name="s")



_sc_params = pltpu.CompilerParams(use_tc_tiling_on_sc=False)


@functools.partial(
    pl.kernel, mesh=_mesh, compiler_params=_sc_params,
    out_type=jax.ShapeDtypeStruct((NC, NPAD, DEG_W), jnp.float32),
    scratch_types=[
        pltpu.VMEM((CPT, CHUNK), jnp.int32),
        pltpu.VMEM((CHUNK, DEG_W), jnp.float32),
        pltpu.VMEM_SHARED((NPAD, DEG_W), jnp.float32),
        pltpu.SemaphoreType.DMA,
    ],
)
def _deg_pass(dsts_hbm, ones_hbm, zeros_hbm, out_hbm, dst_v, ones_v, acc_sh,
              ssem):
    cid = lax.axis_index("c")
    sid = lax.axis_index("s")
    pltpu.sync_copy(dsts_hbm.at[cid, sid], dst_v)
    pltpu.sync_copy(ones_hbm, ones_v)
    r0 = sid * ROWS_PER_SUB
    pltpu.sync_copy(zeros_hbm.at[pl.ds(r0, ROWS_PER_SUB)],
                    acc_sh.at[pl.ds(r0, ROWS_PER_SUB)])
    plsc.subcore_barrier()

    def body(j, carry):
        pltpu.async_copy(ones_v, acc_sh.at[dst_v.at[j]], ssem, add=True)
        return carry

    lax.fori_loop(0, CPT, body, 0)

    def drain(j, carry):
        pltpu.make_async_copy(ones_v, acc_sh.at[dst_v.at[0]], ssem).wait()
        return carry

    lax.fori_loop(0, CPT, drain, 0)
    plsc.subcore_barrier()
    pltpu.sync_copy(acc_sh.at[pl.ds(r0, ROWS_PER_SUB)],
                    out_hbm.at[cid].at[pl.ds(r0, ROWS_PER_SUB)])


def _make_edge_pass(width):
    @functools.partial(
        pl.kernel, mesh=_mesh, compiler_params=_sc_params,
        out_type=jax.ShapeDtypeStruct((NC, NPAD, width), jnp.float32),
        scratch_types=[
            pltpu.VMEM((CPT, CHUNK), jnp.int32),
            pltpu.VMEM((CPT, CHUNK), jnp.int32),
            pltpu.VMEM((NBUF, CHUNK, width), jnp.float32),
            pltpu.VMEM_SHARED((NPAD, width), jnp.float32),
            pltpu.SemaphoreType.DMA,
            pltpu.SemaphoreType.DMA,
        ],
    )
    def _edge_pass(h_hbm, srcs_hbm, dsts_hbm, zeros_hbm, out_hbm,
                   src_v, dst_v, rows_v, acc_sh, gsem, ssem):
        cid = lax.axis_index("c")
        sid = lax.axis_index("s")
        r0 = sid * ROWS_PER_SUB
        @pl.when(cid == 0)
        def _():
            pltpu.async_copy(h_hbm.at[pl.ds(r0, ROWS_PER_SUB)],
                             acc_sh.at[pl.ds(r0, ROWS_PER_SUB)], ssem)

        @pl.when(cid != 0)
        def _():
            pltpu.async_copy(zeros_hbm.at[pl.ds(r0, ROWS_PER_SUB)],
                             acc_sh.at[pl.ds(r0, ROWS_PER_SUB)], ssem)

        pltpu.sync_copy(srcs_hbm.at[cid, sid], src_v)

        for b in range(NBUF - 1):
            pltpu.async_copy(h_hbm.at[src_v.at[b]], rows_v.at[b], gsem)

        pltpu.sync_copy(dsts_hbm.at[cid, sid], dst_v)
        pltpu.make_async_copy(zeros_hbm.at[pl.ds(r0, ROWS_PER_SUB)],
                              acc_sh.at[pl.ds(r0, ROWS_PER_SUB)], ssem).wait()
        plsc.subcore_barrier()

        def body(j, carry):
            cur = lax.rem(j, NBUF)
            pltpu.make_async_copy(h_hbm.at[src_v.at[j]], rows_v.at[cur],
                                  gsem).wait()
            pltpu.async_copy(rows_v.at[cur], acc_sh.at[dst_v.at[j]], ssem,
                             add=True)

            @pl.when(j >= 1)
            def _():
                prev = lax.rem(j - 1, NBUF)
                pltpu.make_async_copy(rows_v.at[prev],
                                      acc_sh.at[dst_v.at[j - 1]], ssem).wait()

            @pl.when(j + NBUF - 1 < CPT)
            def _():
                nxt = lax.rem(j + NBUF - 1, NBUF)
                pltpu.async_copy(h_hbm.at[src_v.at[j + NBUF - 1]],
                                 rows_v.at[nxt], gsem)

            return carry

        lax.fori_loop(0, CPT, body, 0)
        pltpu.make_async_copy(rows_v.at[lax.rem(CPT - 1, NBUF)],
                              acc_sh.at[dst_v.at[CPT - 1]], ssem).wait()
        plsc.subcore_barrier()
        pltpu.sync_copy(acc_sh.at[pl.ds(r0, ROWS_PER_SUB)],
                        out_hbm.at[cid].at[pl.ds(r0, ROWS_PER_SUB)])

    return _edge_pass


_edge_pass_64 = _make_edge_pass(64)



_BM = 2048
_RP = _BM // 2


def _dis2(g0, g1, i):
    deg2 = g0 + g1 + 1.0
    r_iota = jax.lax.broadcasted_iota(jnp.int32, (_RP, 128), 0)
    l_iota = jax.lax.broadcasted_iota(jnp.int32, (_RP, 128), 1)
    vrow = 2 * (i * _RP + r_iota) + jnp.where(l_iota >= 64, 1, 0)
    return jnp.where(vrow < N_NODES, jax.lax.rsqrt(deg2), 0.0)


def _tc_first(x_p, W1, d0, d1):
    def body(x_ref, w_ref, d0_ref, d1_ref, ht_ref):
        i = pl.program_id(0)
        deg = d0_ref[:, 0:1] + d1_ref[:, 0:1] + 1.0
        row = jax.lax.broadcasted_iota(jnp.int32, (_BM, 1), 0) + i * _BM
        dis = jnp.where(row < N_NODES, jax.lax.rsqrt(deg), 0.0)
        h = jnp.dot(x_ref[...], w_ref[...], preferred_element_type=jnp.float32)
        ht_ref[...] = h * dis

    return pl.pallas_call(
        body,
        grid=(NPAD // _BM,),
        in_specs=[
            pl.BlockSpec((_BM, 128), lambda i: (i, 0)),
            pl.BlockSpec((128, 64), lambda i: (0, 0)),
            pl.BlockSpec((_BM, DEG_W), lambda i: (i, 0)),
            pl.BlockSpec((_BM, DEG_W), lambda i: (i, 0)),
        ],
        out_specs=pl.BlockSpec((_BM, 64), lambda i: (i, 0)),
        out_shape=jax.ShapeDtypeStruct((NPAD, 64), jnp.float32),
    )(x_p, W1, d0, d1)


def _tc_mid(q_pk, dg_pk, bb, W):
    def body(q0_ref, q1_ref, g0_ref, g1_ref, bb_ref, w_ref, out_ref):
        i = pl.program_id(0)
        dis2 = _dis2(g0_ref[0], g1_ref[0], i)
        act = jnp.maximum(dis2 * (q0_ref[0] + q1_ref[0]) + bb_ref[...], 0.0)
        hE = jnp.dot(act[:, :64], w_ref[...],
                     preferred_element_type=jnp.float32)
        hO = jnp.dot(act[:, 64:], w_ref[...],
                     preferred_element_type=jnp.float32)
        out_ref[...] = jnp.concatenate(
            [dis2[:, :64] * hE, dis2[:, 64:] * hO], axis=1)

    return pl.pallas_call(
        body,
        grid=(NPAD // _BM,),
        in_specs=[
            pl.BlockSpec((1, _RP, 128), lambda i: (0, i, 0)),
            pl.BlockSpec((1, _RP, 128), lambda i: (1, i, 0)),
            pl.BlockSpec((1, _RP, 128), lambda i: (0, i, 0)),
            pl.BlockSpec((1, _RP, 128), lambda i: (1, i, 0)),
            pl.BlockSpec((1, 128), lambda i: (0, 0)),
            pl.BlockSpec((64, 64), lambda i: (0, 0)),
        ],
        out_specs=pl.BlockSpec((_RP, 128), lambda i: (i, 0)),
        out_shape=jax.ShapeDtypeStruct((NPAD // 2, 128), jnp.float32),
    )(q_pk, q_pk, dg_pk, dg_pk, bb, W)


def _tc_last(q_pk, dg_pk, bb4, Wh64, bh64):
    def body(q0_ref, q1_ref, g0_ref, g1_ref, bb_ref, w_ref, bh_ref, out_ref):
        i = pl.program_id(0)
        dis2 = _dis2(g0_ref[0], g1_ref[0], i)
        act = jnp.maximum(dis2 * (q0_ref[0] + q1_ref[0]) + bb_ref[...], 0.0)
        hE = jnp.dot(act[:, :64], w_ref[...],
                     preferred_element_type=jnp.float32)
        hO = jnp.dot(act[:, 64:], w_ref[...],
                     preferred_element_type=jnp.float32)
        out_ref[...] = jnp.concatenate(
            [hE + bh_ref[...], hO + bh_ref[...]], axis=1)

    return pl.pallas_call(
        body,
        grid=(NPAD // _BM,),
        in_specs=[
            pl.BlockSpec((1, _RP, 128), lambda i: (0, i, 0)),
            pl.BlockSpec((1, _RP, 128), lambda i: (1, i, 0)),
            pl.BlockSpec((1, _RP, 128), lambda i: (0, i, 0)),
            pl.BlockSpec((1, _RP, 128), lambda i: (1, i, 0)),
            pl.BlockSpec((1, 128), lambda i: (0, 0)),
            pl.BlockSpec((64, 64), lambda i: (0, 0)),
            pl.BlockSpec((1, 64), lambda i: (0, 0)),
        ],
        out_specs=pl.BlockSpec((_RP, 128), lambda i: (i, 0)),
        out_shape=jax.ShapeDtypeStruct((NPAD // 2, 128), jnp.float32),
    )(q_pk, q_pk, dg_pk, dg_pk, bb4, Wh64, bh64)



def kernel(x, edge_index, W1, b1, W2, b2, W3, b3, W4, b4, Wh, bh):
    src = edge_index[0].astype(jnp.int32)
    dst = edge_index[1].astype(jnp.int32)
    n_pad_e = EPAD - E
    pad_idx = N_NODES + (jnp.arange(n_pad_e, dtype=jnp.int32)
                         % (NPAD - N_NODES))
    src_p = jnp.concatenate([src, pad_idx]).reshape(NC, NS, CPT, CHUNK)
    dst_p = jnp.concatenate([dst, pad_idx]).reshape(NC, NS, CPT, CHUNK)
    x_p = jnp.pad(x, ((0, NPAD - N_NODES), (0, 0)))

    zeros64 = jnp.zeros((NPAD, 64), jnp.float32)
    onesD = jnp.ones((CHUNK, DEG_W), jnp.float32)

    degp = _deg_pass(dst_p, onesD, zeros64)
    dg_pk = degp.reshape(NC, NPAD // 2, 128)
    ht = _tc_first(x_p, W1, degp[0], degp[1])

    q = _edge_pass_64(ht, src_p, dst_p, zeros64)
    ht_pk = _tc_mid(q.reshape(NC, NPAD // 2, 128), dg_pk,
                    jnp.concatenate([b1, b1]).reshape(1, 128), W2)
    q = _edge_pass_64(ht_pk.reshape(NPAD, 64), src_p, dst_p, zeros64)
    ht_pk = _tc_mid(q.reshape(NC, NPAD // 2, 128), dg_pk,
                    jnp.concatenate([b2, b2]).reshape(1, 128), W3)
    q = _edge_pass_64(ht_pk.reshape(NPAD, 64), src_p, dst_p, zeros64)
    W4p = jnp.pad(W4, ((0, 0), (0, 32)))
    ht_pk = _tc_mid(q.reshape(NC, NPAD // 2, 128), dg_pk,
                    jnp.concatenate([b3, b3]).reshape(1, 128), W4p)
    q = _edge_pass_64(ht_pk.reshape(NPAD, 64), src_p, dst_p, zeros64)

    b4p = jnp.pad(b4, (0, 32))
    bb4 = jnp.concatenate([b4p, b4p]).reshape(1, 128)
    Wh64 = jnp.pad(Wh, ((0, 32), (0, 61)))
    bh64 = jnp.pad(bh, (0, 61)).reshape(1, 64)
    out_pk = _tc_last(q.reshape(NC, NPAD // 2, 128), dg_pk, bb4, Wh64, bh64)
    return out_pk.reshape(NPAD, 64)[:N_NODES, :3]

# --- scband reference (transcript-rebuilt; emitter-appended) ---
"""Pipeline reference for scband-spdeparameter-gnn-36696200577142 (READ-ONLY COPY).

The authoritative reference and input builder live on the scoring server;
editing this copy changes nothing except your own understanding.
"""

import jax, jax.numpy as jnp
import numpy as np

N_NODES = 10000
N_EDGES = 320000
IN_DIM = 128
HID = 64
OUT_DIM = 3


def gcn_conv(x, edge_index, W, b, num_nodes):
    # PyG GCNConv: add self-loops, symmetric normalization, linear transform, sum-aggregate
    src = edge_index[0]
    dst = edge_index[1]
    loop = jnp.arange(num_nodes, dtype=edge_index.dtype)
    src = jnp.concatenate([src, loop])
    dst = jnp.concatenate([dst, loop])
    deg = jnp.zeros((num_nodes,), dtype=x.dtype).at[dst].add(1.0)
    deg_inv_sqrt = jnp.where(deg > 0, deg ** -0.5, 0.0)
    norm = deg_inv_sqrt[src] * deg_inv_sqrt[dst]
    h = x @ W
    msg = h[src] * norm[:, None]
    out = jax.ops.segment_sum(msg, dst, num_segments=num_nodes)
    return out + b


def setup_inputs(seed: int = 0) -> dict:
    key = jax.random.key(seed)
    ks = jax.random.split(key, 12)
    x = jax.random.normal(ks[0], (N_NODES, IN_DIM), dtype=jnp.float32)
    edge_index = jax.random.randint(ks[1], (2, N_EDGES), 0, N_NODES, dtype=jnp.int64)

    def glorot(k, fan_in, fan_out):
        lim = float(np.sqrt(6.0 / (fan_in + fan_out)))
        return jax.random.uniform(k, (fan_in, fan_out), dtype=jnp.float32, minval=-lim, maxval=lim)

    W1 = glorot(ks[2], IN_DIM, HID)
    b1 = jnp.zeros((HID,), dtype=jnp.float32)
    W2 = glorot(ks[3], HID, HID)
    b2 = jnp.zeros((HID,), dtype=jnp.float32)
    W3 = glorot(ks[4], HID, HID)
    b3 = jnp.zeros((HID,), dtype=jnp.float32)
    W4 = glorot(ks[5], HID, HID // 2)
    b4 = jnp.zeros((HID // 2,), dtype=jnp.float32)
    Wh = glorot(ks[6], HID // 2, OUT_DIM)
    bh = jnp.zeros((OUT_DIM,), dtype=jnp.float32)
    return {"x": x, "edge_index": edge_index,
            "W1": W1, "b1": b1, "W2": W2, "b2": b2,
            "W3": W3, "b3": b3, "W4": W4, "b4": b4,
            "Wh": Wh, "bh": bh}


def reference(x, edge_index, W1, b1, W2, b2, W3, b3, W4, b4, Wh, bh):
    n = x.shape[0]
    h = jax.nn.relu(gcn_conv(x, edge_index, W1, b1, n))
    # dropout is identity in eval mode
    h = jax.nn.relu(gcn_conv(h, edge_index, W2, b2, n))
    h = jax.nn.relu(gcn_conv(h, edge_index, W3, b3, n))
    h = jax.nn.relu(gcn_conv(h, edge_index, W4, b4, n))
    params = h @ Wh + bh
    return params

if __name__ == "__main__":
    import jax
    _d = setup_inputs()
    print(jax.jit(kernel)(*tuple(_d.values())))

</pallas_src>

<mosaic_0001>
#map = affine_map<(d0, d1) -> (0, 0, 0, 0)>
#map1 = affine_map<(d0, d1) -> (0, 0)>
#map2 = affine_map<(d0, d1) -> (0, 0, 0)>
module attributes {stable_mosaic.version = 14 : i64} {
  func.func @_deg_pass(%arg0: i32, %arg1: i32, %arg2: memref<2x16x80x128xi32, #tpu.memory_space<hbm>>, %arg3: memref<128x64xf32, #tpu.memory_space<hbm>>, %arg4: memref<10240x64xf32, #tpu.memory_space<hbm>>, %arg5: memref<2x10240x64xf32, #tpu.memory_space<hbm>>, %arg6: memref<80x128xi32, #tpu.memory_space<vmem>>, %arg7: memref<128x64xf32, #tpu.memory_space<vmem>>, %arg8: memref<10240x64xf32, #tpu.memory_space<vmem_shared>>, %arg9: memref<!tpu.dma_semaphore, #tpu.memory_space<semaphore_mem>>) attributes {dimension_semantics = [#tpu.dimension_semantics<core_parallel>, #tpu.dimension_semantics<subcore_parallel>], iteration_bounds = array<i64: 2, 16>, scalar_prefetch = 0 : i64, scratch_operands = 4 : i64, tpu.core_type = #tpu.core_type<sc_vector_subcore>, window_params = [{transform_indices = #map}, {transform_indices = #map1}, {transform_indices = #map1}, {transform_indices = #map2}]} {
    "tpu.region"() ({
      %run_scoped3A = tpu.sem_alloc : memref<!tpu.dma_semaphore, #tpu.memory_space<semaphore_mem>>
      %dma_start3A = arith.constant 0 : i32
      %dma_start3A_13 = arith.constant 0 : i32
      %dma_start3A_14 = tpu.memref_slice %arg2[%arg0, %arg1, %dma_start3A, %dma_start3A_13] : memref<2x16x80x128xi32, #tpu.memory_space<hbm>> -> memref<1x1x80x128xi32, #tpu.memory_space<hbm>>
      %dma_start3A_15 = tpu.memref_squeeze %dma_start3A_14 : memref<1x1x80x128xi32, #tpu.memory_space<hbm>> -> memref<80x128xi32, #tpu.memory_space<hbm>>
      %dma_start3A_16 = arith.constant 0 : i32
      %dma_start3A_17 = arith.constant 0 : i32
      %dma_start3A_18 = tpu.memref_slice %arg2[%arg0, %arg1, %dma_start3A_16, %dma_start3A_17] : memref<2x16x80x128xi32, #tpu.memory_space<hbm>> -> memref<1x1x80x128xi32, #tpu.memory_space<hbm>>
      %dma_start3A_19 = tpu.memref_squeeze %dma_start3A_18 : memref<1x1x80x128xi32, #tpu.memory_space<hbm>> -> memref<80x128xi32, #tpu.memory_space<hbm>>
      tpu.enqueue_dma source(%dma_start3A_19 : memref<80x128xi32, #tpu.memory_space<hbm>>) target(%arg6 : memref<80x128xi32, #tpu.memory_space<vmem>>) target_semaphore(%run_scoped3A : memref<!tpu.dma_semaphore, #tpu.memory_space<semaphore_mem>>)
      %dma_wait3A = arith.constant 0 : i32
      %dma_wait3A_20 = arith.constant 0 : i32
      %dma_wait3A_21 = tpu.memref_slice %arg2[%arg0, %arg1, %dma_wait3A, %dma_wait3A_20] : memref<2x16x80x128xi32, #tpu.memory_space<hbm>> -> memref<1x1x80x128xi32, #tpu.memory_space<hbm>>
      %dma_wait3A_22 = tpu.memref_squeeze %dma_wait3A_21 : memref<1x1x80x128xi32, #tpu.memory_space<hbm>> -> memref<80x128xi32, #tpu.memory_space<hbm>>
      %dma_wait3A_23 = arith.constant 0 : i32
      %dma_wait3A_24 = arith.constant 0 : i32
      %dma_wait3A_25 = tpu.memref_slice %arg2[%arg0, %arg1, %dma_wait3A_23, %dma_wait3A_24] : memref<2x16x80x128xi32, #tpu.memory_space<hbm>> -> memref<1x1x80x128xi32, #tpu.memory_space<hbm>>
      %dma_wait3A_26 = tpu.memref_squeeze %dma_wait3A_25 : memref<1x1x80x128xi32, #tpu.memory_space<hbm>> -> memref<80x128xi32, #tpu.memory_space<hbm>>
      tpu.wait_dma2 semaphore(%run_scoped3A : memref<!tpu.dma_semaphore, #tpu.memory_space<semaphore_mem>>) src(%dma_wait3A_26 : memref<80x128xi32, #tpu.memory_space<hbm>>) dst(%arg6 : memref<80x128xi32, #tpu.memory_space<vmem>>)
      tpu.yield
    }) : () -> ()
    "tpu.region"() ({
      %run_scoped3A = tpu.sem_alloc : memref<!tpu.dma_semaphore, #tpu.memory_space<semaphore_mem>>
      tpu.enqueue_dma source(%arg3 : memref<128x64xf32, #tpu.memory_space<hbm>>) target(%arg7 : memref<128x64xf32, #tpu.memory_space<vmem>>) target_semaphore(%run_scoped3A : memref<!tpu.dma_semaphore, #tpu.memory_space<semaphore_mem>>)
      tpu.wait_dma2 semaphore(%run_scoped3A : memref<!tpu.dma_semaphore, #tpu.memory_space<semaphore_mem>>) src(%arg3 : memref<128x64xf32, #tpu.memory_space<hbm>>) dst(%arg7 : memref<128x64xf32, #tpu.memory_space<vmem>>)
      tpu.yield
    }) : () -> ()
    %mul3A = arith.constant 640 : i32
    %mul3A_0 = arith.muli %arg1, %mul3A : i32
    "tpu.region"() ({
      %run_scoped3A = tpu.sem_alloc : memref<!tpu.dma_semaphore, #tpu.memory_space<semaphore_mem>>
      %dma_start3A = arith.constant 0 : i32
      %dma_start3A_13 = tpu.memref_slice %arg8[%mul3A_0, %dma_start3A] : memref<10240x64xf32, #tpu.memory_space<vmem_shared>> -> memref<640x64xf32, #tpu.memory_space<vmem_shared>>
      %dma_start3A_14 = arith.constant 0 : i32
      %dma_start3A_15 = tpu.memref_slice %arg4[%mul3A_0, %dma_start3A_14] : memref<10240x64xf32, #tpu.memory_space<hbm>> -> memref<640x64xf32, #tpu.memory_space<hbm>>
      tpu.enqueue_dma source(%dma_start3A_15 : memref<640x64xf32, #tpu.memory_space<hbm>>) target(%dma_start3A_13 : memref<640x64xf32, #tpu.memory_space<vmem_shared>>) target_semaphore(%run_scoped3A : memref<!tpu.dma_semaphore, #tpu.memory_space<semaphore_mem>>)
      %dma_wait3A = arith.constant 0 : i32
      %dma_wait3A_16 = tpu.memref_slice %arg8[%mul3A_0, %dma_wait3A] : memref<10240x64xf32, #tpu.memory_space<vmem_shared>> -> memref<640x64xf32, #tpu.memory_space<vmem_shared>>
      %dma_wait3A_17 = arith.constant 0 : i32
      %dma_wait3A_18 = tpu.memref_slice %arg4[%mul3A_0, %dma_wait3A_17] : memref<10240x64xf32, #tpu.memory_space<hbm>> -> memref<640x64xf32, #tpu.memory_space<hbm>>
      tpu.wait_dma2 semaphore(%run_scoped3A : memref<!tpu.dma_semaphore, #tpu.memory_space<semaphore_mem>>) src(%dma_wait3A_18 : memref<640x64xf32, #tpu.memory_space<hbm>>) dst(%dma_wait3A_16 : memref<640x64xf32, #tpu.memory_space<vmem_shared>>)
      tpu.yield
    }) : () -> ()
    %barrier3A = arith.constant 0 : index
    tpu.barrier barrier_id(%barrier3A)
    %scan3A = arith.constant 0 : i32
    %scan3A_1 = arith.constant 0 : i32
    %scan3A_2 = arith.constant 80 : i32
    %scan3A_3 = arith.addi %scan3A_1, %scan3A_2 : i32
    %scan3A_4 = arith.constant 1 : i32
    scf.for %scan3A_13 = %scan3A_1 to %scan3A_3 step %scan3A_4  : i32 {
      %dma_start3A = arith.constant 0 : i32
      %dma_start3A_14 = tpu.memref_slice %arg6[%scan3A_13, %dma_start3A] : memref<80x128xi32, #tpu.memory_space<vmem>> -> memref<1x128xi32, #tpu.memory_space<vmem>>
      %dma_start3A_15 = tpu.memref_squeeze %dma_start3A_14 : memref<1x128xi32, #tpu.memory_space<vmem>> -> memref<128xi32, #tpu.memory_space<vmem>>
      %dma_start3A_16 = arith.constant 0 : i32
      %dma_start3A_17 = arith.constant 0 : i32
      %dma_start3A_18 = tpu.memref_slice %arg8[%dma_start3A_16, %dma_start3A_17] : memref<10240x64xf32, #tpu.memory_space<vmem_shared>> -> memref<10240x64xf32, #tpu.memory_space<vmem_shared>>
      tpu.enqueue_indirect_dma source(%arg7 : memref<128x64xf32, #tpu.memory_space<vmem>>) target(%dma_start3A_18 : memref<10240x64xf32, #tpu.memory_space<vmem_shared>>) offsets(%dma_start3A_15 : memref<128xi32, #tpu.memory_space<vmem>>) semaphore(%arg9 : memref<!tpu.dma_semaphore, #tpu.memory_space<semaphore_mem>>) {add = true}
    }
    %scan3A_5 = arith.constant 80 : i32
    %scan3A_6 = arith.constant 0 : i32
    %scan3A_7 = arith.constant 0 : i32
    %scan3A_8 = arith.constant 80 : i32
    %scan3A_9 = arith.addi %scan3A_7, %scan3A_8 : i32
    %scan3A_10 = arith.constant 1 : i32
    scf.for %scan3A_13 = %scan3A_7 to %scan3A_9 step %scan3A_10  : i32 {
      %dma_wait3A = arith.constant 0 : i32
      %dma_wait3A_14 = arith.constant 0 : i32
      %dma_wait3A_15 = tpu.memref_slice %arg6[%dma_wait3A, %dma_wait3A_14] : memref<80x128xi32, #tpu.memory_space<vmem>> -> memref<1x128xi32, #tpu.memory_space<vmem>>
      %dma_wait3A_16 = tpu.memref_squeeze %dma_wait3A_15 : memref<1x128xi32, #tpu.memory_space<vmem>> -> memref<128xi32, #tpu.memory_space<vmem>>
      %dma_wait3A_17 = arith.constant 0 : i32
      %dma_wait3A_18 = arith.constant 0 : i32
      %dma_wait3A_19 = tpu.memref_slice %arg8[%dma_wait3A_17, %dma_wait3A_18] : memref<10240x64xf32, #tpu.memory_space<vmem_shared>> -> memref<10240x64xf32, #tpu.memory_space<vmem_shared>>
      tpu.wait_indirect_dma semaphore(%arg9 : memref<!tpu.dma_semaphore, #tpu.memory_space<semaphore_mem>>) src(%arg7 : memref<128x64xf32, #tpu.memory_space<vmem>>) dst(%dma_wait3A_19 : memref<10240x64xf32, #tpu.memory_space<vmem_shared>>)
    }
    %scan3A_11 = arith.constant 80 : i32
    %barrier3A_12 = arith.constant 0 : index
    tpu.barrier barrier_id(%barrier3A_12)
    "tpu.region"() ({
      %run_scoped3A = tpu.sem_alloc : memref<!tpu.dma_semaphore, #tpu.memory_space<semaphore_mem>>
      %dma_start3A = arith.constant 0 : i32
      %dma_start3A_13 = arith.constant 0 : i32
      %dma_start3A_14 = tpu.memref_slice %arg5[%arg0, %dma_start3A, %dma_start3A_13] : memref<2x10240x64xf32, #tpu.memory_space<hbm>> -> memref<1x10240x64xf32, #tpu.memory_space<hbm>>
      %dma_start3A_15 = tpu.memref_squeeze %dma_start3A_14 : memref<1x10240x64xf32, #tpu.memory_space<hbm>> -> memref<10240x64xf32, #tpu.memory_space<hbm>>
      %dma_start3A_16 = arith.constant 0 : i32
      %dma_start3A_17 = tpu.memref_slice %dma_start3A_15[%mul3A_0, %dma_start3A_16] : memref<10240x64xf32, #tpu.memory_space<hbm>> -> memref<640x64xf32, #tpu.memory_space<hbm>>
      %dma_start3A_18 = arith.constant 0 : i32
      %dma_start3A_19 = tpu.memref_slice %arg8[%mul3A_0, %dma_start3A_18] : memref<10240x64xf32, #tpu.memory_space<vmem_shared>> -> memref<640x64xf32, #tpu.memory_space<vmem_shared>>
      tpu.enqueue_dma source(%dma_start3A_19 : memref<640x64xf32, #tpu.memory_space<vmem_shared>>) target(%dma_start3A_17 : memref<640x64xf32, #tpu.memory_space<hbm>>) target_semaphore(%run_scoped3A : memref<!tpu.dma_semaphore, #tpu.memory_space<semaphore_mem>>)
      %dma_wait3A = arith.constant 0 : i32
      %dma_wait3A_20 = arith.constant 0 : i32
      %dma_wait3A_21 = tpu.memref_slice %arg5[%arg0, %dma_wait3A, %dma_wait3A_20] : memref<2x10240x64xf32, #tpu.memory_space<hbm>> -> memref<1x10240x64xf32, #tpu.memory_space<hbm>>
      %dma_wait3A_22 = tpu.memref_squeeze %dma_wait3A_21 : memref<1x10240x64xf32, #tpu.memory_space<hbm>> -> memref<10240x64xf32, #tpu.memory_space<hbm>>
      %dma_wait3A_23 = arith.constant 0 : i32
      %dma_wait3A_24 = tpu.memref_slice %dma_wait3A_22[%mul3A_0, %dma_wait3A_23] : memref<10240x64xf32, #tpu.memory_space<hbm>> -> memref<640x64xf32, #tpu.memory_space<hbm>>
      %dma_wait3A_25 = arith.constant 0 : i32
      %dma_wait3A_26 = tpu.memref_slice %arg8[%mul3A_0, %dma_wait3A_25] : memref<10240x64xf32, #tpu.memory_space<vmem_shared>> -> memref<640x64xf32, #tpu.memory_space<vmem_shared>>
      tpu.wait_dma2 semaphore(%run_scoped3A : memref<!tpu.dma_semaphore, #tpu.memory_space<semaphore_mem>>) src(%dma_wait3A_26 : memref<640x64xf32, #tpu.memory_space<vmem_shared>>) dst(%dma_wait3A_24 : memref<640x64xf32, #tpu.memory_space<hbm>>)
      tpu.yield
    }) : () -> ()
    return
  }
}

#map = affine_map<(d0, d1) -> (0, 0)>
#map1 = affine_map<(d0, d1) -> (0, 0, 0, 0)>
#map2 = affine_map<(d0, d1) -> (0, 0, 0)>
module attributes {stable_mosaic.version = 14 : i64} {
  func.func @_edge_pass(%arg0: i32, %arg1: i32, %arg2: memref<10240x64xf32, #tpu.memory_space<hbm>>, %arg3: memref<2x16x80x128xi32, #tpu.memory_space<hbm>>, %arg4: memref<2x16x80x128xi32, #tpu.memory_space<hbm>>, %arg5: memref<10240x64xf32, #tpu.memory_space<hbm>>, %arg6: memref<2x10240x64xf32, #tpu.memory_space<hbm>>, %arg7: memref<80x128xi32, #tpu.memory_space<vmem>>, %arg8: memref<80x128xi32, #tpu.memory_space<vmem>>, %arg9: memref<6x128x64xf32, #tpu.memory_space<vmem>>, %arg10: memref<10240x64xf32, #tpu.memory_space<vmem_shared>>, %arg11: memref<!tpu.dma_semaphore, #tpu.memory_space<semaphore_mem>>, %arg12: memref<!tpu.dma_semaphore, #tpu.memory_space<semaphore_mem>>) attributes {dimension_semantics = [#tpu.dimension_semantics<core_parallel>, #tpu.dimension_semantics<subcore_parallel>], iteration_bounds = array<i64: 2, 16>, scalar_prefetch = 0 : i64, scratch_operands = 6 : i64, tpu.core_type = #tpu.core_type<sc_vector_subcore>, window_params = [{transform_indices = #map}, {transform_indices = #map1}, {transform_indices = #map1}, {transform_indices = #map}, {transform_indices = #map2}]} {
    %mul3A = arith.constant 640 : i32
    %mul3A_0 = arith.muli %arg1, %mul3A : i32
    %eq3A = arith.constant 0 : i32
    %eq3A_1 = arith.cmpi eq, %arg0, %eq3A : i32
    %convert_element_type3A = arith.extui %eq3A_1 : i1 to i32
    %cond3A = arith.constant 0 : i32
    %cond3A_2 = arith.cmpi ne, %convert_element_type3A, %cond3A : i32
    scf.if %cond3A_2 {
      %dma_start3A_88 = arith.constant 0 : i32
      %dma_start3A_89 = tpu.memref_slice %arg10[%mul3A_0, %dma_start3A_88] : memref<10240x64xf32, #tpu.memory_space<vmem_shared>> -> memref<640x64xf32, #tpu.memory_space<vmem_shared>>
      %dma_start3A_90 = arith.constant 0 : i32
      %dma_start3A_91 = tpu.memref_slice %arg2[%mul3A_0, %dma_start3A_90] : memref<10240x64xf32, #tpu.memory_space<hbm>> -> memref<640x64xf32, #tpu.memory_space<hbm>>
      tpu.enqueue_dma source(%dma_start3A_91 : memref<640x64xf32, #tpu.memory_space<hbm>>) target(%dma_start3A_89 : memref<640x64xf32, #tpu.memory_space<vmem_shared>>) target_semaphore(%arg12 : memref<!tpu.dma_semaphore, #tpu.memory_space<semaphore_mem>>)
    } else {
    }
    %ne3A = arith.constant 0 : i32
    %ne3A_3 = arith.cmpi ne, %arg0, %ne3A : i32
    %convert_element_type3A_4 = arith.extui %ne3A_3 : i1 to i32
    %cond3A_5 = arith.constant 0 : i32
    %cond3A_6 = arith.cmpi ne, %convert_element_type3A_4, %cond3A_5 : i32
    scf.if %cond3A_6 {
      %dma_start3A_88 = arith.constant 0 : i32
      %dma_start3A_89 = tpu.memref_slice %arg10[%mul3A_0, %dma_start3A_88] : memref<10240x64xf32, #tpu.memory_space<vmem_shared>> -> memref<640x64xf32, #tpu.memory_space<vmem_shared>>
      %dma_start3A_90 = arith.constant 0 : i32
      %dma_start3A_91 = tpu.memref_slice %arg5[%mul3A_0, %dma_start3A_90] : memref<10240x64xf32, #tpu.memory_space<hbm>> -> memref<640x64xf32, #tpu.memory_space<hbm>>
      tpu.enqueue_dma source(%dma_start3A_91 : memref<640x64xf32, #tpu.memory_space<hbm>>) target(%dma_start3A_89 : memref<640x64xf32, #tpu.memory_space<vmem_shared>>) target_semaphore(%arg12 : memref<!tpu.dma_semaphore, #tpu.memory_space<semaphore_mem>>)
    } else {
    }
    "tpu.region"() ({
      %run_scoped3A = tpu.sem_alloc : memref<!tpu.dma_semaphore, #tpu.memory_space<semaphore_mem>>
      %dma_start3A_88 = arith.constant 0 : i32
      %dma_start3A_89 = arith.constant 0 : i32
      %dma_start3A_90 = tpu.memref_slice %arg3[%arg0, %arg1, %dma_start3A_88, %dma_start3A_89] : memref<2x16x80x128xi32, #tpu.memory_space<hbm>> -> memref<1x1x80x128xi32, #tpu.memory_space<hbm>>
      %dma_start3A_91 = tpu.memref_squeeze %dma_start3A_90 : memref<1x1x80x128xi32, #tpu.memory_space<hbm>> -> memref<80x128xi32, #tpu.memory_space<hbm>>
      %dma_start3A_92 = arith.constant 0 : i32
      %dma_start3A_93 = arith.constant 0 : i32
      %dma_start3A_94 = tpu.memref_slice %arg3[%arg0, %arg1, %dma_start3A_92, %dma_start3A_93] : memref<2x16x80x128xi32, #tpu.memory_space<hbm>> -> memref<1x1x80x128xi32, #tpu.memory_space<hbm>>
      %dma_start3A_95 = tpu.memref_squeeze %dma_start3A_94 : memref<1x1x80x128xi32, #tpu.memory_space<hbm>> -> memref<80x128xi32, #tpu.memory_space<hbm>>
      tpu.enqueue_dma source(%dma_start3A_95 : memref<80x128xi32, #tpu.memory_space<hbm>>) target(%arg7 : memref<80x128xi32, #tpu.memory_space<vmem>>) target_semaphore(%run_scoped3A : memref<!tpu.dma_semaphore, #tpu.memory_space<semaphore_mem>>)
      %dma_wait3A_96 = arith.constant 0 : i32
      %dma_wait3A_97 = arith.constant 0 : i32
      %dma_wait3A_98 = tpu.memref_slice %arg3[%arg0, %arg1, %dma_wait3A_96, %dma_wait3A_97] : memref<2x16x80x128xi32, #tpu.memory_space<hbm>> -> memref<1x1x80x128xi32, #tpu.memory_space<hbm>>
      %dma_wait3A_99 = tpu.memref_squeeze %dma_wait3A_98 : memref<1x1x80x128xi32, #tpu.memory_space<hbm>> -> memref<80x128xi32, #tpu.memory_space<hbm>>
      %dma_wait3A_100 = arith.constant 0 : i32
      %dma_wait3A_101 = arith.constant 0 : i32
      %dma_wait3A_102 = tpu.memref_slice %arg3[%arg0, %arg1, %dma_wait3A_100, %dma_wait3A_101] : memref<2x16x80x128xi32, #tpu.memory_space<hbm>> -> memref<1x1x80x128xi32, #tpu.memory_space<hbm>>
      %dma_wait3A_103 = tpu.memref_squeeze %dma_wait3A_102 : memref<1x1x80x128xi32, #tpu.memory_space<hbm>> -> memref<80x128xi32, #tpu.memory_space<hbm>>
      tpu.wait_dma2 semaphore(%run_scoped3A : memref<!tpu.dma_semaphore, #tpu.memory_space<semaphore_mem>>) src(%dma_wait3A_103 : memref<80x128xi32, #tpu.memory_space<hbm>>) dst(%arg7 : memref<80x128xi32, #tpu.memory_space<vmem>>)
      tpu.yield
    }) : () -> ()
    %dma_start3A = arith.constant 0 : i32
    %dma_start3A_7 = arith.constant 0 : i32
    %dma_start3A_8 = arith.constant 0 : i32
    %dma_start3A_9 = arith.constant 0 : i32
    %dma_start3A_10 = tpu.memref_slice %arg9[%dma_start3A_7, %dma_start3A_8, %dma_start3A_9] : memref<6x128x64xf32, #tpu.memory_space<vmem>> -> memref<1x128x64xf32, #tpu.memory_space<vmem>>
    %dma_start3A_11 = tpu.memref_squeeze %dma_start3A_10 : memref<1x128x64xf32, #tpu.memory_space<vmem>> -> memref<128x64xf32, #tpu.memory_space<vmem>>
    %dma_start3A_12 = arith.constant 0 : i32
    %dma_start3A_13 = tpu.memref_slice %arg7[%dma_start3A, %dma_start3A_12] : memref<80x128xi32, #tpu.memory_space<vmem>> -> memref<1x128xi32, #tpu.memory_space<vmem>>
    %dma_start3A_14 = tpu.memref_squeeze %dma_start3A_13 : memref<1x128xi32, #tpu.memory_space<vmem>> -> memref<128xi32, #tpu.memory_space<vmem>>
    %dma_start3A_15 = arith.constant 0 : i32
    %dma_start3A_16 = arith.constant 0 : i32
    %dma_start3A_17 = tpu.memref_slice %arg2[%dma_start3A_15, %dma_start3A_16] : memref<10240x64xf32, #tpu.memory_space<hbm>> -> memref<10240x64xf32, #tpu.memory_space<hbm>>
    tpu.enqueue_indirect_dma source(%dma_start3A_17 : memref<10240x64xf32, #tpu.memory_space<hbm>>) target(%dma_start3A_11 : memref<128x64xf32, #tpu.memory_space<vmem>>) offsets(%dma_start3A_14 : memref<128xi32, #tpu.memory_space<vmem>>) semaphore(%arg11 : memref<!tpu.dma_semaphore, #tpu.memory_space<semaphore_mem>>)
    %dma_start3A_18 = arith.constant 1 : i32
    %dma_start3A_19 = arith.constant 1 : i32
    %dma_start3A_20 = arith.constant 0 : i32
    %dma_start3A_21 = arith.constant 0 : i32
    %dma_start3A_22 = tpu.memref_slice %arg9[%dma_start3A_19, %dma_start3A_20, %dma_start3A_21] : memref<6x128x64xf32, #tpu.memory_space<vmem>> -> memref<1x128x64xf32, #tpu.memory_space<vmem>>
    %dma_start3A_23 = tpu.memref_squeeze %dma_start3A_22 : memref<1x128x64xf32, #tpu.memory_space<vmem>> -> memref<128x64xf32, #tpu.memory_space<vmem>>
    %dma_start3A_24 = arith.constant 0 : i32
    %dma_start3A_25 = tpu.memref_slice %arg7[%dma_start3A_18, %dma_start3A_24] : memref<80x128xi32, #tpu.memory_space<vmem>> -> memref<1x128xi32, #tpu.memory_space<vmem>>
    %dma_start3A_26 = tpu.memref_squeeze %dma_start3A_25 : memref<1x128xi32, #tpu.memory_space<vmem>> -> memref<128xi32, #tpu.memory_space<vmem>>
    %dma_start3A_27 = arith.constant 0 : i32
    %dma_start3A_28 = arith.constant 0 : i32
    %dma_start3A_29 = tpu.memref_slice %arg2[%dma_start3A_27, %dma_start3A_28] : memref<10240x64xf32, #tpu.memory_space<hbm>> -> memref<10240x64xf32, #tpu.memory_space<hbm>>
    tpu.enqueue_indirect_dma source(%dma_start3A_29 : memref<10240x64xf32, #tpu.memory_space<hbm>>) target(%dma_start3A_23 : memref<128x64xf32, #tpu.memory_space<vmem>>) offsets(%dma_start3A_26 : memref<128xi32, #tpu.memory_space<vmem>>) semaphore(%arg11 : memref<!tpu.dma_semaphore, #tpu.memory_space<semaphore_mem>>)
    %dma_start3A_30 = arith.constant 2 : i32
    %dma_start3A_31 = arith.constant 2 : i32
    %dma_start3A_32 = arith.constant 0 : i32
    %dma_start3A_33 = arith.constant 0 : i32
    %dma_start3A_34 = tpu.memref_slice %arg9[%dma_start3A_31, %dma_start3A_32, %dma_start3A_33] : memref<6x128x64xf32, #tpu.memory_space<vmem>> -> memref<1x128x64xf32, #tpu.memory_space<vmem>>
    %dma_start3A_35 = tpu.memref_squeeze %dma_start3A_34 : memref<1x128x64xf32, #tpu.memory_space<vmem>> -> memref<128x64xf32, #tpu.memory_space<vmem>>
    %dma_start3A_36 = arith.constant 0 : i32
    %dma_start3A_37 = tpu.memref_slice %arg7[%dma_start3A_30, %dma_start3A_36] : memref<80x128xi32, #tpu.memory_space<vmem>> -> memref<1x128xi32, #tpu.memory_space<vmem>>
    %dma_start3A_38 = tpu.memref_squeeze %dma_start3A_37 : memref<1x128xi32, #tpu.memory_space<vmem>> -> memref<128xi32, #tpu.memory_space<vmem>>
    %dma_start3A_39 = arith.constant 0 : i32
    %dma_start3A_40 = arith.constant 0 : i32
    %dma_start3A_41 = tpu.memref_slice %arg2[%dma_start3A_39, %dma_start3A_40] : memref<10240x64xf32, #tpu.memory_space<hbm>> -> memref<10240x64xf32, #tpu.memory_space<hbm>>
    tpu.enqueue_indirect_dma source(%dma_start3A_41 : memref<10240x64xf32, #tpu.memory_space<hbm>>) target(%dma_start3A_35 : memref<128x64xf32, #tpu.memory_space<vmem>>) offsets(%dma_start3A_38 : memref<128xi32, #tpu.memory_space<vmem>>) semaphore(%arg11 : memref<!tpu.dma_semaphore, #tpu.memory_space<semaphore_mem>>)
    %dma_start3A_42 = arith.constant 3 : i32
    %dma_start3A_43 = arith.constant 3 : i32
    %dma_start3A_44 = arith.constant 0 : i32
    %dma_start3A_45 = arith.constant 0 : i32
    %dma_start3A_46 = tpu.memref_slice %arg9[%dma_start3A_43, %dma_start3A_44, %dma_start3A_45] : memref<6x128x64xf32, #tpu.memory_space<vmem>> -> memref<1x128x64xf32, #tpu.memory_space<vmem>>
    %dma_start3A_47 = tpu.memref_squeeze %dma_start3A_46 : memref<1x128x64xf32, #tpu.memory_space<vmem>> -> memref<128x64xf32, #tpu.memory_space<vmem>>
    %dma_start3A_48 = arith.constant 0 : i32
    %dma_start3A_49 = tpu.memref_slice %arg7[%dma_start3A_42, %dma_start3A_48] : memref<80x128xi32, #tpu.memory_space<vmem>> -> memref<1x128xi32, #tpu.memory_space<vmem>>
    %dma_start3A_50 = tpu.memref_squeeze %dma_start3A_49 : memref<1x128xi32, #tpu.memory_space<vmem>> -> memref<128xi32, #tpu.memory_space<vmem>>
    %dma_start3A_51 = arith.constant 0 : i32
    %dma_start3A_52 = arith.constant 0 : i32
    %dma_start3A_53 = tpu.memref_slice %arg2[%dma_start3A_51, %dma_start3A_52] : memref<10240x64xf32, #tpu.memory_space<hbm>> -> memref<10240x64xf32, #tpu.memory_space<hbm>>
    tpu.enqueue_indirect_dma source(%dma_start3A_53 : memref<10240x64xf32, #tpu.memory_space<hbm>>) target(%dma_start3A_47 : memref<128x64xf32, #tpu.memory_space<vmem>>) offsets(%dma_start3A_50 : memref<128xi32, #tpu.memory_space<vmem>>) semaphore(%arg11 : memref<!tpu.dma_semaphore, #tpu.memory_space<semaphore_mem>>)
    %dma_start3A_54 = arith.constant 4 : i32
    %dma_start3A_55 = arith.constant 4 : i32
    %dma_start3A_56 = arith.constant 0 : i32
    %dma_start3A_57 = arith.constant 0 : i32
    %dma_start3A_58 = tpu.memref_slice %arg9[%dma_start3A_55, %dma_start3A_56, %dma_start3A_57] : memref<6x128x64xf32, #tpu.memory_space<vmem>> -> memref<1x128x64xf32, #tpu.memory_space<vmem>>
    %dma_start3A_59 = tpu.memref_squeeze %dma_start3A_58 : memref<1x128x64xf32, #tpu.memory_space<vmem>> -> memref<128x64xf32, #tpu.memory_space<vmem>>
    %dma_start3A_60 = arith.constant 0 : i32
    %dma_start3A_61 = tpu.memref_slice %arg7[%dma_start3A_54, %dma_start3A_60] : memref<80x128xi32, #tpu.memory_space<vmem>> -> memref<1x128xi32, #tpu.memory_space<vmem>>
    %dma_start3A_62 = tpu.memref_squeeze %dma_start3A_61 : memref<1x128xi32, #tpu.memory_space<vmem>> -> memref<128xi32, #tpu.memory_space<vmem>>
    %dma_start3A_63 = arith.constant 0 : i32
    %dma_start3A_64 = arith.constant 0 : i32
    %dma_start3A_65 = tpu.memref_slice %arg2[%dma_start3A_63, %dma_start3A_64] : memref<10240x64xf32, #tpu.memory_space<hbm>> -> memref<10240x64xf32, #tpu.memory_space<hbm>>
    tpu.enqueue_indirect_dma source(%dma_start3A_65 : memref<10240x64xf32, #tpu.memory_space<hbm>>) target(%dma_start3A_59 : memref<128x64xf32, #tpu.memory_space<vmem>>) offsets(%dma_start3A_62 : memref<128xi32, #tpu.memory_space<vmem>>) semaphore(%arg11 : memref<!tpu.dma_semaphore, #tpu.memory_space<semaphore_mem>>)
    "tpu.region"() ({
      %run_scoped3A = tpu.sem_alloc : memref<!tpu.dma_semaphore, #tpu.memory_space<semaphore_mem>>
      %dma_start3A_88 = arith.constant 0 : i32
      %dma_start3A_89 = arith.constant 0 : i32
      %dma_start3A_90 = tpu.memref_slice %arg4[%arg0, %arg1, %dma_start3A_88, %dma_start3A_89] : memref<2x16x80x128xi32, #tpu.memory_space<hbm>> -> memref<1x1x80x128xi32, #tpu.memory_space<hbm>>
      %dma_start3A_91 = tpu.memref_squeeze %dma_start3A_90 : memref<1x1x80x128xi32, #tpu.memory_space<hbm>> -> memref<80x128xi32, #tpu.memory_space<hbm>>
      %dma_start3A_92 = arith.constant 0 : i32
      %dma_start3A_93 = arith.constant 0 : i32
      %dma_start3A_94 = tpu.memref_slice %arg4[%arg0, %arg1, %dma_start3A_92, %dma_start3A_93] : memref<2x16x80x128xi32, #tpu.memory_space<hbm>> -> memref<1x1x80x128xi32, #tpu.memory_space<hbm>>
      %dma_start3A_95 = tpu.memref_squeeze %dma_start3A_94 : memref<1x1x80x128xi32, #tpu.memory_space<hbm>> -> memref<80x128xi32, #tpu.memory_space<hbm>>
      tpu.enqueue_dma source(%dma_start3A_95 : memref<80x128xi32, #tpu.memory_space<hbm>>) target(%arg8 : memref<80x128xi32, #tpu.memory_space<vmem>>) target_semaphore(%run_scoped3A : memref<!tpu.dma_semaphore, #tpu.memory_space<semaphore_mem>>)
      %dma_wait3A_96 = arith.constant 0 : i32
      %dma_wait3A_97 = arith.constant 0 : i32
      %dma_wait3A_98 = tpu.memref_slice %arg4[%arg0, %arg1, %dma_wait3A_96, %dma_wait3A_97] : memref<2x16x80x128xi32, #tpu.memory_space<hbm>> -> memref<1x1x80x128xi32, #tpu.memory_space<hbm>>
      %dma_wait3A_99 = tpu.memref_squeeze %dma_wait3A_98 : memref<1x1x80x128xi32, #tpu.memory_space<hbm>> -> memref<80x128xi32, #tpu.memory_space<hbm>>
      %dma_wait3A_100 = arith.constant 0 : i32
      %dma_wait3A_101 = arith.constant 0 : i32
      %dma_wait3A_102 = tpu.memref_slice %arg4[%arg0, %arg1, %dma_wait3A_100, %dma_wait3A_101] : memref<2x16x80x128xi32, #tpu.memory_space<hbm>> -> memref<1x1x80x128xi32, #tpu.memory_space<hbm>>
      %dma_wait3A_103 = tpu.memref_squeeze %dma_wait3A_102 : memref<1x1x80x128xi32, #tpu.memory_space<hbm>> -> memref<80x128xi32, #tpu.memory_space<hbm>>
      tpu.wait_dma2 semaphore(%run_scoped3A : memref<!tpu.dma_semaphore, #tpu.memory_space<semaphore_mem>>) src(%dma_wait3A_103 : memref<80x128xi32, #tpu.memory_space<hbm>>) dst(%arg8 : memref<80x128xi32, #tpu.memory_space<vmem>>)
      tpu.yield
    }) : () -> ()
    %dma_wait3A = arith.constant 0 : i32
    %dma_wait3A_66 = tpu.memref_slice %arg10[%mul3A_0, %dma_wait3A] : memref<10240x64xf32, #tpu.memory_space<vmem_shared>> -> memref<640x64xf32, #tpu.memory_space<vmem_shared>>
    %dma_wait3A_67 = arith.constant 0 : i32
    %dma_wait3A_68 = tpu.memref_slice %arg5[%mul3A_0, %dma_wait3A_67] : memref<10240x64xf32, #tpu.memory_space<hbm>> -> memref<640x64xf32, #tpu.memory_space<hbm>>
    tpu.wait_dma2 semaphore(%arg12 : memref<!tpu.dma_semaphore, #tpu.memory_space<semaphore_mem>>) src(%dma_wait3A_68 : memref<640x64xf32, #tpu.memory_space<hbm>>) dst(%dma_wait3A_66 : memref<640x64xf32, #tpu.memory_space<vmem_shared>>)
    %barrier3A = arith.constant 0 : index
    tpu.barrier barrier_id(%barrier3A)
    %scan3A = arith.constant 0 : i32
    %scan3A_69 = arith.constant 0 : i32
    %scan3A_70 = arith.constant 80 : i32
    %scan3A_71 = arith.addi %scan3A_69, %scan3A_70 : i32
    %scan3A_72 = arith.constant 1 : i32
    scf.for %scan3A_88 = %scan3A_69 to %scan3A_71 step %scan3A_72  : i32 {
      %rem3A_89 = arith.constant 6 : i32
      %rem3A_90 = arith.remsi %scan3A_88, %rem3A_89 : i32
      %dma_wait3A_91 = arith.constant 0 : i32
      %dma_wait3A_92 = arith.constant 0 : i32
      %dma_wait3A_93 = tpu.memref_slice %arg9[%rem3A_90, %dma_wait3A_91, %dma_wait3A_92] : memref<6x128x64xf32, #tpu.memory_space<vmem>> -> memref<1x128x64xf32, #tpu.memory_space<vmem>>
      %dma_wait3A_94 = tpu.memref_squeeze %dma_wait3A_93 : memref<1x128x64xf32, #tpu.memory_space<vmem>> -> memref<128x64xf32, #tpu.memory_space<vmem>>
      %dma_wait3A_95 = arith.constant 0 : i32
      %dma_wait3A_96 = tpu.memref_slice %arg7[%scan3A_88, %dma_wait3A_95] : memref<80x128xi32, #tpu.memory_space<vmem>> -> memref<1x128xi32, #tpu.memory_space<vmem>>
      %dma_wait3A_97 = tpu.memref_squeeze %dma_wait3A_96 : memref<1x128xi32, #tpu.memory_space<vmem>> -> memref<128xi32, #tpu.memory_space<vmem>>
      %dma_wait3A_98 = arith.constant 0 : i32
      %dma_wait3A_99 = arith.constant 0 : i32
      %dma_wait3A_100 = tpu.memref_slice %arg2[%dma_wait3A_98, %dma_wait3A_99] : memref<10240x64xf32, #tpu.memory_space<hbm>> -> memref<10240x64xf32, #tpu.memory_space<hbm>>
      tpu.wait_indirect_dma semaphore(%arg11 : memref<!tpu.dma_semaphore, #tpu.memory_space<semaphore_mem>>) src(%dma_wait3A_100 : memref<10240x64xf32, #tpu.memory_space<hbm>>) dst(%dma_wait3A_94 : memref<128x64xf32, #tpu.memory_space<vmem>>)
      %dma_start3A_101 = arith.constant 0 : i32
      %dma_start3A_102 = arith.constant 0 : i32
      %dma_start3A_103 = tpu.memref_slice %arg9[%rem3A_90, %dma_start3A_101, %dma_start3A_102] : memref<6x128x64xf32, #tpu.memory_space<vmem>> -> memref<1x128x64xf32, #tpu.memory_space<vmem>>
      %dma_start3A_104 = tpu.memref_squeeze %dma_start3A_103 : memref<1x128x64xf32, #tpu.memory_space<vmem>> -> memref<128x64xf32, #tpu.memory_space<vmem>>
      %dma_start3A_105 = arith.constant 0 : i32
      %dma_start3A_106 = tpu.memref_slice %arg8[%scan3A_88, %dma_start3A_105] : memref<80x128xi32, #tpu.memory_space<vmem>> -> memref<1x128xi32, #tpu.memory_space<vmem>>
      %dma_start3A_107 = tpu.memref_squeeze %dma_start3A_106 : memref<1x128xi32, #tpu.memory_space<vmem>> -> memref<128xi32, #tpu.memory_space<vmem>>
      %dma_start3A_108 = arith.constant 0 : i32
      %dma_start3A_109 = arith.constant 0 : i32
      %dma_start3A_110 = tpu.memref_slice %arg10[%dma_start3A_108, %dma_start3A_109] : memref<10240x64xf32, #tpu.memory_space<vmem_shared>> -> memref<10240x64xf32, #tpu.memory_space<vmem_shared>>
      tpu.enqueue_indirect_dma source(%dma_start3A_104 : memref<128x64xf32, #tpu.memory_space<vmem>>) target(%dma_start3A_110 : memref<10240x64xf32, #tpu.memory_space<vmem_shared>>) offsets(%dma_start3A_107 : memref<128xi32, #tpu.memory_space<vmem>>) semaphore(%arg12 : memref<!tpu.dma_semaphore, #tpu.memory_space<semaphore_mem>>) {add = true}
      %ge3A = arith.constant 1 : i32
      %ge3A_111 = arith.cmpi sge, %scan3A_88, %ge3A : i32
      %convert_element_type3A_112 = arith.extui %ge3A_111 : i1 to i32
      %cond3A_113 = arith.constant 0 : i32
      %cond3A_114 = arith.cmpi ne, %convert_element_type3A_112, %cond3A_113 : i32
      scf.if %cond3A_114 {
        %sub3A_121 = arith.constant 1 : i32
        %sub3A_122 = arith.subi %scan3A_88, %sub3A_121 : i32
        %rem3A_123 = arith.constant 6 : i32
        %rem3A_124 = arith.remsi %sub3A_122, %rem3A_123 : i32
        %sub3A_125 = arith.constant 1 : i32
        %sub3A_126 = arith.subi %scan3A_88, %sub3A_125 : i32
        %dma_wait3A_127 = arith.constant 0 : i32
        %dma_wait3A_128 = arith.constant 0 : i32
        %dma_wait3A_129 = tpu.memref_slice %arg9[%rem3A_124, %dma_wait3A_127, %dma_wait3A_128] : memref<6x128x64xf32, #tpu.memory_space<vmem>> -> memref<1x128x64xf32, #tpu.memory_space<vmem>>
        %dma_wait3A_130 = tpu.memref_squeeze %dma_wait3A_129 : memref<1x128x64xf32, #tpu.memory_space<vmem>> -> memref<128x64xf32, #tpu.memory_space<vmem>>
        %dma_wait3A_131 = arith.constant 0 : i32
        %dma_wait3A_132 = tpu.memref_slice %arg8[%sub3A_126, %dma_wait3A_131] : memref<80x128xi32, #tpu.memory_space<vmem>> -> memref<1x128xi32, #tpu.memory_space<vmem>>
        %dma_wait3A_133 = tpu.memref_squeeze %dma_wait3A_132 : memref<1x128xi32, #tpu.memory_space<vmem>> -> memref<128xi32, #tpu.memory_space<vmem>>
        %dma_wait3A_134 = arith.constant 0 : i32
        %dma_wait3A_135 = arith.constant 0 : i32
        %dma_wait3A_136 = tpu.memref_slice %arg10[%dma_wait3A_134, %dma_wait3A_135] : memref<10240x64xf32, #tpu.memory_space<vmem_shared>> -> memref<10240x64xf32, #tpu.memory_space<vmem_shared>>
        tpu.wait_indirect_dma semaphore(%arg12 : memref<!tpu.dma_semaphore, #tpu.memory_space<semaphore_mem>>) src(%dma_wait3A_130 : memref<128x64xf32, #tpu.memory_space<vmem>>) dst(%dma_wait3A_136 : memref<10240x64xf32, #tpu.memory_space<vmem_shared>>)
      } else {
      }
      %add3A = arith.constant 6 : i32
      %add3A_115 = arith.addi %scan3A_88, %add3A : i32
      %sub3A = arith.constant 1 : i32
      %sub3A_116 = arith.subi %add3A_115, %sub3A : i32
      %lt3A = arith.constant 80 : i32
      %lt3A_117 = arith.cmpi slt, %sub3A_116, %lt3A : i32
      %convert_element_type3A_118 = arith.extui %lt3A_117 : i1 to i32
      %cond3A_119 = arith.constant 0 : i32
      %cond3A_120 = arith.cmpi ne, %convert_element_type3A_118, %cond3A_119 : i32
      scf.if %cond3A_120 {
        %add3A_121 = arith.constant 6 : i32
        %add3A_122 = arith.addi %scan3A_88, %add3A_121 : i32
        %sub3A_123 = arith.constant 1 : i32
        %sub3A_124 = arith.subi %add3A_122, %sub3A_123 : i32
        %rem3A_125 = arith.constant 6 : i32
        %rem3A_126 = arith.remsi %sub3A_124, %rem3A_125 : i32
        %add3A_127 = arith.constant 6 : i32
        %add3A_128 = arith.addi %scan3A_88, %add3A_127 : i32
        %sub3A_129 = arith.constant 1 : i32
        %sub3A_130 = arith.subi %add3A_128, %sub3A_129 : i32
        %dma_start3A_131 = arith.constant 0 : i32
        %dma_start3A_132 = arith.constant 0 : i32
        %dma_start3A_133 = tpu.memref_slice %arg9[%rem3A_126, %dma_start3A_131, %dma_start3A_132] : memref<6x128x64xf32, #tpu.memory_space<vmem>> -> memref<1x128x64xf32, #tpu.memory_space<vmem>>
        %dma_start3A_134 = tpu.memref_squeeze %dma_start3A_133 : memref<1x128x64xf32, #tpu.memory_space<vmem>> -> memref<128x64xf32, #tpu.memory_space<vmem>>
        %dma_start3A_135 = arith.constant 0 : i32
        %dma_start3A_136 = tpu.memref_slice %arg7[%sub3A_130, %dma_start3A_135] : memref<80x128xi32, #tpu.memory_space<vmem>> -> memref<1x128xi32, #tpu.memory_space<vmem>>
        %dma_start3A_137 = tpu.memref_squeeze %dma_start3A_136 : memref<1x128xi32, #tpu.memory_space<vmem>> -> memref<128xi32, #tpu.memory_space<vmem>>
        %dma_start3A_138 = arith.constant 0 : i32
        %dma_start3A_139 = arith.constant 0 : i32
        %dma_start3A_140 = tpu.memref_slice %arg2[%dma_start3A_138, %dma_start3A_139] : memref<10240x64xf32, #tpu.memory_space<hbm>> -> memref<10240x64xf32, #tpu.memory_space<hbm>>
        tpu.enqueue_indirect_dma source(%dma_start3A_140 : memref<10240x64xf32, #tpu.memory_space<hbm>>) target(%dma_start3A_134 : memref<128x64xf32, #tpu.memory_space<vmem>>) offsets(%dma_start3A_137 : memref<128xi32, #tpu.memory_space<vmem>>) semaphore(%arg11 : memref<!tpu.dma_semaphore, #tpu.memory_space<semaphore_mem>>)
      } else {
      }
    }
    %scan3A_73 = arith.constant 80 : i32
    %rem3A = arith.constant 79 : i32
    %rem3A_74 = arith.constant 6 : i32
    %rem3A_75 = arith.remsi %rem3A, %rem3A_74 : i32
    %dma_wait3A_76 = arith.constant 79 : i32
    %dma_wait3A_77 = arith.constant 0 : i32
    %dma_wait3A_78 = arith.constant 0 : i32
    %dma_wait3A_79 = tpu.memref_slice %arg9[%rem3A_75, %dma_wait3A_77, %dma_wait3A_78] : memref<6x128x64xf32, #tpu.memory_space<vmem>> -> memref<1x128x64xf32, #tpu.memory_space<vmem>>
    %dma_wait3A_80 = tpu.memref_squeeze %dma_wait3A_79 : memref<1x128x64xf32, #tpu.memory_space<vmem>> -> memref<128x64xf32, #tpu.memory_space<vmem>>
    %dma_wait3A_81 = arith.constant 0 : i32
    %dma_wait3A_82 = tpu.memref_slice %arg8[%dma_wait3A_76, %dma_wait3A_81] : memref<80x128xi32, #tpu.memory_space<vmem>> -> memref<1x128xi32, #tpu.memory_space<vmem>>
    %dma_wait3A_83 = tpu.memref_squeeze %dma_wait3A_82 : memref<1x128xi32, #tpu.memory_space<vmem>> -> memref<128xi32, #tpu.memory_space<vmem>>
    %dma_wait3A_84 = arith.constant 0 : i32
    %dma_wait3A_85 = arith.constant 0 : i32
    %dma_wait3A_86 = tpu.memref_slice %arg10[%dma_wait3A_84, %dma_wait3A_85] : memref<10240x64xf32, #tpu.memory_space<vmem_shared>> -> memref<10240x64xf32, #tpu.memory_space<vmem_shared>>
    tpu.wait_indirect_dma semaphore(%arg12 : memref<!tpu.dma_semaphore, #tpu.memory_space<semaphore_mem>>) src(%dma_wait3A_80 : memref<128x64xf32, #tpu.memory_space<vmem>>) dst(%dma_wait3A_86 : memref<10240x64xf32, #tpu.memory_space<vmem_shared>>)
    %barrier3A_87 = arith.constant 0 : index
    tpu.barrier barrier_id(%barrier3A_87)
    "tpu.region"() ({
      %run_scoped3A = tpu.sem_alloc : memref<!tpu.dma_semaphore, #tpu.memory_space<semaphore_mem>>
      %dma_start3A_88 = arith.constant 0 : i32
      %dma_start3A_89 = arith.constant 0 : i32
      %dma_start3A_90 = tpu.memref_slice %arg6[%arg0, %dma_start3A_88, %dma_start3A_89] : memref<2x10240x64xf32, #tpu.memory_space<hbm>> -> memref<1x10240x64xf32, #tpu.memory_space<hbm>>
      %dma_start3A_91 = tpu.memref_squeeze %dma_start3A_90 : memref<1x10240x64xf32, #tpu.memory_space<hbm>> -> memref<10240x64xf32, #tpu.memory_space<hbm>>
      %dma_start3A_92 = arith.constant 0 : i32
      %dma_start3A_93 = tpu.memref_slice %dma_start3A_91[%mul3A_0, %dma_start3A_92] : memref<10240x64xf32, #tpu.memory_space<hbm>> -> memref<640x64xf32, #tpu.memory_space<hbm>>
      %dma_start3A_94 = arith.constant 0 : i32
      %dma_start3A_95 = tpu.memref_slice %arg10[%mul3A_0, %dma_start3A_94] : memref<10240x64xf32, #tpu.memory_space<vmem_shared>> -> memref<640x64xf32, #tpu.memory_space<vmem_shared>>
      tpu.enqueue_dma source(%dma_start3A_95 : memref<640x64xf32, #tpu.memory_space<vmem_shared>>) target(%dma_start3A_93 : memref<640x64xf32, #tpu.memory_space<hbm>>) target_semaphore(%run_scoped3A : memref<!tpu.dma_semaphore, #tpu.memory_space<semaphore_mem>>)
      %dma_wait3A_96 = arith.constant 0 : i32
      %dma_wait3A_97 = arith.constant 0 : i32
      %dma_wait3A_98 = tpu.memref_slice %arg6[%arg0, %dma_wait3A_96, %dma_wait3A_97] : memref<2x10240x64xf32, #tpu.memory_space<hbm>> -> memref<1x10240x64xf32, #tpu.memory_space<hbm>>
      %dma_wait3A_99 = tpu.memref_squeeze %dma_wait3A_98 : memref<1x10240x64xf32, #tpu.memory_space<hbm>> -> memref<10240x64xf32, #tpu.memory_space<hbm>>
      %dma_wait3A_100 = arith.constant 0 : i32
      %dma_wait3A_101 = tpu.memref_slice %dma_wait3A_99[%mul3A_0, %dma_wait3A_100] : memref<10240x64xf32, #tpu.memory_space<hbm>> -> memref<640x64xf32, #tpu.memory_space<hbm>>
      %dma_wait3A_102 = arith.constant 0 : i32
      %dma_wait3A_103 = tpu.memref_slice %arg10[%mul3A_0, %dma_wait3A_102] : memref<10240x64xf32, #tpu.memory_space<vmem_shared>> -> memref<640x64xf32, #tpu.memory_space<vmem_shared>>
      tpu.wait_dma2 semaphore(%run_scoped3A : memref<!tpu.dma_semaphore, #tpu.memory_space<semaphore_mem>>) src(%dma_wait3A_103 : memref<640x64xf32, #tpu.memory_space<vmem_shared>>) dst(%dma_wait3A_101 : memref<640x64xf32, #tpu.memory_space<hbm>>)
      tpu.yield
    }) : () -> ()
    return
  }
}

#map = affine_map<(d0, d1) -> (0, 0)>
#map1 = affine_map<(d0, d1) -> (0, 0, 0, 0)>
#map2 = affine_map<(d0, d1) -> (0, 0, 0)>
module attributes {stable_mosaic.version = 14 : i64} {
  func.func @_edge_pass(%arg0: i32, %arg1: i32, %arg2: memref<10240x64xf32, #tpu.memory_space<hbm>>, %arg3: memref<2x16x80x128xi32, #tpu.memory_space<hbm>>, %arg4: memref<2x16x80x128xi32, #tpu.memory_space<hbm>>, %arg5: memref<10240x64xf32, #tpu.memory_space<hbm>>, %arg6: memref<2x10240x64xf32, #tpu.memory_space<hbm>>, %arg7: memref<80x128xi32, #tpu.memory_space<vmem>>, %arg8: memref<80x128xi32, #tpu.memory_space<vmem>>, %arg9: memref<6x128x64xf32, #tpu.memory_space<vmem>>, %arg10: memref<10240x64xf32, #tpu.memory_space<vmem_shared>>, %arg11: memref<!tpu.dma_semaphore, #tpu.memory_space<semaphore_mem>>, %arg12: memref<!tpu.dma_semaphore, #tpu.memory_space<semaphore_mem>>) attributes {dimension_semantics = [#tpu.dimension_semantics<core_parallel>, #tpu.dimension_semantics<subcore_parallel>], iteration_bounds = array<i64: 2, 16>, scalar_prefetch = 0 : i64, scratch_operands = 6 : i64, tpu.core_type = #tpu.core_type<sc_vector_subcore>, window_params = [{transform_indices = #map}, {transform_indices = #map1}, {transform_indices = #map1}, {transform_indices = #map}, {transform_indices = #map2}]} {
    %mul3A = arith.constant 640 : i32
    %mul3A_0 = arith.muli %arg1, %mul3A : i32
    %eq3A = arith.constant 0 : i32
    %eq3A_1 = arith.cmpi eq, %arg0, %eq3A : i32
    %convert_element_type3A = arith.extui %eq3A_1 : i1 to i32
    %cond3A = arith.constant 0 : i32
    %cond3A_2 = arith.cmpi ne, %convert_element_type3A, %cond3A : i32
    scf.if %cond3A_2 {
      %dma_start3A_88 = arith.constant 0 : i32
      %dma_start3A_89 = tpu.memref_slice %arg10[%mul3A_0, %dma_start3A_88] : memref<10240x64xf32, #tpu.memory_space<vmem_shared>> -> memref<640x64xf32, #tpu.memory_space<vmem_shared>>
      %dma_start3A_90 = arith.constant 0 : i32
      %dma_start3A_91 = tpu.memref_slice %arg2[%mul3A_0, %dma_start3A_90] : memref<10240x64xf32, #tpu.memory_space<hbm>> -> memref<640x64xf32, #tpu.memory_space<hbm>>
      tpu.enqueue_dma source(%dma_start3A_91 : memref<640x64xf32, #tpu.memory_space<hbm>>) target(%dma_start3A_89 : memref<640x64xf32, #tpu.memory_space<vmem_shared>>) target_semaphore(%arg12 : memref<!tpu.dma_semaphore, #tpu.memory_space<semaphore_mem>>)
    } else {
    }
    %ne3A = arith.constant 0 : i32
    %ne3A_3 = arith.cmpi ne, %arg0, %ne3A : i32
    %convert_element_type3A_4 = arith.extui %ne3A_3 : i1 to i32
    %cond3A_5 = arith.constant 0 : i32
    %cond3A_6 = arith.cmpi ne, %convert_element_type3A_4, %cond3A_5 : i32
    scf.if %cond3A_6 {
      %dma_start3A_88 = arith.constant 0 : i32
      %dma_start3A_89 = tpu.memref_slice %arg10[%mul3A_0, %dma_start3A_88] : memref<10240x64xf32, #tpu.memory_space<vmem_shared>> -> memref<640x64xf32, #tpu.memory_space<vmem_shared>>
      %dma_start3A_90 = arith.constant 0 : i32
      %dma_start3A_91 = tpu.memref_slice %arg5[%mul3A_0, %dma_start3A_90] : memref<10240x64xf32, #tpu.memory_space<hbm>> -> memref<640x64xf32, #tpu.memory_space<hbm>>
      tpu.enqueue_dma source(%dma_start3A_91 : memref<640x64xf32, #tpu.memory_space<hbm>>) target(%dma_start3A_89 : memref<640x64xf32, #tpu.memory_space<vmem_shared>>) target_semaphore(%arg12 : memref<!tpu.dma_semaphore, #tpu.memory_space<semaphore_mem>>)
    } else {
    }
    "tpu.region"() ({
      %run_scoped3A = tpu.sem_alloc : memref<!tpu.dma_semaphore, #tpu.memory_space<semaphore_mem>>
      %dma_start3A_88 = arith.constant 0 : i32
      %dma_start3A_89 = arith.constant 0 : i32
      %dma_start3A_90 = tpu.memref_slice %arg3[%arg0, %arg1, %dma_start3A_88, %dma_start3A_89] : memref<2x16x80x128xi32, #tpu.memory_space<hbm>> -> memref<1x1x80x128xi32, #tpu.memory_space<hbm>>
      %dma_start3A_91 = tpu.memref_squeeze %dma_start3A_90 : memref<1x1x80x128xi32, #tpu.memory_space<hbm>> -> memref<80x128xi32, #tpu.memory_space<hbm>>
      %dma_start3A_92 = arith.constant 0 : i32
      %dma_start3A_93 = arith.constant 0 : i32
      %dma_start3A_94 = tpu.memref_slice %arg3[%arg0, %arg1, %dma_start3A_92, %dma_start3A_93] : memref<2x16x80x128xi32, #tpu.memory_space<hbm>> -> memref<1x1x80x128xi32, #tpu.memory_space<hbm>>
      %dma_start3A_95 = tpu.memref_squeeze %dma_start3A_94 : memref<1x1x80x128xi32, #tpu.memory_space<hbm>> -> memref<80x128xi32, #tpu.memory_space<hbm>>
      tpu.enqueue_dma source(%dma_start3A_95 : memref<80x128xi32, #tpu.memory_space<hbm>>) target(%arg7 : memref<80x128xi32, #tpu.memory_space<vmem>>) target_semaphore(%run_scoped3A : memref<!tpu.dma_semaphore, #tpu.memory_space<semaphore_mem>>)
      %dma_wait3A_96 = arith.constant 0 : i32
      %dma_wait3A_97 = arith.constant 0 : i32
      %dma_wait3A_98 = tpu.memref_slice %arg3[%arg0, %arg1, %dma_wait3A_96, %dma_wait3A_97] : memref<2x16x80x128xi32, #tpu.memory_space<hbm>> -> memref<1x1x80x128xi32, #tpu.memory_space<hbm>>
      %dma_wait3A_99 = tpu.memref_squeeze %dma_wait3A_98 : memref<1x1x80x128xi32, #tpu.memory_space<hbm>> -> memref<80x128xi32, #tpu.memory_space<hbm>>
      %dma_wait3A_100 = arith.constant 0 : i32
      %dma_wait3A_101 = arith.constant 0 : i32
      %dma_wait3A_102 = tpu.memref_slice %arg3[%arg0, %arg1, %dma_wait3A_100, %dma_wait3A_101] : memref<2x16x80x128xi32, #tpu.memory_space<hbm>> -> memref<1x1x80x128xi32, #tpu.memory_space<hbm>>
      %dma_wait3A_103 = tpu.memref_squeeze %dma_wait3A_102 : memref<1x1x80x128xi32, #tpu.memory_space<hbm>> -> memref<80x128xi32, #tpu.memory_space<hbm>>
      tpu.wait_dma2 semaphore(%run_scoped3A : memref<!tpu.dma_semaphore, #tpu.memory_space<semaphore_mem>>) src(%dma_wait3A_103 : memref<80x128xi32, #tpu.memory_space<hbm>>) dst(%arg7 : memref<80x128xi32, #tpu.memory_space<vmem>>)
      tpu.yield
    }) : () -> ()
    %dma_start3A = arith.constant 0 : i32
    %dma_start3A_7 = arith.constant 0 : i32
    %dma_start3A_8 = arith.constant 0 : i32
    %dma_start3A_9 = arith.constant 0 : i32
    %dma_start3A_10 = tpu.memref_slice %arg9[%dma_start3A_7, %dma_start3A_8, %dma_start3A_9] : memref<6x128x64xf32, #tpu.memory_space<vmem>> -> memref<1x128x64xf32, #tpu.memory_space<vmem>>
    %dma_start3A_11 = tpu.memref_squeeze %dma_start3A_10 : memref<1x128x64xf32, #tpu.memory_space<vmem>> -> memref<128x64xf32, #tpu.memory_space<vmem>>
    %dma_start3A_12 = arith.constant 0 : i32
    %dma_start3A_13 = tpu.memref_slice %arg7[%dma_start3A, %dma_start3A_12] : memref<80x128xi32, #tpu.memory_space<vmem>> -> memref<1x128xi32, #tpu.memory_space<vmem>>
    %dma_start3A_14 = tpu.memref_squeeze %dma_start3A_13 : memref<1x128xi32, #tpu.memory_space<vmem>> -> memref<128xi32, #tpu.memory_space<vmem>>
    %dma_start3A_15 = arith.constant 0 : i32
    %dma_start3A_16 = arith.constant 0 : i32
    %dma_start3A_17 = tpu.memref_slice %arg2[%dma_start3A_15, %dma_start3A_16] : memref<10240x64xf32, #tpu.memory_space<hbm>> -> memref<10240x64xf32, #tpu.memory_space<hbm>>
    tpu.enqueue_indirect_dma source(%dma_start3A_17 : memref<10240x64xf32, #tpu.memory_space<hbm>>) target(%dma_start3A_11 : memref<128x64xf32, #tpu.memory_space<vmem>>) offsets(%dma_start3A_14 : memref<128xi32, #tpu.memory_space<vmem>>) semaphore(%arg11 : memref<!tpu.dma_semaphore, #tpu.memory_space<semaphore_mem>>)
    %dma_start3A_18 = arith.constant 1 : i32
    %dma_start3A_19 = arith.constant 1 : i32
    %dma_start3A_20 = arith.constant 0 : i32
    %dma_start3A_21 = arith.constant 0 : i32
    %dma_start3A_22 = tpu.memref_slice %arg9[%dma_start3A_19, %dma_start3A_20, %dma_start3A_21] : memref<6x128x64xf32, #tpu.memory_space<vmem>> -> memref<1x128x64xf32, #tpu.memory_space<vmem>>
    %dma_start3A_23 = tpu.memref_squeeze %dma_start3A_22 : memref<1x128x64xf32, #tpu.memory_space<vmem>> -> memref<128x64xf32, #tpu.memory_space<vmem>>
    %dma_start3A_24 = arith.constant 0 : i32
    %dma_start3A_25 = tpu.memref_slice %arg7[%dma_start3A_18, %dma_start3A_24] : memref<80x128xi32, #tpu.memory_space<vmem>> -> memref<1x128xi32, #tpu.memory_space<vmem>>
    %dma_start3A_26 = tpu.memref_squeeze %dma_start3A_25 : memref<1x128xi32, #tpu.memory_space<vmem>> -> memref<128xi32, #tpu.memory_space<vmem>>
    %dma_start3A_27 = arith.constant 0 : i32
    %dma_start3A_28 = arith.constant 0 : i32
    %dma_start3A_29 = tpu.memref_slice %arg2[%dma_start3A_27, %dma_start3A_28] : memref<10240x64xf32, #tpu.memory_space<hbm>> -> memref<10240x64xf32, #tpu.memory_space<hbm>>
    tpu.enqueue_indirect_dma source(%dma_start3A_29 : memref<10240x64xf32, #tpu.memory_space<hbm>>) target(%dma_start3A_23 : memref<128x64xf32, #tpu.memory_space<vmem>>) offsets(%dma_start3A_26 : memref<128xi32, #tpu.memory_space<vmem>>) semaphore(%arg11 : memref<!tpu.dma_semaphore, #tpu.memory_space<semaphore_mem>>)
    %dma_start3A_30 = arith.constant 2 : i32
    %dma_start3A_31 = arith.constant 2 : i32
    %dma_start3A_32 = arith.constant 0 : i32
    %dma_start3A_33 = arith.constant 0 : i32
    %dma_start3A_34 = tpu.memref_slice %arg9[%dma_start3A_31, %dma_start3A_32, %dma_start3A_33] : memref<6x128x64xf32, #tpu.memory_space<vmem>> -> memref<1x128x64xf32, #tpu.memory_space<vmem>>
    %dma_start3A_35 = tpu.memref_squeeze %dma_start3A_34 : memref<1x128x64xf32, #tpu.memory_space<vmem>> -> memref<128x64xf32, #tpu.memory_space<vmem>>
    %dma_start3A_36 = arith.constant 0 : i32
    %dma_start3A_37 = tpu.memref_slice %arg7[%dma_start3A_30, %dma_start3A_36] : memref<80x128xi32, #tpu.memory_space<vmem>> -> memref<1x128xi32, #tpu.memory_space<vmem>>
    %dma_start3A_38 = tpu.memref_squeeze %dma_start3A_37 : memref<1x128xi32, #tpu.memory_space<vmem>> -> memref<128xi32, #tpu.memory_space<vmem>>
    %dma_start3A_39 = arith.constant 0 : i32
    %dma_start3A_40 = arith.constant 0 : i32
    %dma_start3A_41 = tpu.memref_slice %arg2[%dma_start3A_39, %dma_start3A_40] : memref<10240x64xf32, #tpu.memory_space<hbm>> -> memref<10240x64xf32, #tpu.memory_space<hbm>>
    tpu.enqueue_indirect_dma source(%dma_start3A_41 : memref<10240x64xf32, #tpu.memory_space<hbm>>) target(%dma_start3A_35 : memref<128x64xf32, #tpu.memory_space<vmem>>) offsets(%dma_start3A_38 : memref<128xi32, #tpu.memory_space<vmem>>) semaphore(%arg11 : memref<!tpu.dma_semaphore, #tpu.memory_space<semaphore_mem>>)
    %dma_start3A_42 = arith.constant 3 : i32
    %dma_start3A_43 = arith.constant 3 : i32
    %dma_start3A_44 = arith.constant 0 : i32
    %dma_start3A_45 = arith.constant 0 : i32
    %dma_start3A_46 = tpu.memref_slice %arg9[%dma_start3A_43, %dma_start3A_44, %dma_start3A_45] : memref<6x128x64xf32, #tpu.memory_space<vmem>> -> memref<1x128x64xf32, #tpu.memory_space<vmem>>
    %dma_start3A_47 = tpu.memref_squeeze %dma_start3A_46 : memref<1x128x64xf32, #tpu.memory_space<vmem>> -> memref<128x64xf32, #tpu.memory_space<vmem>>
    %dma_start3A_48 = arith.constant 0 : i32
    %dma_start3A_49 = tpu.memref_slice %arg7[%dma_start3A_42, %dma_start3A_48] : memref<80x128xi32, #tpu.memory_space<vmem>> -> memref<1x128xi32, #tpu.memory_space<vmem>>
    %dma_start3A_50 = tpu.memref_squeeze %dma_start3A_49 : memref<1x128xi32, #tpu.memory_space<vmem>> -> memref<128xi32, #tpu.memory_space<vmem>>
    %dma_start3A_51 = arith.constant 0 : i32
    %dma_start3A_52 = arith.constant 0 : i32
    %dma_start3A_53 = tpu.memref_slice %arg2[%dma_start3A_51, %dma_start3A_52] : memref<10240x64xf32, #tpu.memory_space<hbm>> -> memref<10240x64xf32, #tpu.memory_space<hbm>>
    tpu.enqueue_indirect_dma source(%dma_start3A_53 : memref<10240x64xf32, #tpu.memory_space<hbm>>) target(%dma_start3A_47 : memref<128x64xf32, #tpu.memory_space<vmem>>) offsets(%dma_start3A_50 : memref<128xi32, #tpu.memory_space<vmem>>) semaphore(%arg11 : memref<!tpu.dma_semaphore, #tpu.memory_space<semaphore_mem>>)
    %dma_start3A_54 = arith.constant 4 : i32
    %dma_start3A_55 = arith.constant 4 : i32
    %dma_start3A_56 = arith.constant 0 : i32
    %dma_start3A_57 = arith.constant 0 : i32
    %dma_start3A_58 = tpu.memref_slice %arg9[%dma_start3A_55, %dma_start3A_56, %dma_start3A_57] : memref<6x128x64xf32, #tpu.memory_space<vmem>> -> memref<1x128x64xf32, #tpu.memory_space<vmem>>
    %dma_start3A_59 = tpu.memref_squeeze %dma_start3A_58 : memref<1x128x64xf32, #tpu.memory_space<vmem>> -> memref<128x64xf32, #tpu.memory_space<vmem>>
    %dma_start3A_60 = arith.constant 0 : i32
    %dma_start3A_61 = tpu.memref_slice %arg7[%dma_start3A_54, %dma_start3A_60] : memref<80x128xi32, #tpu.memory_space<vmem>> -> memref<1x128xi32, #tpu.memory_space<vmem>>
    %dma_start3A_62 = tpu.memref_squeeze %dma_start3A_61 : memref<1x128xi32, #tpu.memory_space<vmem>> -> memref<128xi32, #tpu.memory_space<vmem>>
    %dma_start3A_63 = arith.constant 0 : i32
    %dma_start3A_64 = arith.constant 0 : i32
    %dma_start3A_65 = tpu.memref_slice %arg2[%dma_start3A_63, %dma_start3A_64] : memref<10240x64xf32, #tpu.memory_space<hbm>> -> memref<10240x64xf32, #tpu.memory_space<hbm>>
    tpu.enqueue_indirect_dma source(%dma_start3A_65 : memref<10240x64xf32, #tpu.memory_space<hbm>>) target(%dma_start3A_59 : memref<128x64xf32, #tpu.memory_space<vmem>>) offsets(%dma_start3A_62 : memref<128xi32, #tpu.memory_space<vmem>>) semaphore(%arg11 : memref<!tpu.dma_semaphore, #tpu.memory_space<semaphore_mem>>)
    "tpu.region"() ({
      %run_scoped3A = tpu.sem_alloc : memref<!tpu.dma_semaphore, #tpu.memory_space<semaphore_mem>>
      %dma_start3A_88 = arith.constant 0 : i32
      %dma_start3A_89 = arith.constant 0 : i32
      %dma_start3A_90 = tpu.memref_slice %arg4[%arg0, %arg1, %dma_start3A_88, %dma_start3A_89] : memref<2x16x80x128xi32, #tpu.memory_space<hbm>> -> memref<1x1x80x128xi32, #tpu.memory_space<hbm>>
      %dma_start3A_91 = tpu.memref_squeeze %dma_start3A_90 : memref<1x1x80x128xi32, #tpu.memory_space<hbm>> -> memref<80x128xi32, #tpu.memory_space<hbm>>
      %dma_start3A_92 = arith.constant 0 : i32
      %dma_start3A_93 = arith.constant 0 : i32
      %dma_start3A_94 = tpu.memref_slice %arg4[%arg0, %arg1, %dma_start3A_92, %dma_start3A_93] : memref<2x16x80x128xi32, #tpu.memory_space<hbm>> -> memref<1x1x80x128xi32, #tpu.memory_space<hbm>>
      %dma_start3A_95 = tpu.memref_squeeze %dma_start3A_94 : memref<1x1x80x128xi32, #tpu.memory_space<hbm>> -> memref<80x128xi32, #tpu.memory_space<hbm>>
      tpu.enqueue_dma source(%dma_start3A_95 : memref<80x128xi32, #tpu.memory_space<hbm>>) target(%arg8 : memref<80x128xi32, #tpu.memory_space<vmem>>) target_semaphore(%run_scoped3A : memref<!tpu.dma_semaphore, #tpu.memory_space<semaphore_mem>>)
      %dma_wait3A_96 = arith.constant 0 : i32
      %dma_wait3A_97 = arith.constant 0 : i32
      %dma_wait3A_98 = tpu.memref_slice %arg4[%arg0, %arg1, %dma_wait3A_96, %dma_wait3A_97] : memref<2x16x80x128xi32, #tpu.memory_space<hbm>> -> memref<1x1x80x128xi32, #tpu.memory_space<hbm>>
      %dma_wait3A_99 = tpu.memref_squeeze %dma_wait3A_98 : memref<1x1x80x128xi32, #tpu.memory_space<hbm>> -> memref<80x128xi32, #tpu.memory_space<hbm>>
      %dma_wait3A_100 = arith.constant 0 : i32
      %dma_wait3A_101 = arith.constant 0 : i32
      %dma_wait3A_102 = tpu.memref_slice %arg4[%arg0, %arg1, %dma_wait3A_100, %dma_wait3A_101] : memref<2x16x80x128xi32, #tpu.memory_space<hbm>> -> memref<1x1x80x128xi32, #tpu.memory_space<hbm>>
      %dma_wait3A_103 = tpu.memref_squeeze %dma_wait3A_102 : memref<1x1x80x128xi32, #tpu.memory_space<hbm>> -> memref<80x128xi32, #tpu.memory_space<hbm>>
      tpu.wait_dma2 semaphore(%run_scoped3A : memref<!tpu.dma_semaphore, #tpu.memory_space<semaphore_mem>>) src(%dma_wait3A_103 : memref<80x128xi32, #tpu.memory_space<hbm>>) dst(%arg8 : memref<80x128xi32, #tpu.memory_space<vmem>>)
      tpu.yield
    }) : () -> ()
    %dma_wait3A = arith.constant 0 : i32
    %dma_wait3A_66 = tpu.memref_slice %arg10[%mul3A_0, %dma_wait3A] : memref<10240x64xf32, #tpu.memory_space<vmem_shared>> -> memref<640x64xf32, #tpu.memory_space<vmem_shared>>
    %dma_wait3A_67 = arith.constant 0 : i32
    %dma_wait3A_68 = tpu.memref_slice %arg5[%mul3A_0, %dma_wait3A_67] : memref<10240x64xf32, #tpu.memory_space<hbm>> -> memref<640x64xf32, #tpu.memory_space<hbm>>
    tpu.wait_dma2 semaphore(%arg12 : memref<!tpu.dma_semaphore, #tpu.memory_space<semaphore_mem>>) src(%dma_wait3A_68 : memref<640x64xf32, #tpu.memory_space<hbm>>) dst(%dma_wait3A_66 : memref<640x64xf32, #tpu.memory_space<vmem_shared>>)
    %barrier3A = arith.constant 0 : index
    tpu.barrier barrier_id(%barrier3A)
    %scan3A = arith.constant 0 : i32
    %scan3A_69 = arith.constant 0 : i32
    %scan3A_70 = arith.constant 80 : i32
    %scan3A_71 = arith.addi %scan3A_69, %scan3A_70 : i32
    %scan3A_72 = arith.constant 1 : i32
    scf.for %scan3A_88 = %scan3A_69 to %scan3A_71 step %scan3A_72  : i32 {
      %rem3A_89 = arith.constant 6 : i32
      %rem3A_90 = arith.remsi %scan3A_88, %rem3A_89 : i32
      %dma_wait3A_91 = arith.constant 0 : i32
      %dma_wait3A_92 = arith.constant 0 : i32
      %dma_wait3A_93 = tpu.memref_slice %arg9[%rem3A_90, %dma_wait3A_91, %dma_wait3A_92] : memref<6x128x64xf32, #tpu.memory_space<vmem>> -> memref<1x128x64xf32, #tpu.memory_space<vmem>>
      %dma_wait3A_94 = tpu.memref_squeeze %dma_wait3A_93 : memref<1x128x64xf32, #tpu.memory_space<vmem>> -> memref<128x64xf32, #tpu.memory_space<vmem>>
      %dma_wait3A_95 = arith.constant 0 : i32
      %dma_wait3A_96 = tpu.memref_slice %arg7[%scan3A_88, %dma_wait3A_95] : memref<80x128xi32, #tpu.memory_space<vmem>> -> memref<1x128xi32, #tpu.memory_space<vmem>>
      %dma_wait3A_97 = tpu.memref_squeeze %dma_wait3A_96 : memref<1x128xi32, #tpu.memory_space<vmem>> -> memref<128xi32, #tpu.memory_space<vmem>>
      %dma_wait3A_98 = arith.constant 0 : i32
      %dma_wait3A_99 = arith.constant 0 : i32
      %dma_wait3A_100 = tpu.memref_slice %arg2[%dma_wait3A_98, %dma_wait3A_99] : memref<10240x64xf32, #tpu.memory_space<hbm>> -> memref<10240x64xf32, #tpu.memory_space<hbm>>
      tpu.wait_indirect_dma semaphore(%arg11 : memref<!tpu.dma_semaphore, #tpu.memory_space<semaphore_mem>>) src(%dma_wait3A_100 : memref<10240x64xf32, #tpu.memory_space<hbm>>) dst(%dma_wait3A_94 : memref<128x64xf32, #tpu.memory_space<vmem>>)
      %dma_start3A_101 = arith.constant 0 : i32
      %dma_start3A_102 = arith.constant 0 : i32
      %dma_start3A_103 = tpu.memref_slice %arg9[%rem3A_90, %dma_start3A_101, %dma_start3A_102] : memref<6x128x64xf32, #tpu.memory_space<vmem>> -> memref<1x128x64xf32, #tpu.memory_space<vmem>>
      %dma_start3A_104 = tpu.memref_squeeze %dma_start3A_103 : memref<1x128x64xf32, #tpu.memory_space<vmem>> -> memref<128x64xf32, #tpu.memory_space<vmem>>
      %dma_start3A_105 = arith.constant 0 : i32
      %dma_start3A_106 = tpu.memref_slice %arg8[%scan3A_88, %dma_start3A_105] : memref<80x128xi32, #tpu.memory_space<vmem>> -> memref<1x128xi32, #tpu.memory_space<vmem>>
      %dma_start3A_107 = tpu.memref_squeeze %dma_start3A_106 : memref<1x128xi32, #tpu.memory_space<vmem>> -> memref<128xi32, #tpu.memory_space<vmem>>
      %dma_start3A_108 = arith.constant 0 : i32
      %dma_start3A_109 = arith.constant 0 : i32
      %dma_start3A_110 = tpu.memref_slice %arg10[%dma_start3A_108, %dma_start3A_109] : memref<10240x64xf32, #tpu.memory_space<vmem_shared>> -> memref<10240x64xf32, #tpu.memory_space<vmem_shared>>
      tpu.enqueue_indirect_dma source(%dma_start3A_104 : memref<128x64xf32, #tpu.memory_space<vmem>>) target(%dma_start3A_110 : memref<10240x64xf32, #tpu.memory_space<vmem_shared>>) offsets(%dma_start3A_107 : memref<128xi32, #tpu.memory_space<vmem>>) semaphore(%arg12 : memref<!tpu.dma_semaphore, #tpu.memory_space<semaphore_mem>>) {add = true}
      %ge3A = arith.constant 1 : i32
      %ge3A_111 = arith.cmpi sge, %scan3A_88, %ge3A : i32
      %convert_element_type3A_112 = arith.extui %ge3A_111 : i1 to i32
      %cond3A_113 = arith.constant 0 : i32
      %cond3A_114 = arith.cmpi ne, %convert_element_type3A_112, %cond3A_113 : i32
      scf.if %cond3A_114 {
        %sub3A_121 = arith.constant 1 : i32
        %sub3A_122 = arith.subi %scan3A_88, %sub3A_121 : i32
        %rem3A_123 = arith.constant 6 : i32
        %rem3A_124 = arith.remsi %sub3A_122, %rem3A_123 : i32
        %sub3A_125 = arith.constant 1 : i32
        %sub3A_126 = arith.subi %scan3A_88, %sub3A_125 : i32
        %dma_wait3A_127 = arith.constant 0 : i32
        %dma_wait3A_128 = arith.constant 0 : i32
        %dma_wait3A_129 = tpu.memref_slice %arg9[%rem3A_124, %dma_wait3A_127, %dma_wait3A_128] : memref<6x128x64xf32, #tpu.memory_space<vmem>> -> memref<1x128x64xf32, #tpu.memory_space<vmem>>
        %dma_wait3A_130 = tpu.memref_squeeze %dma_wait3A_129 : memref<1x128x64xf32, #tpu.memory_space<vmem>> -> memref<128x64xf32, #tpu.memory_space<vmem>>
        %dma_wait3A_131 = arith.constant 0 : i32
        %dma_wait3A_132 = tpu.memref_slice %arg8[%sub3A_126, %dma_wait3A_131] : memref<80x128xi32, #tpu.memory_space<vmem>> -> memref<1x128xi32, #tpu.memory_space<vmem>>
        %dma_wait3A_133 = tpu.memref_squeeze %dma_wait3A_132 : memref<1x128xi32, #tpu.memory_space<vmem>> -> memref<128xi32, #tpu.memory_space<vmem>>
        %dma_wait3A_134 = arith.constant 0 : i32
        %dma_wait3A_135 = arith.constant 0 : i32
        %dma_wait3A_136 = tpu.memref_slice %arg10[%dma_wait3A_134, %dma_wait3A_135] : memref<10240x64xf32, #tpu.memory_space<vmem_shared>> -> memref<10240x64xf32, #tpu.memory_space<vmem_shared>>
        tpu.wait_indirect_dma semaphore(%arg12 : memref<!tpu.dma_semaphore, #tpu.memory_space<semaphore_mem>>) src(%dma_wait3A_130 : memref<128x64xf32, #tpu.memory_space<vmem>>) dst(%dma_wait3A_136 : memref<10240x64xf32, #tpu.memory_space<vmem_shared>>)
      } else {
      }
      %add3A = arith.constant 6 : i32
      %add3A_115 = arith.addi %scan3A_88, %add3A : i32
      %sub3A = arith.constant 1 : i32
      %sub3A_116 = arith.subi %add3A_115, %sub3A : i32
      %lt3A = arith.constant 80 : i32
      %lt3A_117 = arith.cmpi slt, %sub3A_116, %lt3A : i32
      %convert_element_type3A_118 = arith.extui %lt3A_117 : i1 to i32
      %cond3A_119 = arith.constant 0 : i32
      %cond3A_120 = arith.cmpi ne, %convert_element_type3A_118, %cond3A_119 : i32
      scf.if %cond3A_120 {
        %add3A_121 = arith.constant 6 : i32
        %add3A_122 = arith.addi %scan3A_88, %add3A_121 : i32
        %sub3A_123 = arith.constant 1 : i32
        %sub3A_124 = arith.subi %add3A_122, %sub3A_123 : i32
        %rem3A_125 = arith.constant 6 : i32
        %rem3A_126 = arith.remsi %sub3A_124, %rem3A_125 : i32
        %add3A_127 = arith.constant 6 : i32
        %add3A_128 = arith.addi %scan3A_88, %add3A_127 : i32
        %sub3A_129 = arith.constant 1 : i32
        %sub3A_130 = arith.subi %add3A_128, %sub3A_129 : i32
        %dma_start3A_131 = arith.constant 0 : i32
        %dma_start3A_132 = arith.constant 0 : i32
        %dma_start3A_133 = tpu.memref_slice %arg9[%rem3A_126, %dma_start3A_131, %dma_start3A_132] : memref<6x128x64xf32, #tpu.memory_space<vmem>> -> memref<1x128x64xf32, #tpu.memory_space<vmem>>
        %dma_start3A_134 = tpu.memref_squeeze %dma_start3A_133 : memref<1x128x64xf32, #tpu.memory_space<vmem>> -> memref<128x64xf32, #tpu.memory_space<vmem>>
        %dma_start3A_135 = arith.constant 0 : i32
        %dma_start3A_136 = tpu.memref_slice %arg7[%sub3A_130, %dma_start3A_135] : memref<80x128xi32, #tpu.memory_space<vmem>> -> memref<1x128xi32, #tpu.memory_space<vmem>>
        %dma_start3A_137 = tpu.memref_squeeze %dma_start3A_136 : memref<1x128xi32, #tpu.memory_space<vmem>> -> memref<128xi32, #tpu.memory_space<vmem>>
        %dma_start3A_138 = arith.constant 0 : i32
        %dma_start3A_139 = arith.constant 0 : i32
        %dma_start3A_140 = tpu.memref_slice %arg2[%dma_start3A_138, %dma_start3A_139] : memref<10240x64xf32, #tpu.memory_space<hbm>> -> memref<10240x64xf32, #tpu.memory_space<hbm>>
        tpu.enqueue_indirect_dma source(%dma_start3A_140 : memref<10240x64xf32, #tpu.memory_space<hbm>>) target(%dma_start3A_134 : memref<128x64xf32, #tpu.memory_space<vmem>>) offsets(%dma_start3A_137 : memref<128xi32, #tpu.memory_space<vmem>>) semaphore(%arg11 : memref<!tpu.dma_semaphore, #tpu.memory_space<semaphore_mem>>)
      } else {
      }
    }
    %scan3A_73 = arith.constant 80 : i32
    %rem3A = arith.constant 79 : i32
    %rem3A_74 = arith.constant 6 : i32
    %rem3A_75 = arith.remsi %rem3A, %rem3A_74 : i32
    %dma_wait3A_76 = arith.constant 79 : i32
    %dma_wait3A_77 = arith.constant 0 : i32
    %dma_wait3A_78 = arith.constant 0 : i32
    %dma_wait3A_79 = tpu.memref_slice %arg9[%rem3A_75, %dma_wait3A_77, %dma_wait3A_78] : memref<6x128x64xf32, #tpu.memory_space<vmem>> -> memref<1x128x64xf32, #tpu.memory_space<vmem>>
    %dma_wait3A_80 = tpu.memref_squeeze %dma_wait3A_79 : memref<1x128x64xf32, #tpu.memory_space<vmem>> -> memref<128x64xf32, #tpu.memory_space<vmem>>
    %dma_wait3A_81 = arith.constant 0 : i32
    %dma_wait3A_82 = tpu.memref_slice %arg8[%dma_wait3A_76, %dma_wait3A_81] : memref<80x128xi32, #tpu.memory_space<vmem>> -> memref<1x128xi32, #tpu.memory_space<vmem>>
    %dma_wait3A_83 = tpu.memref_squeeze %dma_wait3A_82 : memref<1x128xi32, #tpu.memory_space<vmem>> -> memref<128xi32, #tpu.memory_space<vmem>>
    %dma_wait3A_84 = arith.constant 0 : i32
    %dma_wait3A_85 = arith.constant 0 : i32
    %dma_wait3A_86 = tpu.memref_slice %arg10[%dma_wait3A_84, %dma_wait3A_85] : memref<10240x64xf32, #tpu.memory_space<vmem_shared>> -> memref<10240x64xf32, #tpu.memory_space<vmem_shared>>
    tpu.wait_indirect_dma semaphore(%arg12 : memref<!tpu.dma_semaphore, #tpu.memory_space<semaphore_mem>>) src(%dma_wait3A_80 : memref<128x64xf32, #tpu.memory_space<vmem>>) dst(%dma_wait3A_86 : memref<10240x64xf32, #tpu.memory_space<vmem_shared>>)
    %barrier3A_87 = arith.constant 0 : index
    tpu.barrier barrier_id(%barrier3A_87)
    "tpu.region"() ({
      %run_scoped3A = tpu.sem_alloc : memref<!tpu.dma_semaphore, #tpu.memory_space<semaphore_mem>>
      %dma_start3A_88 = arith.constant 0 : i32
      %dma_start3A_89 = arith.constant 0 : i32
      %dma_start3A_90 = tpu.memref_slice %arg6[%arg0, %dma_start3A_88, %dma_start3A_89] : memref<2x10240x64xf32, #tpu.memory_space<hbm>> -> memref<1x10240x64xf32, #tpu.memory_space<hbm>>
      %dma_start3A_91 = tpu.memref_squeeze %dma_start3A_90 : memref<1x10240x64xf32, #tpu.memory_space<hbm>> -> memref<10240x64xf32, #tpu.memory_space<hbm>>
      %dma_start3A_92 = arith.constant 0 : i32
      %dma_start3A_93 = tpu.memref_slice %dma_start3A_91[%mul3A_0, %dma_start3A_92] : memref<10240x64xf32, #tpu.memory_space<hbm>> -> memref<640x64xf32, #tpu.memory_space<hbm>>
      %dma_start3A_94 = arith.constant 0 : i32
      %dma_start3A_95 = tpu.memref_slice %arg10[%mul3A_0, %dma_start3A_94] : memref<10240x64xf32, #tpu.memory_space<vmem_shared>> -> memref<640x64xf32, #tpu.memory_space<vmem_shared>>
      tpu.enqueue_dma source(%dma_start3A_95 : memref<640x64xf32, #tpu.memory_space<vmem_shared>>) target(%dma_start3A_93 : memref<640x64xf32, #tpu.memory_space<hbm>>) target_semaphore(%run_scoped3A : memref<!tpu.dma_semaphore, #tpu.memory_space<semaphore_mem>>)
      %dma_wait3A_96 = arith.constant 0 : i32
      %dma_wait3A_97 = arith.constant 0 : i32
      %dma_wait3A_98 = tpu.memref_slice %arg6[%arg0, %dma_wait3A_96, %dma_wait3A_97] : memref<2x10240x64xf32, #tpu.memory_space<hbm>> -> memref<1x10240x64xf32, #tpu.memory_space<hbm>>
      %dma_wait3A_99 = tpu.memref_squeeze %dma_wait3A_98 : memref<1x10240x64xf32, #tpu.memory_space<hbm>> -> memref<10240x64xf32, #tpu.memory_space<hbm>>
      %dma_wait3A_100 = arith.constant 0 : i32
      %dma_wait3A_101 = tpu.memref_slice %dma_wait3A_99[%mul3A_0, %dma_wait3A_100] : memref<10240x64xf32, #tpu.memory_space<hbm>> -> memref<640x64xf32, #tpu.memory_space<hbm>>
      %dma_wait3A_102 = arith.constant 0 : i32
      %dma_wait3A_103 = tpu.memref_slice %arg10[%mul3A_0, %dma_wait3A_102] : memref<10240x64xf32, #tpu.memory_space<vmem_shared>> -> memref<640x64xf32, #tpu.memory_space<vmem_shared>>
      tpu.wait_dma2 semaphore(%run_scoped3A : memref<!tpu.dma_semaphore, #tpu.memory_space<semaphore_mem>>) src(%dma_wait3A_103 : memref<640x64xf32, #tpu.memory_space<vmem_shared>>) dst(%dma_wait3A_101 : memref<640x64xf32, #tpu.memory_space<hbm>>)
      tpu.yield
    }) : () -> ()
    return
  }
}

#map = affine_map<(d0, d1) -> (0, 0)>
#map1 = affine_map<(d0, d1) -> (0, 0, 0, 0)>
#map2 = affine_map<(d0, d1) -> (0, 0, 0)>
module attributes {stable_mosaic.version = 14 : i64} {
  func.func @_edge_pass(%arg0: i32, %arg1: i32, %arg2: memref<10240x64xf32, #tpu.memory_space<hbm>>, %arg3: memref<2x16x80x128xi32, #tpu.memory_space<hbm>>, %arg4: memref<2x16x80x128xi32, #tpu.memory_space<hbm>>, %arg5: memref<10240x64xf32, #tpu.memory_space<hbm>>, %arg6: memref<2x10240x64xf32, #tpu.memory_space<hbm>>, %arg7: memref<80x128xi32, #tpu.memory_space<vmem>>, %arg8: memref<80x128xi32, #tpu.memory_space<vmem>>, %arg9: memref<6x128x64xf32, #tpu.memory_space<vmem>>, %arg10: memref<10240x64xf32, #tpu.memory_space<vmem_shared>>, %arg11: memref<!tpu.dma_semaphore, #tpu.memory_space<semaphore_mem>>, %arg12: memref<!tpu.dma_semaphore, #tpu.memory_space<semaphore_mem>>) attributes {dimension_semantics = [#tpu.dimension_semantics<core_parallel>, #tpu.dimension_semantics<subcore_parallel>], iteration_bounds = array<i64: 2, 16>, scalar_prefetch = 0 : i64, scratch_operands = 6 : i64, tpu.core_type = #tpu.core_type<sc_vector_subcore>, window_params = [{transform_indices = #map}, {transform_indices = #map1}, {transform_indices = #map1}, {transform_indices = #map}, {transform_indices = #map2}]} {
    %mul3A = arith.constant 640 : i32
    %mul3A_0 = arith.muli %arg1, %mul3A : i32
    %eq3A = arith.constant 0 : i32
    %eq3A_1 = arith.cmpi eq, %arg0, %eq3A : i32
    %convert_element_type3A = arith.extui %eq3A_1 : i1 to i32
    %cond3A = arith.constant 0 : i32
    %cond3A_2 = arith.cmpi ne, %convert_element_type3A, %cond3A : i32
    scf.if %cond3A_2 {
      %dma_start3A_88 = arith.constant 0 : i32
      %dma_start3A_89 = tpu.memref_slice %arg10[%mul3A_0, %dma_start3A_88] : memref<10240x64xf32, #tpu.memory_space<vmem_shared>> -> memref<640x64xf32, #tpu.memory_space<vmem_shared>>
      %dma_start3A_90 = arith.constant 0 : i32
      %dma_start3A_91 = tpu.memref_slice %arg2[%mul3A_0, %dma_start3A_90] : memref<10240x64xf32, #tpu.memory_space<hbm>> -> memref<640x64xf32, #tpu.memory_space<hbm>>
      tpu.enqueue_dma source(%dma_start3A_91 : memref<640x64xf32, #tpu.memory_space<hbm>>) target(%dma_start3A_89 : memref<640x64xf32, #tpu.memory_space<vmem_shared>>) target_semaphore(%arg12 : memref<!tpu.dma_semaphore, #tpu.memory_space<semaphore_mem>>)
    } else {
    }
    %ne3A = arith.constant 0 : i32
    %ne3A_3 = arith.cmpi ne, %arg0, %ne3A : i32
    %convert_element_type3A_4 = arith.extui %ne3A_3 : i1 to i32
    %cond3A_5 = arith.constant 0 : i32
    %cond3A_6 = arith.cmpi ne, %convert_element_type3A_4, %cond3A_5 : i32
    scf.if %cond3A_6 {
      %dma_start3A_88 = arith.constant 0 : i32
      %dma_start3A_89 = tpu.memref_slice %arg10[%mul3A_0, %dma_start3A_88] : memref<10240x64xf32, #tpu.memory_space<vmem_shared>> -> memref<640x64xf32, #tpu.memory_space<vmem_shared>>
      %dma_start3A_90 = arith.constant 0 : i32
      %dma_start3A_91 = tpu.memref_slice %arg5[%mul3A_0, %dma_start3A_90] : memref<10240x64xf32, #tpu.memory_space<hbm>> -> memref<640x64xf32, #tpu.memory_space<hbm>>
      tpu.enqueue_dma source(%dma_start3A_91 : memref<640x64xf32, #tpu.memory_space<hbm>>) target(%dma_start3A_89 : memref<640x64xf32, #tpu.memory_space<vmem_shared>>) target_semaphore(%arg12 : memref<!tpu.dma_semaphore, #tpu.memory_space<semaphore_mem>>)
    } else {
    }
    "tpu.region"() ({
      %run_scoped3A = tpu.sem_alloc : memref<!tpu.dma_semaphore, #tpu.memory_space<semaphore_mem>>
      %dma_start3A_88 = arith.constant 0 : i32
      %dma_start3A_89 = arith.constant 0 : i32
      %dma_start3A_90 = tpu.memref_slice %arg3[%arg0, %arg1, %dma_start3A_88, %dma_start3A_89] : memref<2x16x80x128xi32, #tpu.memory_space<hbm>> -> memref<1x1x80x128xi32, #tpu.memory_space<hbm>>
      %dma_start3A_91 = tpu.memref_squeeze %dma_start3A_90 : memref<1x1x80x128xi32, #tpu.memory_space<hbm>> -> memref<80x128xi32, #tpu.memory_space<hbm>>
      %dma_start3A_92 = arith.constant 0 : i32
      %dma_start3A_93 = arith.constant 0 : i32
      %dma_start3A_94 = tpu.memref_slice %arg3[%arg0, %arg1, %dma_start3A_92, %dma_start3A_93] : memref<2x16x80x128xi32, #tpu.memory_space<hbm>> -> memref<1x1x80x128xi32, #tpu.memory_space<hbm>>
      %dma_start3A_95 = tpu.memref_squeeze %dma_start3A_94 : memref<1x1x80x128xi32, #tpu.memory_space<hbm>> -> memref<80x128xi32, #tpu.memory_space<hbm>>
      tpu.enqueue_dma source(%dma_start3A_95 : memref<80x128xi32, #tpu.memory_space<hbm>>) target(%arg7 : memref<80x128xi32, #tpu.memory_space<vmem>>) target_semaphore(%run_scoped3A : memref<!tpu.dma_semaphore, #tpu.memory_space<semaphore_mem>>)
      %dma_wait3A_96 = arith.constant 0 : i32
      %dma_wait3A_97 = arith.constant 0 : i32
      %dma_wait3A_98 = tpu.memref_slice %arg3[%arg0, %arg1, %dma_wait3A_96, %dma_wait3A_97] : memref<2x16x80x128xi32, #tpu.memory_space<hbm>> -> memref<1x1x80x128xi32, #tpu.memory_space<hbm>>
      %dma_wait3A_99 = tpu.memref_squeeze %dma_wait3A_98 : memref<1x1x80x128xi32, #tpu.memory_space<hbm>> -> memref<80x128xi32, #tpu.memory_space<hbm>>
      %dma_wait3A_100 = arith.constant 0 : i32
      %dma_wait3A_101 = arith.constant 0 : i32
      %dma_wait3A_102 = tpu.memref_slice %arg3[%arg0, %arg1, %dma_wait3A_100, %dma_wait3A_101] : memref<2x16x80x128xi32, #tpu.memory_space<hbm>> -> memref<1x1x80x128xi32, #tpu.memory_space<hbm>>
      %dma_wait3A_103 = tpu.memref_squeeze %dma_wait3A_102 : memref<1x1x80x128xi32, #tpu.memory_space<hbm>> -> memref<80x128xi32, #tpu.memory_space<hbm>>
      tpu.wait_dma2 semaphore(%run_scoped3A : memref<!tpu.dma_semaphore, #tpu.memory_space<semaphore_mem>>) src(%dma_wait3A_103 : memref<80x128xi32, #tpu.memory_space<hbm>>) dst(%arg7 : memref<80x128xi32, #tpu.memory_space<vmem>>)
      tpu.yield
    }) : () -> ()
    %dma_start3A = arith.constant 0 : i32
    %dma_start3A_7 = arith.constant 0 : i32
    %dma_start3A_8 = arith.constant 0 : i32
    %dma_start3A_9 = arith.constant 0 : i32
    %dma_start3A_10 = tpu.memref_slice %arg9[%dma_start3A_7, %dma_start3A_8, %dma_start3A_9] : memref<6x128x64xf32, #tpu.memory_space<vmem>> -> memref<1x128x64xf32, #tpu.memory_space<vmem>>
    %dma_start3A_11 = tpu.memref_squeeze %dma_start3A_10 : memref<1x128x64xf32, #tpu.memory_space<vmem>> -> memref<128x64xf32, #tpu.memory_space<vmem>>
    %dma_start3A_12 = arith.constant 0 : i32
    %dma_start3A_13 = tpu.memref_slice %arg7[%dma_start3A, %dma_start3A_12] : memref<80x128xi32, #tpu.memory_space<vmem>> -> memref<1x128xi32, #tpu.memory_space<vmem>>
    %dma_start3A_14 = tpu.memref_squeeze %dma_start3A_13 : memref<1x128xi32, #tpu.memory_space<vmem>> -> memref<128xi32, #tpu.memory_space<vmem>>
    %dma_start3A_15 = arith.constant 0 : i32
    %dma_start3A_16 = arith.constant 0 : i32
    %dma_start3A_17 = tpu.memref_slice %arg2[%dma_start3A_15, %dma_start3A_16] : memref<10240x64xf32, #tpu.memory_space<hbm>> -> memref<10240x64xf32, #tpu.memory_space<hbm>>
    tpu.enqueue_indirect_dma source(%dma_start3A_17 : memref<10240x64xf32, #tpu.memory_space<hbm>>) target(%dma_start3A_11 : memref<128x64xf32, #tpu.memory_space<vmem>>) offsets(%dma_start3A_14 : memref<128xi32, #tpu.memory_space<vmem>>) semaphore(%arg11 : memref<!tpu.dma_semaphore, #tpu.memory_space<semaphore_mem>>)
    %dma_start3A_18 = arith.constant 1 : i32
    %dma_start3A_19 = arith.constant 1 : i32
    %dma_start3A_20 = arith.constant 0 : i32
    %dma_start3A_21 = arith.constant 0 : i32
    %dma_start3A_22 = tpu.memref_slice %arg9[%dma_start3A_19, %dma_start3A_20, %dma_start3A_21] : memref<6x128x64xf32, #tpu.memory_space<vmem>> -> memref<1x128x64xf32, #tpu.memory_space<vmem>>
    %dma_start3A_23 = tpu.memref_squeeze %dma_start3A_22 : memref<1x128x64xf32, #tpu.memory_space<vmem>> -> memref<128x64xf32, #tpu.memory_space<vmem>>
    %dma_start3A_24 = arith.constant 0 : i32
    %dma_start3A_25 = tpu.memref_slice %arg7[%dma_start3A_18, %dma_start3A_24] : memref<80x128xi32, #tpu.memory_space<vmem>> -> memref<1x128xi32, #tpu.memory_space<vmem>>
    %dma_start3A_26 = tpu.memref_squeeze %dma_start3A_25 : memref<1x128xi32, #tpu.memory_space<vmem>> -> memref<128xi32, #tpu.memory_space<vmem>>
    %dma_start3A_27 = arith.constant 0 : i32
    %dma_start3A_28 = arith.constant 0 : i32
    %dma_start3A_29 = tpu.memref_slice %arg2[%dma_start3A_27, %dma_start3A_28] : memref<10240x64xf32, #tpu.memory_space<hbm>> -> memref<10240x64xf32, #tpu.memory_space<hbm>>
    tpu.enqueue_indirect_dma source(%dma_start3A_29 : memref<10240x64xf32, #tpu.memory_space<hbm>>) target(%dma_start3A_23 : memref<128x64xf32, #tpu.memory_space<vmem>>) offsets(%dma_start3A_26 : memref<128xi32, #tpu.memory_space<vmem>>) semaphore(%arg11 : memref<!tpu.dma_semaphore, #tpu.memory_space<semaphore_mem>>)
    %dma_start3A_30 = arith.constant 2 : i32
    %dma_start3A_31 = arith.constant 2 : i32
    %dma_start3A_32 = arith.constant 0 : i32
    %dma_start3A_33 = arith.constant 0 : i32
    %dma_start3A_34 = tpu.memref_slice %arg9[%dma_start3A_31, %dma_start3A_32, %dma_start3A_33] : memref<6x128x64xf32, #tpu.memory_space<vmem>> -> memref<1x128x64xf32, #tpu.memory_space<vmem>>
    %dma_start3A_35 = tpu.memref_squeeze %dma_start3A_34 : memref<1x128x64xf32, #tpu.memory_space<vmem>> -> memref<128x64xf32, #tpu.memory_space<vmem>>
    %dma_start3A_36 = arith.constant 0 : i32
    %dma_start3A_37 = tpu.memref_slice %arg7[%dma_start3A_30, %dma_start3A_36] : memref<80x128xi32, #tpu.memory_space<vmem>> -> memref<1x128xi32, #tpu.memory_space<vmem>>
    %dma_start3A_38 = tpu.memref_squeeze %dma_start3A_37 : memref<1x128xi32, #tpu.memory_space<vmem>> -> memref<128xi32, #tpu.memory_space<vmem>>
    %dma_start3A_39 = arith.constant 0 : i32
    %dma_start3A_40 = arith.constant 0 : i32
    %dma_start3A_41 = tpu.memref_slice %arg2[%dma_start3A_39, %dma_start3A_40] : memref<10240x64xf32, #tpu.memory_space<hbm>> -> memref<10240x64xf32, #tpu.memory_space<hbm>>
    tpu.enqueue_indirect_dma source(%dma_start3A_41 : memref<10240x64xf32, #tpu.memory_space<hbm>>) target(%dma_start3A_35 : memref<128x64xf32, #tpu.memory_space<vmem>>) offsets(%dma_start3A_38 : memref<128xi32, #tpu.memory_space<vmem>>) semaphore(%arg11 : memref<!tpu.dma_semaphore, #tpu.memory_space<semaphore_mem>>)
    %dma_start3A_42 = arith.constant 3 : i32
    %dma_start3A_43 = arith.constant 3 : i32
    %dma_start3A_44 = arith.constant 0 : i32
    %dma_start3A_45 = arith.constant 0 : i32
    %dma_start3A_46 = tpu.memref_slice %arg9[%dma_start3A_43, %dma_start3A_44, %dma_start3A_45] : memref<6x128x64xf32, #tpu.memory_space<vmem>> -> memref<1x128x64xf32, #tpu.memory_space<vmem>>
    %dma_start3A_47 = tpu.memref_squeeze %dma_start3A_46 : memref<1x128x64xf32, #tpu.memory_space<vmem>> -> memref<128x64xf32, #tpu.memory_space<vmem>>
    %dma_start3A_48 = arith.constant 0 : i32
    %dma_start3A_49 = tpu.memref_slice %arg7[%dma_start3A_42, %dma_start3A_48] : memref<80x128xi32, #tpu.memory_space<vmem>> -> memref<1x128xi32, #tpu.memory_space<vmem>>
    %dma_start3A_50 = tpu.memref_squeeze %dma_start3A_49 : memref<1x128xi32, #tpu.memory_space<vmem>> -> memref<128xi32, #tpu.memory_space<vmem>>
    %dma_start3A_51 = arith.constant 0 : i32
    %dma_start3A_52 = arith.constant 0 : i32
    %dma_start3A_53 = tpu.memref_slice %arg2[%dma_start3A_51, %dma_start3A_52] : memref<10240x64xf32, #tpu.memory_space<hbm>> -> memref<10240x64xf32, #tpu.memory_space<hbm>>
    tpu.enqueue_indirect_dma source(%dma_start3A_53 : memref<10240x64xf32, #tpu.memory_space<hbm>>) target(%dma_start3A_47 : memref<128x64xf32, #tpu.memory_space<vmem>>) offsets(%dma_start3A_50 : memref<128xi32, #tpu.memory_space<vmem>>) semaphore(%arg11 : memref<!tpu.dma_semaphore, #tpu.memory_space<semaphore_mem>>)
    %dma_start3A_54 = arith.constant 4 : i32
    %dma_start3A_55 = arith.constant 4 : i32
    %dma_start3A_56 = arith.constant 0 : i32
    %dma_start3A_57 = arith.constant 0 : i32
    %dma_start3A_58 = tpu.memref_slice %arg9[%dma_start3A_55, %dma_start3A_56, %dma_start3A_57] : memref<6x128x64xf32, #tpu.memory_space<vmem>> -> memref<1x128x64xf32, #tpu.memory_space<vmem>>
    %dma_start3A_59 = tpu.memref_squeeze %dma_start3A_58 : memref<1x128x64xf32, #tpu.memory_space<vmem>> -> memref<128x64xf32, #tpu.memory_space<vmem>>
    %dma_start3A_60 = arith.constant 0 : i32
    %dma_start3A_61 = tpu.memref_slice %arg7[%dma_start3A_54, %dma_start3A_60] : memref<80x128xi32, #tpu.memory_space<vmem>> -> memref<1x128xi32, #tpu.memory_space<vmem>>
    %dma_start3A_62 = tpu.memref_squeeze %dma_start3A_61 : memref<1x128xi32, #tpu.memory_space<vmem>> -> memref<128xi32, #tpu.memory_space<vmem>>
    %dma_start3A_63 = arith.constant 0 : i32
    %dma_start3A_64 = arith.constant 0 : i32
    %dma_start3A_65 = tpu.memref_slice %arg2[%dma_start3A_63, %dma_start3A_64] : memref<10240x64xf32, #tpu.memory_space<hbm>> -> memref<10240x64xf32, #tpu.memory_space<hbm>>
    tpu.enqueue_indirect_dma source(%dma_start3A_65 : memref<10240x64xf32, #tpu.memory_space<hbm>>) target(%dma_start3A_59 : memref<128x64xf32, #tpu.memory_space<vmem>>) offsets(%dma_start3A_62 : memref<128xi32, #tpu.memory_space<vmem>>) semaphore(%arg11 : memref<!tpu.dma_semaphore, #tpu.memory_space<semaphore_mem>>)
    "tpu.region"() ({
      %run_scoped3A = tpu.sem_alloc : memref<!tpu.dma_semaphore, #tpu.memory_space<semaphore_mem>>
      %dma_start3A_88 = arith.constant 0 : i32
      %dma_start3A_89 = arith.constant 0 : i32
      %dma_start3A_90 = tpu.memref_slice %arg4[%arg0, %arg1, %dma_start3A_88, %dma_start3A_89] : memref<2x16x80x128xi32, #tpu.memory_space<hbm>> -> memref<1x1x80x128xi32, #tpu.memory_space<hbm>>
      %dma_start3A_91 = tpu.memref_squeeze %dma_start3A_90 : memref<1x1x80x128xi32, #tpu.memory_space<hbm>> -> memref<80x128xi32, #tpu.memory_space<hbm>>
      %dma_start3A_92 = arith.constant 0 : i32
      %dma_start3A_93 = arith.constant 0 : i32
      %dma_start3A_94 = tpu.memref_slice %arg4[%arg0, %arg1, %dma_start3A_92, %dma_start3A_93] : memref<2x16x80x128xi32, #tpu.memory_space<hbm>> -> memref<1x1x80x128xi32, #tpu.memory_space<hbm>>
      %dma_start3A_95 = tpu.memref_squeeze %dma_start3A_94 : memref<1x1x80x128xi32, #tpu.memory_space<hbm>> -> memref<80x128xi32, #tpu.memory_space<hbm>>
      tpu.enqueue_dma source(%dma_start3A_95 : memref<80x128xi32, #tpu.memory_space<hbm>>) target(%arg8 : memref<80x128xi32, #tpu.memory_space<vmem>>) target_semaphore(%run_scoped3A : memref<!tpu.dma_semaphore, #tpu.memory_space<semaphore_mem>>)
      %dma_wait3A_96 = arith.constant 0 : i32
      %dma_wait3A_97 = arith.constant 0 : i32
      %dma_wait3A_98 = tpu.memref_slice %arg4[%arg0, %arg1, %dma_wait3A_96, %dma_wait3A_97] : memref<2x16x80x128xi32, #tpu.memory_space<hbm>> -> memref<1x1x80x128xi32, #tpu.memory_space<hbm>>
      %dma_wait3A_99 = tpu.memref_squeeze %dma_wait3A_98 : memref<1x1x80x128xi32, #tpu.memory_space<hbm>> -> memref<80x128xi32, #tpu.memory_space<hbm>>
      %dma_wait3A_100 = arith.constant 0 : i32
      %dma_wait3A_101 = arith.constant 0 : i32
      %dma_wait3A_102 = tpu.memref_slice %arg4[%arg0, %arg1, %dma_wait3A_100, %dma_wait3A_101] : memref<2x16x80x128xi32, #tpu.memory_space<hbm>> -> memref<1x1x80x128xi32, #tpu.memory_space<hbm>>
      %dma_wait3A_103 = tpu.memref_squeeze %dma_wait3A_102 : memref<1x1x80x128xi32, #tpu.memory_space<hbm>> -> memref<80x128xi32, #tpu.memory_space<hbm>>
      tpu.wait_dma2 semaphore(%run_scoped3A : memref<!tpu.dma_semaphore, #tpu.memory_space<semaphore_mem>>) src(%dma_wait3A_103 : memref<80x128xi32, #tpu.memory_space<hbm>>) dst(%arg8 : memref<80x128xi32, #tpu.memory_space<vmem>>)
      tpu.yield
    }) : () -> ()
    %dma_wait3A = arith.constant 0 : i32
    %dma_wait3A_66 = tpu.memref_slice %arg10[%mul3A_0, %dma_wait3A] : memref<10240x64xf32, #tpu.memory_space<vmem_shared>> -> memref<640x64xf32, #tpu.memory_space<vmem_shared>>
    %dma_wait3A_67 = arith.constant 0 : i32
    %dma_wait3A_68 = tpu.memref_slice %arg5[%mul3A_0, %dma_wait3A_67] : memref<10240x64xf32, #tpu.memory_space<hbm>> -> memref<640x64xf32, #tpu.memory_space<hbm>>
    tpu.wait_dma2 semaphore(%arg12 : memref<!tpu.dma_semaphore, #tpu.memory_space<semaphore_mem>>) src(%dma_wait3A_68 : memref<640x64xf32, #tpu.memory_space<hbm>>) dst(%dma_wait3A_66 : memref<640x64xf32, #tpu.memory_space<vmem_shared>>)
    %barrier3A = arith.constant 0 : index
    tpu.barrier barrier_id(%barrier3A)
    %scan3A = arith.constant 0 : i32
    %scan3A_69 = arith.constant 0 : i32
    %scan3A_70 = arith.constant 80 : i32
    %scan3A_71 = arith.addi %scan3A_69, %scan3A_70 : i32
    %scan3A_72 = arith.constant 1 : i32
    scf.for %scan3A_88 = %scan3A_69 to %scan3A_71 step %scan3A_72  : i32 {
      %rem3A_89 = arith.constant 6 : i32
      %rem3A_90 = arith.remsi %scan3A_88, %rem3A_89 : i32
      %dma_wait3A_91 = arith.constant 0 : i32
      %dma_wait3A_92 = arith.constant 0 : i32
      %dma_wait3A_93 = tpu.memref_slice %arg9[%rem3A_90, %dma_wait3A_91, %dma_wait3A_92] : memref<6x128x64xf32, #tpu.memory_space<vmem>> -> memref<1x128x64xf32, #tpu.memory_space<vmem>>
      %dma_wait3A_94 = tpu.memref_squeeze %dma_wait3A_93 : memref<1x128x64xf32, #tpu.memory_space<vmem>> -> memref<128x64xf32, #tpu.memory_space<vmem>>
      %dma_wait3A_95 = arith.constant 0 : i32
      %dma_wait3A_96 = tpu.memref_slice %arg7[%scan3A_88, %dma_wait3A_95] : memref<80x128xi32, #tpu.memory_space<vmem>> -> memref<1x128xi32, #tpu.memory_space<vmem>>
      %dma_wait3A_97 = tpu.memref_squeeze %dma_wait3A_96 : memref<1x128xi32, #tpu.memory_space<vmem>> -> memref<128xi32, #tpu.memory_space<vmem>>
      %dma_wait3A_98 = arith.constant 0 : i32
      %dma_wait3A_99 = arith.constant 0 : i32
      %dma_wait3A_100 = tpu.memref_slice %arg2[%dma_wait3A_98, %dma_wait3A_99] : memref<10240x64xf32, #tpu.memory_space<hbm>> -> memref<10240x64xf32, #tpu.memory_space<hbm>>
      tpu.wait_indirect_dma semaphore(%arg11 : memref<!tpu.dma_semaphore, #tpu.memory_space<semaphore_mem>>) src(%dma_wait3A_100 : memref<10240x64xf32, #tpu.memory_space<hbm>>) dst(%dma_wait3A_94 : memref<128x64xf32, #tpu.memory_space<vmem>>)
      %dma_start3A_101 = arith.constant 0 : i32
      %dma_start3A_102 = arith.constant 0 : i32
      %dma_start3A_103 = tpu.memref_slice %arg9[%rem3A_90, %dma_start3A_101, %dma_start3A_102] : memref<6x128x64xf32, #tpu.memory_space<vmem>> -> memref<1x128x64xf32, #tpu.memory_space<vmem>>
      %dma_start3A_104 = tpu.memref_squeeze %dma_start3A_103 : memref<1x128x64xf32, #tpu.memory_space<vmem>> -> memref<128x64xf32, #tpu.memory_space<vmem>>
      %dma_start3A_105 = arith.constant 0 : i32
      %dma_start3A_106 = tpu.memref_slice %arg8[%scan3A_88, %dma_start3A_105] : memref<80x128xi32, #tpu.memory_space<vmem>> -> memref<1x128xi32, #tpu.memory_space<vmem>>
      %dma_start3A_107 = tpu.memref_squeeze %dma_start3A_106 : memref<1x128xi32, #tpu.memory_space<vmem>> -> memref<128xi32, #tpu.memory_space<vmem>>
      %dma_start3A_108 = arith.constant 0 : i32
      %dma_start3A_109 = arith.constant 0 : i32
      %dma_start3A_110 = tpu.memref_slice %arg10[%dma_start3A_108, %dma_start3A_109] : memref<10240x64xf32, #tpu.memory_space<vmem_shared>> -> memref<10240x64xf32, #tpu.memory_space<vmem_shared>>
      tpu.enqueue_indirect_dma source(%dma_start3A_104 : memref<128x64xf32, #tpu.memory_space<vmem>>) target(%dma_start3A_110 : memref<10240x64xf32, #tpu.memory_space<vmem_shared>>) offsets(%dma_start3A_107 : memref<128xi32, #tpu.memory_space<vmem>>) semaphore(%arg12 : memref<!tpu.dma_semaphore, #tpu.memory_space<semaphore_mem>>) {add = true}
      %ge3A = arith.constant 1 : i32
      %ge3A_111 = arith.cmpi sge, %scan3A_88, %ge3A : i32
      %convert_element_type3A_112 = arith.extui %ge3A_111 : i1 to i32
      %cond3A_113 = arith.constant 0 : i32
      %cond3A_114 = arith.cmpi ne, %convert_element_type3A_112, %cond3A_113 : i32
      scf.if %cond3A_114 {
        %sub3A_121 = arith.constant 1 : i32
        %sub3A_122 = arith.subi %scan3A_88, %sub3A_121 : i32
        %rem3A_123 = arith.constant 6 : i32
        %rem3A_124 = arith.remsi %sub3A_122, %rem3A_123 : i32
        %sub3A_125 = arith.constant 1 : i32
        %sub3A_126 = arith.subi %scan3A_88, %sub3A_125 : i32
        %dma_wait3A_127 = arith.constant 0 : i32
        %dma_wait3A_128 = arith.constant 0 : i32
        %dma_wait3A_129 = tpu.memref_slice %arg9[%rem3A_124, %dma_wait3A_127, %dma_wait3A_128] : memref<6x128x64xf32, #tpu.memory_space<vmem>> -> memref<1x128x64xf32, #tpu.memory_space<vmem>>
        %dma_wait3A_130 = tpu.memref_squeeze %dma_wait3A_129 : memref<1x128x64xf32, #tpu.memory_space<vmem>> -> memref<128x64xf32, #tpu.memory_space<vmem>>
        %dma_wait3A_131 = arith.constant 0 : i32
        %dma_wait3A_132 = tpu.memref_slice %arg8[%sub3A_126, %dma_wait3A_131] : memref<80x128xi32, #tpu.memory_space<vmem>> -> memref<1x128xi32, #tpu.memory_space<vmem>>
        %dma_wait3A_133 = tpu.memref_squeeze %dma_wait3A_132 : memref<1x128xi32, #tpu.memory_space<vmem>> -> memref<128xi32, #tpu.memory_space<vmem>>
        %dma_wait3A_134 = arith.constant 0 : i32
        %dma_wait3A_135 = arith.constant 0 : i32
        %dma_wait3A_136 = tpu.memref_slice %arg10[%dma_wait3A_134, %dma_wait3A_135] : memref<10240x64xf32, #tpu.memory_space<vmem_shared>> -> memref<10240x64xf32, #tpu.memory_space<vmem_shared>>
        tpu.wait_indirect_dma semaphore(%arg12 : memref<!tpu.dma_semaphore, #tpu.memory_space<semaphore_mem>>) src(%dma_wait3A_130 : memref<128x64xf32, #tpu.memory_space<vmem>>) dst(%dma_wait3A_136 : memref<10240x64xf32, #tpu.memory_space<vmem_shared>>)
      } else {
      }
      %add3A = arith.constant 6 : i32
      %add3A_115 = arith.addi %scan3A_88, %add3A : i32
      %sub3A = arith.constant 1 : i32
      %sub3A_116 = arith.subi %add3A_115, %sub3A : i32
      %lt3A = arith.constant 80 : i32
      %lt3A_117 = arith.cmpi slt, %sub3A_116, %lt3A : i32
      %convert_element_type3A_118 = arith.extui %lt3A_117 : i1 to i32
      %cond3A_119 = arith.constant 0 : i32
      %cond3A_120 = arith.cmpi ne, %convert_element_type3A_118, %cond3A_119 : i32
      scf.if %cond3A_120 {
        %add3A_121 = arith.constant 6 : i32
        %add3A_122 = arith.addi %scan3A_88, %add3A_121 : i32
        %sub3A_123 = arith.constant 1 : i32
        %sub3A_124 = arith.subi %add3A_122, %sub3A_123 : i32
        %rem3A_125 = arith.constant 6 : i32
        %rem3A_126 = arith.remsi %sub3A_124, %rem3A_125 : i32
        %add3A_127 = arith.constant 6 : i32
        %add3A_128 = arith.addi %scan3A_88, %add3A_127 : i32
        %sub3A_129 = arith.constant 1 : i32
        %sub3A_130 = arith.subi %add3A_128, %sub3A_129 : i32
        %dma_start3A_131 = arith.constant 0 : i32
        %dma_start3A_132 = arith.constant 0 : i32
        %dma_start3A_133 = tpu.memref_slice %arg9[%rem3A_126, %dma_start3A_131, %dma_start3A_132] : memref<6x128x64xf32, #tpu.memory_space<vmem>> -> memref<1x128x64xf32, #tpu.memory_space<vmem>>
        %dma_start3A_134 = tpu.memref_squeeze %dma_start3A_133 : memref<1x128x64xf32, #tpu.memory_space<vmem>> -> memref<128x64xf32, #tpu.memory_space<vmem>>
        %dma_start3A_135 = arith.constant 0 : i32
        %dma_start3A_136 = tpu.memref_slice %arg7[%sub3A_130, %dma_start3A_135] : memref<80x128xi32, #tpu.memory_space<vmem>> -> memref<1x128xi32, #tpu.memory_space<vmem>>
        %dma_start3A_137 = tpu.memref_squeeze %dma_start3A_136 : memref<1x128xi32, #tpu.memory_space<vmem>> -> memref<128xi32, #tpu.memory_space<vmem>>
        %dma_start3A_138 = arith.constant 0 : i32
        %dma_start3A_139 = arith.constant 0 : i32
        %dma_start3A_140 = tpu.memref_slice %arg2[%dma_start3A_138, %dma_start3A_139] : memref<10240x64xf32, #tpu.memory_space<hbm>> -> memref<10240x64xf32, #tpu.memory_space<hbm>>
        tpu.enqueue_indirect_dma source(%dma_start3A_140 : memref<10240x64xf32, #tpu.memory_space<hbm>>) target(%dma_start3A_134 : memref<128x64xf32, #tpu.memory_space<vmem>>) offsets(%dma_start3A_137 : memref<128xi32, #tpu.memory_space<vmem>>) semaphore(%arg11 : memref<!tpu.dma_semaphore, #tpu.memory_space<semaphore_mem>>)
      } else {
      }
    }
    %scan3A_73 = arith.constant 80 : i32
    %rem3A = arith.constant 79 : i32
    %rem3A_74 = arith.constant 6 : i32
    %rem3A_75 = arith.remsi %rem3A, %rem3A_74 : i32
    %dma_wait3A_76 = arith.constant 79 : i32
    %dma_wait3A_77 = arith.constant 0 : i32
    %dma_wait3A_78 = arith.constant 0 : i32
    %dma_wait3A_79 = tpu.memref_slice %arg9[%rem3A_75, %dma_wait3A_77, %dma_wait3A_78] : memref<6x128x64xf32, #tpu.memory_space<vmem>> -> memref<1x128x64xf32, #tpu.memory_space<vmem>>
    %dma_wait3A_80 = tpu.memref_squeeze %dma_wait3A_79 : memref<1x128x64xf32, #tpu.memory_space<vmem>> -> memref<128x64xf32, #tpu.memory_space<vmem>>
    %dma_wait3A_81 = arith.constant 0 : i32
    %dma_wait3A_82 = tpu.memref_slice %arg8[%dma_wait3A_76, %dma_wait3A_81] : memref<80x128xi32, #tpu.memory_space<vmem>> -> memref<1x128xi32, #tpu.memory_space<vmem>>
    %dma_wait3A_83 = tpu.memref_squeeze %dma_wait3A_82 : memref<1x128xi32, #tpu.memory_space<vmem>> -> memref<128xi32, #tpu.memory_space<vmem>>
    %dma_wait3A_84 = arith.constant 0 : i32
    %dma_wait3A_85 = arith.constant 0 : i32
    %dma_wait3A_86 = tpu.memref_slice %arg10[%dma_wait3A_84, %dma_wait3A_85] : memref<10240x64xf32, #tpu.memory_space<vmem_shared>> -> memref<10240x64xf32, #tpu.memory_space<vmem_shared>>
    tpu.wait_indirect_dma semaphore(%arg12 : memref<!tpu.dma_semaphore, #tpu.memory_space<semaphore_mem>>) src(%dma_wait3A_80 : memref<128x64xf32, #tpu.memory_space<vmem>>) dst(%dma_wait3A_86 : memref<10240x64xf32, #tpu.memory_space<vmem_shared>>)
    %barrier3A_87 = arith.constant 0 : index
    tpu.barrier barrier_id(%barrier3A_87)
    "tpu.region"() ({
      %run_scoped3A = tpu.sem_alloc : memref<!tpu.dma_semaphore, #tpu.memory_space<semaphore_mem>>
      %dma_start3A_88 = arith.constant 0 : i32
      %dma_start3A_89 = arith.constant 0 : i32
      %dma_start3A_90 = tpu.memref_slice %arg6[%arg0, %dma_start3A_88, %dma_start3A_89] : memref<2x10240x64xf32, #tpu.memory_space<hbm>> -> memref<1x10240x64xf32, #tpu.memory_space<hbm>>
      %dma_start3A_91 = tpu.memref_squeeze %dma_start3A_90 : memref<1x10240x64xf32, #tpu.memory_space<hbm>> -> memref<10240x64xf32, #tpu.memory_space<hbm>>
      %dma_start3A_92 = arith.constant 0 : i32
      %dma_start3A_93 = tpu.memref_slice %dma_start3A_91[%mul3A_0, %dma_start3A_92] : memref<10240x64xf32, #tpu.memory_space<hbm>> -> memref<640x64xf32, #tpu.memory_space<hbm>>
      %dma_start3A_94 = arith.constant 0 : i32
      %dma_start3A_95 = tpu.memref_slice %arg10[%mul3A_0, %dma_start3A_94] : memref<10240x64xf32, #tpu.memory_space<vmem_shared>> -> memref<640x64xf32, #tpu.memory_space<vmem_shared>>
      tpu.enqueue_dma source(%dma_start3A_95 : memref<640x64xf32, #tpu.memory_space<vmem_shared>>) target(%dma_start3A_93 : memref<640x64xf32, #tpu.memory_space<hbm>>) target_semaphore(%run_scoped3A : memref<!tpu.dma_semaphore, #tpu.memory_space<semaphore_mem>>)
      %dma_wait3A_96 = arith.constant 0 : i32
      %dma_wait3A_97 = arith.constant 0 : i32
      %dma_wait3A_98 = tpu.memref_slice %arg6[%arg0, %dma_wait3A_96, %dma_wait3A_97] : memref<2x10240x64xf32, #tpu.memory_space<hbm>> -> memref<1x10240x64xf32, #tpu.memory_space<hbm>>
      %dma_wait3A_99 = tpu.memref_squeeze %dma_wait3A_98 : memref<1x10240x64xf32, #tpu.memory_space<hbm>> -> memref<10240x64xf32, #tpu.memory_space<hbm>>
      %dma_wait3A_100 = arith.constant 0 : i32
      %dma_wait3A_101 = tpu.memref_slice %dma_wait3A_99[%mul3A_0, %dma_wait3A_100] : memref<10240x64xf32, #tpu.memory_space<hbm>> -> memref<640x64xf32, #tpu.memory_space<hbm>>
      %dma_wait3A_102 = arith.constant 0 : i32
      %dma_wait3A_103 = tpu.memref_slice %arg10[%mul3A_0, %dma_wait3A_102] : memref<10240x64xf32, #tpu.memory_space<vmem_shared>> -> memref<640x64xf32, #tpu.memory_space<vmem_shared>>
      tpu.wait_dma2 semaphore(%run_scoped3A : memref<!tpu.dma_semaphore, #tpu.memory_space<semaphore_mem>>) src(%dma_wait3A_103 : memref<640x64xf32, #tpu.memory_space<vmem_shared>>) dst(%dma_wait3A_101 : memref<640x64xf32, #tpu.memory_space<hbm>>)
      tpu.yield
    }) : () -> ()
    return
  }
}

#map = affine_map<(d0, d1) -> (0, 0)>
#map1 = affine_map<(d0, d1) -> (0, 0, 0, 0)>
#map2 = affine_map<(d0, d1) -> (0, 0, 0)>
module attributes {stable_mosaic.version = 14 : i64} {
  func.func @_edge_pass(%arg0: i32, %arg1: i32, %arg2: memref<10240x64xf32, #tpu.memory_space<hbm>>, %arg3: memref<2x16x80x128xi32, #tpu.memory_space<hbm>>, %arg4: memref<2x16x80x128xi32, #tpu.memory_space<hbm>>, %arg5: memref<10240x64xf32, #tpu.memory_space<hbm>>, %arg6: memref<2x10240x64xf32, #tpu.memory_space<hbm>>, %arg7: memref<80x128xi32, #tpu.memory_space<vmem>>, %arg8: memref<80x128xi32, #tpu.memory_space<vmem>>, %arg9: memref<6x128x64xf32, #tpu.memory_space<vmem>>, %arg10: memref<10240x64xf32, #tpu.memory_space<vmem_shared>>, %arg11: memref<!tpu.dma_semaphore, #tpu.memory_space<semaphore_mem>>, %arg12: memref<!tpu.dma_semaphore, #tpu.memory_space<semaphore_mem>>) attributes {dimension_semantics = [#tpu.dimension_semantics<core_parallel>, #tpu.dimension_semantics<subcore_parallel>], iteration_bounds = array<i64: 2, 16>, scalar_prefetch = 0 : i64, scratch_operands = 6 : i64, tpu.core_type = #tpu.core_type<sc_vector_subcore>, window_params = [{transform_indices = #map}, {transform_indices = #map1}, {transform_indices = #map1}, {transform_indices = #map}, {transform_indices = #map2}]} {
    %mul3A = arith.constant 640 : i32
    %mul3A_0 = arith.muli %arg1, %mul3A : i32
    %eq3A = arith.constant 0 : i32
    %eq3A_1 = arith.cmpi eq, %arg0, %eq3A : i32
    %convert_element_type3A = arith.extui %eq3A_1 : i1 to i32
    %cond3A = arith.constant 0 : i32
    %cond3A_2 = arith.cmpi ne, %convert_element_type3A, %cond3A : i32
    scf.if %cond3A_2 {
      %dma_start3A_88 = arith.constant 0 : i32
      %dma_start3A_89 = tpu.memref_slice %arg10[%mul3A_0, %dma_start3A_88] : memref<10240x64xf32, #tpu.memory_space<vmem_shared>> -> memref<640x64xf32, #tpu.memory_space<vmem_shared>>
      %dma_start3A_90 = arith.constant 0 : i32
      %dma_start3A_91 = tpu.memref_slice %arg2[%mul3A_0, %dma_start3A_90] : memref<10240x64xf32, #tpu.memory_space<hbm>> -> memref<640x64xf32, #tpu.memory_space<hbm>>
      tpu.enqueue_dma source(%dma_start3A_91 : memref<640x64xf32, #tpu.memory_space<hbm>>) target(%dma_start3A_89 : memref<640x64xf32, #tpu.memory_space<vmem_shared>>) target_semaphore(%arg12 : memref<!tpu.dma_semaphore, #tpu.memory_space<semaphore_mem>>)
    } else {
    }
    %ne3A = arith.constant 0 : i32
    %ne3A_3 = arith.cmpi ne, %arg0, %ne3A : i32
    %convert_element_type3A_4 = arith.extui %ne3A_3 : i1 to i32
    %cond3A_5 = arith.constant 0 : i32
    %cond3A_6 = arith.cmpi ne, %convert_element_type3A_4, %cond3A_5 : i32
    scf.if %cond3A_6 {
      %dma_start3A_88 = arith.constant 0 : i32
      %dma_start3A_89 = tpu.memref_slice %arg10[%mul3A_0, %dma_start3A_88] : memref<10240x64xf32, #tpu.memory_space<vmem_shared>> -> memref<640x64xf32, #tpu.memory_space<vmem_shared>>
      %dma_start3A_90 = arith.constant 0 : i32
      %dma_start3A_91 = tpu.memref_slice %arg5[%mul3A_0, %dma_start3A_90] : memref<10240x64xf32, #tpu.memory_space<hbm>> -> memref<640x64xf32, #tpu.memory_space<hbm>>
      tpu.enqueue_dma source(%dma_start3A_91 : memref<640x64xf32, #tpu.memory_space<hbm>>) target(%dma_start3A_89 : memref<640x64xf32, #tpu.memory_space<vmem_shared>>) target_semaphore(%arg12 : memref<!tpu.dma_semaphore, #tpu.memory_space<semaphore_mem>>)
    } else {
    }
    "tpu.region"() ({
      %run_scoped3A = tpu.sem_alloc : memref<!tpu.dma_semaphore, #tpu.memory_space<semaphore_mem>>
      %dma_start3A_88 = arith.constant 0 : i32
      %dma_start3A_89 = arith.constant 0 : i32
      %dma_start3A_90 = tpu.memref_slice %arg3[%arg0, %arg1, %dma_start3A_88, %dma_start3A_89] : memref<2x16x80x128xi32, #tpu.memory_space<hbm>> -> memref<1x1x80x128xi32, #tpu.memory_space<hbm>>
      %dma_start3A_91 = tpu.memref_squeeze %dma_start3A_90 : memref<1x1x80x128xi32, #tpu.memory_space<hbm>> -> memref<80x128xi32, #tpu.memory_space<hbm>>
      %dma_start3A_92 = arith.constant 0 : i32
      %dma_start3A_93 = arith.constant 0 : i32
      %dma_start3A_94 = tpu.memref_slice %arg3[%arg0, %arg1, %dma_start3A_92, %dma_start3A_93] : memref<2x16x80x128xi32, #tpu.memory_space<hbm>> -> memref<1x1x80x128xi32, #tpu.memory_space<hbm>>
      %dma_start3A_95 = tpu.memref_squeeze %dma_start3A_94 : memref<1x1x80x128xi32, #tpu.memory_space<hbm>> -> memref<80x128xi32, #tpu.memory_space<hbm>>
      tpu.enqueue_dma source(%dma_start3A_95 : memref<80x128xi32, #tpu.memory_space<hbm>>) target(%arg7 : memref<80x128xi32, #tpu.memory_space<vmem>>) target_semaphore(%run_scoped3A : memref<!tpu.dma_semaphore, #tpu.memory_space<semaphore_mem>>)
      %dma_wait3A_96 = arith.constant 0 : i32
      %dma_wait3A_97 = arith.constant 0 : i32
      %dma_wait3A_98 = tpu.memref_slice %arg3[%arg0, %arg1, %dma_wait3A_96, %dma_wait3A_97] : memref<2x16x80x128xi32, #tpu.memory_space<hbm>> -> memref<1x1x80x128xi32, #tpu.memory_space<hbm>>
      %dma_wait3A_99 = tpu.memref_squeeze %dma_wait3A_98 : memref<1x1x80x128xi32, #tpu.memory_space<hbm>> -> memref<80x128xi32, #tpu.memory_space<hbm>>
      %dma_wait3A_100 = arith.constant 0 : i32
      %dma_wait3A_101 = arith.constant 0 : i32
      %dma_wait3A_102 = tpu.memref_slice %arg3[%arg0, %arg1, %dma_wait3A_100, %dma_wait3A_101] : memref<2x16x80x128xi32, #tpu.memory_space<hbm>> -> memref<1x1x80x128xi32, #tpu.memory_space<hbm>>
      %dma_wait3A_103 = tpu.memref_squeeze %dma_wait3A_102 : memref<1x1x80x128xi32, #tpu.memory_space<hbm>> -> memref<80x128xi32, #tpu.memory_space<hbm>>
      tpu.wait_dma2 semaphore(%run_scoped3A : memref<!tpu.dma_semaphore, #tpu.memory_space<semaphore_mem>>) src(%dma_wait3A_103 : memref<80x128xi32, #tpu.memory_space<hbm>>) dst(%arg7 : memref<80x128xi32, #tpu.memory_space<vmem>>)
      tpu.yield
    }) : () -> ()
    %dma_start3A = arith.constant 0 : i32
    %dma_start3A_7 = arith.constant 0 : i32
    %dma_start3A_8 = arith.constant 0 : i32
    %dma_start3A_9 = arith.constant 0 : i32
    %dma_start3A_10 = tpu.memref_slice %arg9[%dma_start3A_7, %dma_start3A_8, %dma_start3A_9] : memref<6x128x64xf32, #tpu.memory_space<vmem>> -> memref<1x128x64xf32, #tpu.memory_space<vmem>>
    %dma_start3A_11 = tpu.memref_squeeze %dma_start3A_10 : memref<1x128x64xf32, #tpu.memory_space<vmem>> -> memref<128x64xf32, #tpu.memory_space<vmem>>
    %dma_start3A_12 = arith.constant 0 : i32
    %dma_start3A_13 = tpu.memref_slice %arg7[%dma_start3A, %dma_start3A_12] : memref<80x128xi32, #tpu.memory_space<vmem>> -> memref<1x128xi32, #tpu.memory_space<vmem>>
    %dma_start3A_14 = tpu.memref_squeeze %dma_start3A_13 : memref<1x128xi32, #tpu.memory_space<vmem>> -> memref<128xi32, #tpu.memory_space<vmem>>
    %dma_start3A_15 = arith.constant 0 : i32
    %dma_start3A_16 = arith.constant 0 : i32
    %dma_start3A_17 = tpu.memref_slice %arg2[%dma_start3A_15, %dma_start3A_16] : memref<10240x64xf32, #tpu.memory_space<hbm>> -> memref<10240x64xf32, #tpu.memory_space<hbm>>
    tpu.enqueue_indirect_dma source(%dma_start3A_17 : memref<10240x64xf32, #tpu.memory_space<hbm>>) target(%dma_start3A_11 : memref<128x64xf32, #tpu.memory_space<vmem>>) offsets(%dma_start3A_14 : memref<128xi32, #tpu.memory_space<vmem>>) semaphore(%arg11 : memref<!tpu.dma_semaphore, #tpu.memory_space<semaphore_mem>>)
    %dma_start3A_18 = arith.constant 1 : i32
    %dma_start3A_19 = arith.constant 1 : i32
    %dma_start3A_20 = arith.constant 0 : i32
    %dma_start3A_21 = arith.constant 0 : i32
    %dma_start3A_22 = tpu.memref_slice %arg9[%dma_start3A_19, %dma_start3A_20, %dma_start3A_21] : memref<6x128x64xf32, #tpu.memory_space<vmem>> -> memref<1x128x64xf32, #tpu.memory_space<vmem>>
    %dma_start3A_23 = tpu.memref_squeeze %dma_start3A_22 : memref<1x128x64xf32, #tpu.memory_space<vmem>> -> memref<128x64xf32, #tpu.memory_space<vmem>>
    %dma_start3A_24 = arith.constant 0 : i32
    %dma_start3A_25 = tpu.memref_slice %arg7[%dma_start3A_18, %dma_start3A_24] : memref<80x128xi32, #tpu.memory_space<vmem>> -> memref<1x128xi32, #tpu.memory_space<vmem>>
    %dma_start3A_26 = tpu.memref_squeeze %dma_start3A_25 : memref<1x128xi32, #tpu.memory_space<vmem>> -> memref<128xi32, #tpu.memory_space<vmem>>
    %dma_start3A_27 = arith.constant 0 : i32
    %dma_start3A_28 = arith.constant 0 : i32
    %dma_start3A_29 = tpu.memref_slice %arg2[%dma_start3A_27, %dma_start3A_28] : memref<10240x64xf32, #tpu.memory_space<hbm>> -> memref<10240x64xf32, #tpu.memory_space<hbm>>
    tpu.enqueue_indirect_dma source(%dma_start3A_29 : memref<10240x64xf32, #tpu.memory_space<hbm>>) target(%dma_start3A_23 : memref<128x64xf32, #tpu.memory_space<vmem>>) offsets(%dma_start3A_26 : memref<128xi32, #tpu.memory_space<vmem>>) semaphore(%arg11 : memref<!tpu.dma_semaphore, #tpu.memory_space<semaphore_mem>>)
    %dma_start3A_30 = arith.constant 2 : i32
    %dma_start3A_31 = arith.constant 2 : i32
    %dma_start3A_32 = arith.constant 0 : i32
    %dma_start3A_33 = arith.constant 0 : i32
    %dma_start3A_34 = tpu.memref_slice %arg9[%dma_start3A_31, %dma_start3A_32, %dma_start3A_33] : memref<6x128x64xf32, #tpu.memory_space<vmem>> -> memref<1x128x64xf32, #tpu.memory_space<vmem>>
    %dma_start3A_35 = tpu.memref_squeeze %dma_start3A_34 : memref<1x128x64xf32, #tpu.memory_space<vmem>> -> memref<128x64xf32, #tpu.memory_space<vmem>>
    %dma_start3A_36 = arith.constant 0 : i32
    %dma_start3A_37 = tpu.memref_slice %arg7[%dma_start3A_30, %dma_start3A_36] : memref<80x128xi32, #tpu.memory_space<vmem>> -> memref<1x128xi32, #tpu.memory_space<vmem>>
    %dma_start3A_38 = tpu.memref_squeeze %dma_start3A_37 : memref<1x128xi32, #tpu.memory_space<vmem>> -> memref<128xi32, #tpu.memory_space<vmem>>
    %dma_start3A_39 = arith.constant 0 : i32
    %dma_start3A_40 = arith.constant 0 : i32
    %dma_start3A_41 = tpu.memref_slice %arg2[%dma_start3A_39, %dma_start3A_40] : memref<10240x64xf32, #tpu.memory_space<hbm>> -> memref<10240x64xf32, #tpu.memory_space<hbm>>
    tpu.enqueue_indirect_dma source(%dma_start3A_41 : memref<10240x64xf32, #tpu.memory_space<hbm>>) target(%dma_start3A_35 : memref<128x64xf32, #tpu.memory_space<vmem>>) offsets(%dma_start3A_38 : memref<128xi32, #tpu.memory_space<vmem>>) semaphore(%arg11 : memref<!tpu.dma_semaphore, #tpu.memory_space<semaphore_mem>>)
    %dma_start3A_42 = arith.constant 3 : i32
    %dma_start3A_43 = arith.constant 3 : i32
    %dma_start3A_44 = arith.constant 0 : i32
    %dma_start3A_45 = arith.constant 0 : i32
    %dma_start3A_46 = tpu.memref_slice %arg9[%dma_start3A_43, %dma_start3A_44, %dma_start3A_45] : memref<6x128x64xf32, #tpu.memory_space<vmem>> -> memref<1x128x64xf32, #tpu.memory_space<vmem>>
    %dma_start3A_47 = tpu.memref_squeeze %dma_start3A_46 : memref<1x128x64xf32, #tpu.memory_space<vmem>> -> memref<128x64xf32, #tpu.memory_space<vmem>>
    %dma_start3A_48 = arith.constant 0 : i32
    %dma_start3A_49 = tpu.memref_slice %arg7[%dma_start3A_42, %dma_start3A_48] : memref<80x128xi32, #tpu.memory_space<vmem>> -> memref<1x128xi32, #tpu.memory_space<vmem>>
    %dma_start3A_50 = tpu.memref_squeeze %dma_start3A_49 : memref<1x128xi32, #tpu.memory_space<vmem>> -> memref<128xi32, #tpu.memory_space<vmem>>
    %dma_start3A_51 = arith.constant 0 : i32
    %dma_start3A_52 = arith.constant 0 : i32
    %dma_start3A_53 = tpu.memref_slice %arg2[%dma_start3A_51, %dma_start3A_52] : memref<10240x64xf32, #tpu.memory_space<hbm>> -> memref<10240x64xf32, #tpu.memory_space<hbm>>
    tpu.enqueue_indirect_dma source(%dma_start3A_53 : memref<10240x64xf32, #tpu.memory_space<hbm>>) target(%dma_start3A_47 : memref<128x64xf32, #tpu.memory_space<vmem>>) offsets(%dma_start3A_50 : memref<128xi32, #tpu.memory_space<vmem>>) semaphore(%arg11 : memref<!tpu.dma_semaphore, #tpu.memory_space<semaphore_mem>>)
    %dma_start3A_54 = arith.constant 4 : i32
    %dma_start3A_55 = arith.constant 4 : i32
    %dma_start3A_56 = arith.constant 0 : i32
    %dma_start3A_57 = arith.constant 0 : i32
    %dma_start3A_58 = tpu.memref_slice %arg9[%dma_start3A_55, %dma_start3A_56, %dma_start3A_57] : memref<6x128x64xf32, #tpu.memory_space<vmem>> -> memref<1x128x64xf32, #tpu.memory_space<vmem>>
    %dma_start3A_59 = tpu.memref_squeeze %dma_start3A_58 : memref<1x128x64xf32, #tpu.memory_space<vmem>> -> memref<128x64xf32, #tpu.memory_space<vmem>>
    %dma_start3A_60 = arith.constant 0 : i32
    %dma_start3A_61 = tpu.memref_slice %arg7[%dma_start3A_54, %dma_start3A_60] : memref<80x128xi32, #tpu.memory_space<vmem>> -> memref<1x128xi32, #tpu.memory_space<vmem>>
    %dma_start3A_62 = tpu.memref_squeeze %dma_start3A_61 : memref<1x128xi32, #tpu.memory_space<vmem>> -> memref<128xi32, #tpu.memory_space<vmem>>
    %dma_start3A_63 = arith.constant 0 : i32
    %dma_start3A_64 = arith.constant 0 : i32
    %dma_start3A_65 = tpu.memref_slice %arg2[%dma_start3A_63, %dma_start3A_64] : memref<10240x64xf32, #tpu.memory_space<hbm>> -> memref<10240x64xf32, #tpu.memory_space<hbm>>
    tpu.enqueue_indirect_dma source(%dma_start3A_65 : memref<10240x64xf32, #tpu.memory_space<hbm>>) target(%dma_start3A_59 : memref<128x64xf32, #tpu.memory_space<vmem>>) offsets(%dma_start3A_62 : memref<128xi32, #tpu.memory_space<vmem>>) semaphore(%arg11 : memref<!tpu.dma_semaphore, #tpu.memory_space<semaphore_mem>>)
    "tpu.region"() ({
      %run_scoped3A = tpu.sem_alloc : memref<!tpu.dma_semaphore, #tpu.memory_space<semaphore_mem>>
      %dma_start3A_88 = arith.constant 0 : i32
      %dma_start3A_89 = arith.constant 0 : i32
      %dma_start3A_90 = tpu.memref_slice %arg4[%arg0, %arg1, %dma_start3A_88, %dma_start3A_89] : memref<2x16x80x128xi32, #tpu.memory_space<hbm>> -> memref<1x1x80x128xi32, #tpu.memory_space<hbm>>
      %dma_start3A_91 = tpu.memref_squeeze %dma_start3A_90 : memref<1x1x80x128xi32, #tpu.memory_space<hbm>> -> memref<80x128xi32, #tpu.memory_space<hbm>>
      %dma_start3A_92 = arith.constant 0 : i32
      %dma_start3A_93 = arith.constant 0 : i32
      %dma_start3A_94 = tpu.memref_slice %arg4[%arg0, %arg1, %dma_start3A_92, %dma_start3A_93] : memref<2x16x80x128xi32, #tpu.memory_space<hbm>> -> memref<1x1x80x128xi32, #tpu.memory_space<hbm>>
      %dma_start3A_95 = tpu.memref_squeeze %dma_start3A_94 : memref<1x1x80x128xi32, #tpu.memory_space<hbm>> -> memref<80x128xi32, #tpu.memory_space<hbm>>
      tpu.enqueue_dma source(%dma_start3A_95 : memref<80x128xi32, #tpu.memory_space<hbm>>) target(%arg8 : memref<80x128xi32, #tpu.memory_space<vmem>>) target_semaphore(%run_scoped3A : memref<!tpu.dma_semaphore, #tpu.memory_space<semaphore_mem>>)
      %dma_wait3A_96 = arith.constant 0 : i32
      %dma_wait3A_97 = arith.constant 0 : i32
      %dma_wait3A_98 = tpu.memref_slice %arg4[%arg0, %arg1, %dma_wait3A_96, %dma_wait3A_97] : memref<2x16x80x128xi32, #tpu.memory_space<hbm>> -> memref<1x1x80x128xi32, #tpu.memory_space<hbm>>
      %dma_wait3A_99 = tpu.memref_squeeze %dma_wait3A_98 : memref<1x1x80x128xi32, #tpu.memory_space<hbm>> -> memref<80x128xi32, #tpu.memory_space<hbm>>
      %dma_wait3A_100 = arith.constant 0 : i32
      %dma_wait3A_101 = arith.constant 0 : i32
      %dma_wait3A_102 = tpu.memref_slice %arg4[%arg0, %arg1, %dma_wait3A_100, %dma_wait3A_101] : memref<2x16x80x128xi32, #tpu.memory_space<hbm>> -> memref<1x1x80x128xi32, #tpu.memory_space<hbm>>
      %dma_wait3A_103 = tpu.memref_squeeze %dma_wait3A_102 : memref<1x1x80x128xi32, #tpu.memory_space<hbm>> -> memref<80x128xi32, #tpu.memory_space<hbm>>
      tpu.wait_dma2 semaphore(%run_scoped3A : memref<!tpu.dma_semaphore, #tpu.memory_space<semaphore_mem>>) src(%dma_wait3A_103 : memref<80x128xi32, #tpu.memory_space<hbm>>) dst(%arg8 : memref<80x128xi32, #tpu.memory_space<vmem>>)
      tpu.yield
    }) : () -> ()
    %dma_wait3A = arith.constant 0 : i32
    %dma_wait3A_66 = tpu.memref_slice %arg10[%mul3A_0, %dma_wait3A] : memref<10240x64xf32, #tpu.memory_space<vmem_shared>> -> memref<640x64xf32, #tpu.memory_space<vmem_shared>>
    %dma_wait3A_67 = arith.constant 0 : i32
    %dma_wait3A_68 = tpu.memref_slice %arg5[%mul3A_0, %dma_wait3A_67] : memref<10240x64xf32, #tpu.memory_space<hbm>> -> memref<640x64xf32, #tpu.memory_space<hbm>>
    tpu.wait_dma2 semaphore(%arg12 : memref<!tpu.dma_semaphore, #tpu.memory_space<semaphore_mem>>) src(%dma_wait3A_68 : memref<640x64xf32, #tpu.memory_space<hbm>>) dst(%dma_wait3A_66 : memref<640x64xf32, #tpu.memory_space<vmem_shared>>)
    %barrier3A = arith.constant 0 : index
    tpu.barrier barrier_id(%barrier3A)
    %scan3A = arith.constant 0 : i32
    %scan3A_69 = arith.constant 0 : i32
    %scan3A_70 = arith.constant 80 : i32
    %scan3A_71 = arith.addi %scan3A_69, %scan3A_70 : i32
    %scan3A_72 = arith.constant 1 : i32
    scf.for %scan3A_88 = %scan3A_69 to %scan3A_71 step %scan3A_72  : i32 {
      %rem3A_89 = arith.constant 6 : i32
      %rem3A_90 = arith.remsi %scan3A_88, %rem3A_89 : i32
      %dma_wait3A_91 = arith.constant 0 : i32
      %dma_wait3A_92 = arith.constant 0 : i32
      %dma_wait3A_93 = tpu.memref_slice %arg9[%rem3A_90, %dma_wait3A_91, %dma_wait3A_92] : memref<6x128x64xf32, #tpu.memory_space<vmem>> -> memref<1x128x64xf32, #tpu.memory_space<vmem>>
      %dma_wait3A_94 = tpu.memref_squeeze %dma_wait3A_93 : memref<1x128x64xf32, #tpu.memory_space<vmem>> -> memref<128x64xf32, #tpu.memory_space<vmem>>
      %dma_wait3A_95 = arith.constant 0 : i32
      %dma_wait3A_96 = tpu.memref_slice %arg7[%scan3A_88, %dma_wait3A_95] : memref<80x128xi32, #tpu.memory_space<vmem>> -> memref<1x128xi32, #tpu.memory_space<vmem>>
      %dma_wait3A_97 = tpu.memref_squeeze %dma_wait3A_96 : memref<1x128xi32, #tpu.memory_space<vmem>> -> memref<128xi32, #tpu.memory_space<vmem>>
      %dma_wait3A_98 = arith.constant 0 : i32
      %dma_wait3A_99 = arith.constant 0 : i32
      %dma_wait3A_100 = tpu.memref_slice %arg2[%dma_wait3A_98, %dma_wait3A_99] : memref<10240x64xf32, #tpu.memory_space<hbm>> -> memref<10240x64xf32, #tpu.memory_space<hbm>>
      tpu.wait_indirect_dma semaphore(%arg11 : memref<!tpu.dma_semaphore, #tpu.memory_space<semaphore_mem>>) src(%dma_wait3A_100 : memref<10240x64xf32, #tpu.memory_space<hbm>>) dst(%dma_wait3A_94 : memref<128x64xf32, #tpu.memory_space<vmem>>)
      %dma_start3A_101 = arith.constant 0 : i32
      %dma_start3A_102 = arith.constant 0 : i32
      %dma_start3A_103 = tpu.memref_slice %arg9[%rem3A_90, %dma_start3A_101, %dma_start3A_102] : memref<6x128x64xf32, #tpu.memory_space<vmem>> -> memref<1x128x64xf32, #tpu.memory_space<vmem>>
      %dma_start3A_104 = tpu.memref_squeeze %dma_start3A_103 : memref<1x128x64xf32, #tpu.memory_space<vmem>> -> memref<128x64xf32, #tpu.memory_space<vmem>>
      %dma_start3A_105 = arith.constant 0 : i32
      %dma_start3A_106 = tpu.memref_slice %arg8[%scan3A_88, %dma_start3A_105] : memref<80x128xi32, #tpu.memory_space<vmem>> -> memref<1x128xi32, #tpu.memory_space<vmem>>
      %dma_start3A_107 = tpu.memref_squeeze %dma_start3A_106 : memref<1x128xi32, #tpu.memory_space<vmem>> -> memref<128xi32, #tpu.memory_space<vmem>>
      %dma_start3A_108 = arith.constant 0 : i32
      %dma_start3A_109 = arith.constant 0 : i32
      %dma_start3A_110 = tpu.memref_slice %arg10[%dma_start3A_108, %dma_start3A_109] : memref<10240x64xf32, #tpu.memory_space<vmem_shared>> -> memref<10240x64xf32, #tpu.memory_space<vmem_shared>>
      tpu.enqueue_indirect_dma source(%dma_start3A_104 : memref<128x64xf32, #tpu.memory_space<vmem>>) target(%dma_start3A_110 : memref<10240x64xf32, #tpu.memory_space<vmem_shared>>) offsets(%dma_start3A_107 : memref<128xi32, #tpu.memory_space<vmem>>) semaphore(%arg12 : memref<!tpu.dma_semaphore, #tpu.memory_space<semaphore_mem>>) {add = true}
      %ge3A = arith.constant 1 : i32
      %ge3A_111 = arith.cmpi sge, %scan3A_88, %ge3A : i32
      %convert_element_type3A_112 = arith.extui %ge3A_111 : i1 to i32
      %cond3A_113 = arith.constant 0 : i32
      %cond3A_114 = arith.cmpi ne, %convert_element_type3A_112, %cond3A_113 : i32
      scf.if %cond3A_114 {
        %sub3A_121 = arith.constant 1 : i32
        %sub3A_122 = arith.subi %scan3A_88, %sub3A_121 : i32
        %rem3A_123 = arith.constant 6 : i32
        %rem3A_124 = arith.remsi %sub3A_122, %rem3A_123 : i32
        %sub3A_125 = arith.constant 1 : i32
        %sub3A_126 = arith.subi %scan3A_88, %sub3A_125 : i32
        %dma_wait3A_127 = arith.constant 0 : i32
        %dma_wait3A_128 = arith.constant 0 : i32
        %dma_wait3A_129 = tpu.memref_slice %arg9[%rem3A_124, %dma_wait3A_127, %dma_wait3A_128] : memref<6x128x64xf32, #tpu.memory_space<vmem>> -> memref<1x128x64xf32, #tpu.memory_space<vmem>>
        %dma_wait3A_130 = tpu.memref_squeeze %dma_wait3A_129 : memref<1x128x64xf32, #tpu.memory_space<vmem>> -> memref<128x64xf32, #tpu.memory_space<vmem>>
        %dma_wait3A_131 = arith.constant 0 : i32
        %dma_wait3A_132 = tpu.memref_slice %arg8[%sub3A_126, %dma_wait3A_131] : memref<80x128xi32, #tpu.memory_space<vmem>> -> memref<1x128xi32, #tpu.memory_space<vmem>>
        %dma_wait3A_133 = tpu.memref_squeeze %dma_wait3A_132 : memref<1x128xi32, #tpu.memory_space<vmem>> -> memref<128xi32, #tpu.memory_space<vmem>>
        %dma_wait3A_134 = arith.constant 0 : i32
        %dma_wait3A_135 = arith.constant 0 : i32
        %dma_wait3A_136 = tpu.memref_slice %arg10[%dma_wait3A_134, %dma_wait3A_135] : memref<10240x64xf32, #tpu.memory_space<vmem_shared>> -> memref<10240x64xf32, #tpu.memory_space<vmem_shared>>
        tpu.wait_indirect_dma semaphore(%arg12 : memref<!tpu.dma_semaphore, #tpu.memory_space<semaphore_mem>>) src(%dma_wait3A_130 : memref<128x64xf32, #tpu.memory_space<vmem>>) dst(%dma_wait3A_136 : memref<10240x64xf32, #tpu.memory_space<vmem_shared>>)
      } else {
      }
      %add3A = arith.constant 6 : i32
      %add3A_115 = arith.addi %scan3A_88, %add3A : i32
      %sub3A = arith.constant 1 : i32
      %sub3A_116 = arith.subi %add3A_115, %sub3A : i32
      %lt3A = arith.constant 80 : i32
      %lt3A_117 = arith.cmpi slt, %sub3A_116, %lt3A : i32
      %convert_element_type3A_118 = arith.extui %lt3A_117 : i1 to i32
      %cond3A_119 = arith.constant 0 : i32
      %cond3A_120 = arith.cmpi ne, %convert_element_type3A_118, %cond3A_119 : i32
      scf.if %cond3A_120 {
        %add3A_121 = arith.constant 6 : i32
        %add3A_122 = arith.addi %scan3A_88, %add3A_121 : i32
        %sub3A_123 = arith.constant 1 : i32
        %sub3A_124 = arith.subi %add3A_122, %sub3A_123 : i32
        %rem3A_125 = arith.constant 6 : i32
        %rem3A_126 = arith.remsi %sub3A_124, %rem3A_125 : i32
        %add3A_127 = arith.constant 6 : i32
        %add3A_128 = arith.addi %scan3A_88, %add3A_127 : i32
        %sub3A_129 = arith.constant 1 : i32
        %sub3A_130 = arith.subi %add3A_128, %sub3A_129 : i32
        %dma_start3A_131 = arith.constant 0 : i32
        %dma_start3A_132 = arith.constant 0 : i32
        %dma_start3A_133 = tpu.memref_slice %arg9[%rem3A_126, %dma_start3A_131, %dma_start3A_132] : memref<6x128x64xf32, #tpu.memory_space<vmem>> -> memref<1x128x64xf32, #tpu.memory_space<vmem>>
        %dma_start3A_134 = tpu.memref_squeeze %dma_start3A_133 : memref<1x128x64xf32, #tpu.memory_space<vmem>> -> memref<128x64xf32, #tpu.memory_space<vmem>>
        %dma_start3A_135 = arith.constant 0 : i32
        %dma_start3A_136 = tpu.memref_slice %arg7[%sub3A_130, %dma_start3A_135] : memref<80x128xi32, #tpu.memory_space<vmem>> -> memref<1x128xi32, #tpu.memory_space<vmem>>
        %dma_start3A_137 = tpu.memref_squeeze %dma_start3A_136 : memref<1x128xi32, #tpu.memory_space<vmem>> -> memref<128xi32, #tpu.memory_space<vmem>>
        %dma_start3A_138 = arith.constant 0 : i32
        %dma_start3A_139 = arith.constant 0 : i32
        %dma_start3A_140 = tpu.memref_slice %arg2[%dma_start3A_138, %dma_start3A_139] : memref<10240x64xf32, #tpu.memory_space<hbm>> -> memref<10240x64xf32, #tpu.memory_space<hbm>>
        tpu.enqueue_indirect_dma source(%dma_start3A_140 : memref<10240x64xf32, #tpu.memory_space<hbm>>) target(%dma_start3A_134 : memref<128x64xf32, #tpu.memory_space<vmem>>) offsets(%dma_start3A_137 : memref<128xi32, #tpu.memory_space<vmem>>) semaphore(%arg11 : memref<!tpu.dma_semaphore, #tpu.memory_space<semaphore_mem>>)
      } else {
      }
    }
    %scan3A_73 = arith.constant 80 : i32
    %rem3A = arith.constant 79 : i32
    %rem3A_74 = arith.constant 6 : i32
    %rem3A_75 = arith.remsi %rem3A, %rem3A_74 : i32
    %dma_wait3A_76 = arith.constant 79 : i32
    %dma_wait3A_77 = arith.constant 0 : i32
    %dma_wait3A_78 = arith.constant 0 : i32
    %dma_wait3A_79 = tpu.memref_slice %arg9[%rem3A_75, %dma_wait3A_77, %dma_wait3A_78] : memref<6x128x64xf32, #tpu.memory_space<vmem>> -> memref<1x128x64xf32, #tpu.memory_space<vmem>>
    %dma_wait3A_80 = tpu.memref_squeeze %dma_wait3A_79 : memref<1x128x64xf32, #tpu.memory_space<vmem>> -> memref<128x64xf32, #tpu.memory_space<vmem>>
    %dma_wait3A_81 = arith.constant 0 : i32
    %dma_wait3A_82 = tpu.memref_slice %arg8[%dma_wait3A_76, %dma_wait3A_81] : memref<80x128xi32, #tpu.memory_space<vmem>> -> memref<1x128xi32, #tpu.memory_space<vmem>>
    %dma_wait3A_83 = tpu.memref_squeeze %dma_wait3A_82 : memref<1x128xi32, #tpu.memory_space<vmem>> -> memref<128xi32, #tpu.memory_space<vmem>>
    %dma_wait3A_84 = arith.constant 0 : i32
    %dma_wait3A_85 = arith.constant 0 : i32
    %dma_wait3A_86 = tpu.memref_slice %arg10[%dma_wait3A_84, %dma_wait3A_85] : memref<10240x64xf32, #tpu.memory_space<vmem_shared>> -> memref<10240x64xf32, #tpu.memory_space<vmem_shared>>
    tpu.wait_indirect_dma semaphore(%arg12 : memref<!tpu.dma_semaphore, #tpu.memory_space<semaphore_mem>>) src(%dma_wait3A_80 : memref<128x64xf32, #tpu.memory_space<vmem>>) dst(%dma_wait3A_86 : memref<10240x64xf32, #tpu.memory_space<vmem_shared>>)
    %barrier3A_87 = arith.constant 0 : index
    tpu.barrier barrier_id(%barrier3A_87)
    "tpu.region"() ({
      %run_scoped3A = tpu.sem_alloc : memref<!tpu.dma_semaphore, #tpu.memory_space<semaphore_mem>>
      %dma_start3A_88 = arith.constant 0 : i32
      %dma_start3A_89 = arith.constant 0 : i32
      %dma_start3A_90 = tpu.memref_slice %arg6[%arg0, %dma_start3A_88, %dma_start3A_89] : memref<2x10240x64xf32, #tpu.memory_space<hbm>> -> memref<1x10240x64xf32, #tpu.memory_space<hbm>>
      %dma_start3A_91 = tpu.memref_squeeze %dma_start3A_90 : memref<1x10240x64xf32, #tpu.memory_space<hbm>> -> memref<10240x64xf32, #tpu.memory_space<hbm>>
      %dma_start3A_92 = arith.constant 0 : i32
      %dma_start3A_93 = tpu.memref_slice %dma_start3A_91[%mul3A_0, %dma_start3A_92] : memref<10240x64xf32, #tpu.memory_space<hbm>> -> memref<640x64xf32, #tpu.memory_space<hbm>>
      %dma_start3A_94 = arith.constant 0 : i32
      %dma_start3A_95 = tpu.memref_slice %arg10[%mul3A_0, %dma_start3A_94] : memref<10240x64xf32, #tpu.memory_space<vmem_shared>> -> memref<640x64xf32, #tpu.memory_space<vmem_shared>>
      tpu.enqueue_dma source(%dma_start3A_95 : memref<640x64xf32, #tpu.memory_space<vmem_shared>>) target(%dma_start3A_93 : memref<640x64xf32, #tpu.memory_space<hbm>>) target_semaphore(%run_scoped3A : memref<!tpu.dma_semaphore, #tpu.memory_space<semaphore_mem>>)
      %dma_wait3A_96 = arith.constant 0 : i32
      %dma_wait3A_97 = arith.constant 0 : i32
      %dma_wait3A_98 = tpu.memref_slice %arg6[%arg0, %dma_wait3A_96, %dma_wait3A_97] : memref<2x10240x64xf32, #tpu.memory_space<hbm>> -> memref<1x10240x64xf32, #tpu.memory_space<hbm>>
      %dma_wait3A_99 = tpu.memref_squeeze %dma_wait3A_98 : memref<1x10240x64xf32, #tpu.memory_space<hbm>> -> memref<10240x64xf32, #tpu.memory_space<hbm>>
      %dma_wait3A_100 = arith.constant 0 : i32
      %dma_wait3A_101 = tpu.memref_slice %dma_wait3A_99[%mul3A_0, %dma_wait3A_100] : memref<10240x64xf32, #tpu.memory_space<hbm>> -> memref<640x64xf32, #tpu.memory_space<hbm>>
      %dma_wait3A_102 = arith.constant 0 : i32
      %dma_wait3A_103 = tpu.memref_slice %arg10[%mul3A_0, %dma_wait3A_102] : memref<10240x64xf32, #tpu.memory_space<vmem_shared>> -> memref<640x64xf32, #tpu.memory_space<vmem_shared>>
      tpu.wait_dma2 semaphore(%run_scoped3A : memref<!tpu.dma_semaphore, #tpu.memory_space<semaphore_mem>>) src(%dma_wait3A_103 : memref<640x64xf32, #tpu.memory_space<vmem_shared>>) dst(%dma_wait3A_101 : memref<640x64xf32, #tpu.memory_space<hbm>>)
      tpu.yield
    }) : () -> ()
    return
  }
}

module attributes {stable_mosaic.version = 14 : i64} {
  func.func @body(%arg0: i32, %arg1: memref<2048x128xf32, #tpu.memory_space<vmem>>, %arg2: memref<128x64xf32, #tpu.memory_space<vmem>>, %arg3: memref<2048x64xf32, #tpu.memory_space<vmem>>, %arg4: memref<2048x64xf32, #tpu.memory_space<vmem>>, %arg5: memref<2048x64xf32, #tpu.memory_space<vmem>>) attributes {dimension_semantics = [#tpu.dimension_semantics<arbitrary>], iteration_bounds = array<i64: 5>, scalar_prefetch = 0 : i64, scratch_operands = 0 : i64, tpu.core_type = #tpu.core_type<tc>, window_params = [{transform_indices = @transform_0, window_bounds = array<i64: 2048, 128>}, {pipeline_mode = #tpu.pipeline_mode<synchronous>, transform_indices = @transform_1, window_bounds = array<i64: 128, 64>}, {transform_indices = @transform_2, window_bounds = array<i64: 2048, 64>}, {transform_indices = @transform_3, window_bounds = array<i64: 2048, 64>}, {transform_indices = @transform_4, window_bounds = array<i64: 2048, 64>}]} {
    %get3A = arith.constant 0 : index
    %get3A_0 = arith.constant 0 : index
    %get3A_1 = vector.load %arg3[%get3A, %get3A_0] : memref<2048x64xf32, #tpu.memory_space<vmem>>, vector<2048x1xf32>
    %get3A_2 = arith.constant 0 : index
    %get3A_3 = arith.constant 0 : index
    %get3A_4 = vector.load %arg4[%get3A_2, %get3A_3] : memref<2048x64xf32, #tpu.memory_space<vmem>>, vector<2048x1xf32>
    %add3A = arith.addf %get3A_1, %get3A_4 : vector<2048x1xf32>
    %add3A_5 = arith.constant 1.000000e+00 : f32
    %add3A_6 = vector.broadcast %add3A_5 : f32 to vector<2048x1xf32>
    %add3A_7 = arith.addf %add3A, %add3A_6 : vector<2048x1xf32>
    %iota3A = tpu.iota {dimensions = array<i32: 0>} : vector<2048x1xi32>
    %mul3A = arith.constant 2048 : i32
    %mul3A_8 = arith.muli %arg0, %mul3A : i32
    %add3A_9 = vector.broadcast %mul3A_8 : i32 to vector<2048x1xi32>
    %add3A_10 = arith.addi %iota3A, %add3A_9 : vector<2048x1xi32>
    %lt3A = arith.constant 10000 : i32
    %lt3A_11 = vector.broadcast %lt3A : i32 to vector<2048x1xi32>
    %lt3A_12 = arith.cmpi slt, %add3A_10, %lt3A_11 : vector<2048x1xi32>
    %rsqrt3A = math.rsqrt %add3A_7 : vector<2048x1xf32>
    %jit3A = arith.constant 0.000000e+00 : f32
    %broadcast_in_dim3A = vector.broadcast %jit3A : f32 to vector<2048x1xf32>
    %select_n3A = arith.select %lt3A_12, %rsqrt3A, %broadcast_in_dim3A : vector<2048x1xi1>, vector<2048x1xf32>
    %get3A_13 = arith.constant 0 : index
    %get3A_14 = arith.constant 0 : index
    %get3A_15 = vector.load %arg1[%get3A_13, %get3A_14] : memref<2048x128xf32, #tpu.memory_space<vmem>>, vector<2048x128xf32>
    %get3A_16 = arith.constant 0 : index
    %get3A_17 = arith.constant 0 : index
    %get3A_18 = vector.load %arg2[%get3A_16, %get3A_17] : memref<128x64xf32, #tpu.memory_space<vmem>>, vector<128x64xf32>
    %dot_general3A = arith.constant dense<0.000000e+00> : vector<2048x64xf32>
    %dot_general3A_19 = tpu.matmul %get3A_15, %get3A_18, %dot_general3A {dimension_numbers = #tpu.dot_dimension_numbers<[1], [0], [0], [1], [0, 0, 1, 1], [], []>, transpose_lhs_hint = false} : vector<2048x128xf32>, vector<128x64xf32>, vector<2048x64xf32> -> vector<2048x64xf32>
    %mul3A_20 = vector.broadcast %select_n3A : vector<2048x1xf32> to vector<2048x64xf32>
    %mul3A_21 = arith.mulf %dot_general3A_19, %mul3A_20 : vector<2048x64xf32>
    %swap3A = arith.constant 0 : index
    %swap3A_22 = arith.constant 0 : index
    %swap3A_23 = vector.load %arg5[%swap3A, %swap3A_22] : memref<2048x64xf32, #tpu.memory_space<vmem>>, vector<2048x64xf32>
    tpu.vector_store %arg5[%swap3A, %swap3A_22], %mul3A_21 {strides = array<i32>} : memref<2048x64xf32, #tpu.memory_space<vmem>>, vector<2048x64xf32>,
    return
  }
  func.func @transform_0(%arg0: i32) -> (i32, i32) {
    %c0_i32 = arith.constant 0 : i32
    %c0_i32_0 = arith.constant 0 : i32
    return %arg0, %c0_i32 : i32, i32
  }
  func.func @transform_1(%arg0: i32) -> (i32, i32) {
    %c0_i32 = arith.constant 0 : i32
    %c0_i32_0 = arith.constant 0 : i32
    %c0_i32_1 = arith.constant 0 : i32
    return %c0_i32, %c0_i32_0 : i32, i32
  }
  func.func @transform_2(%arg0: i32) -> (i32, i32) {
    %c0_i32 = arith.constant 0 : i32
    %c0_i32_0 = arith.constant 0 : i32
    return %arg0, %c0_i32 : i32, i32
  }
  func.func @transform_3(%arg0: i32) -> (i32, i32) {
    %c0_i32 = arith.constant 0 : i32
    %c0_i32_0 = arith.constant 0 : i32
    return %arg0, %c0_i32 : i32, i32
  }
  func.func @transform_4(%arg0: i32) -> (i32, i32) {
    %c0_i32 = arith.constant 0 : i32
    %c0_i32_0 = arith.constant 0 : i32
    return %arg0, %c0_i32 : i32, i32
  }
}

module attributes {stable_mosaic.version = 14 : i64} {
  func.func @body(%arg0: i32, %arg1: memref<1x1024x128xf32, #tpu.memory_space<vmem>>, %arg2: memref<1x1024x128xf32, #tpu.memory_space<vmem>>, %arg3: memref<1x1024x128xf32, #tpu.memory_space<vmem>>, %arg4: memref<1x1024x128xf32, #tpu.memory_space<vmem>>, %arg5: memref<1x128xf32, #tpu.memory_space<vmem>>, %arg6: memref<64x64xf32, #tpu.memory_space<vmem>>, %arg7: memref<1024x128xf32, #tpu.memory_space<vmem>>) attributes {dimension_semantics = [#tpu.dimension_semantics<arbitrary>], iteration_bounds = array<i64: 5>, scalar_prefetch = 0 : i64, scratch_operands = 0 : i64, tpu.core_type = #tpu.core_type<tc>, window_params = [{transform_indices = @transform_0, window_bounds = array<i64: 1, 1024, 128>}, {transform_indices = @transform_1, window_bounds = array<i64: 1, 1024, 128>}, {transform_indices = @transform_2, window_bounds = array<i64: 1, 1024, 128>}, {transform_indices = @transform_3, window_bounds = array<i64: 1, 1024, 128>}, {pipeline_mode = #tpu.pipeline_mode<synchronous>, transform_indices = @transform_4, window_bounds = array<i64: 1, 128>}, {pipeline_mode = #tpu.pipeline_mode<synchronous>, transform_indices = @transform_5, window_bounds = array<i64: 64, 64>}, {transform_indices = @transform_6, window_bounds = array<i64: 1024, 128>}]} {
    %get3A = arith.constant 0 : index
    %get3A_0 = arith.constant 0 : index
    %get3A_1 = arith.constant 0 : index
    %get3A_2 = vector.load %arg3[%get3A, %get3A_0, %get3A_1] : memref<1x1024x128xf32, #tpu.memory_space<vmem>>, vector<1x1024x128xf32>
    %get3A_3 = vector.shape_cast %get3A_2 : vector<1x1024x128xf32> to vector<1024x128xf32>
    %get3A_4 = arith.constant 0 : index
    %get3A_5 = arith.constant 0 : index
    %get3A_6 = arith.constant 0 : index
    %get3A_7 = vector.load %arg4[%get3A_4, %get3A_5, %get3A_6] : memref<1x1024x128xf32, #tpu.memory_space<vmem>>, vector<1x1024x128xf32>
    %get3A_8 = vector.shape_cast %get3A_7 : vector<1x1024x128xf32> to vector<1024x128xf32>
    %add3A = arith.addf %get3A_3, %get3A_8 : vector<1024x128xf32>
    %add3A_9 = arith.constant 1.000000e+00 : f32
    %add3A_10 = vector.broadcast %add3A_9 : f32 to vector<1024x128xf32>
    %add3A_11 = arith.addf %add3A, %add3A_10 : vector<1024x128xf32>
    %iota3A = tpu.iota {dimensions = array<i32: 0>} : vector<1024x128xi32>
    %iota3A_12 = tpu.iota {dimensions = array<i32: 1>} : vector<1024x128xi32>
    %mul3A = arith.constant 1024 : i32
    %mul3A_13 = arith.muli %arg0, %mul3A : i32
    %add3A_14 = vector.broadcast %mul3A_13 : i32 to vector<1024x128xi32>
    %add3A_15 = arith.addi %add3A_14, %iota3A : vector<1024x128xi32>
    %mul3A_16 = arith.constant 2 : i32
    %mul3A_17 = vector.broadcast %mul3A_16 : i32 to vector<1024x128xi32>
    %mul3A_18 = arith.muli %mul3A_17, %add3A_15 : vector<1024x128xi32>
    %ge3A = arith.constant 64 : i32
    %ge3A_19 = vector.broadcast %ge3A : i32 to vector<1024x128xi32>
    %ge3A_20 = arith.cmpi sge, %iota3A_12, %ge3A_19 : vector<1024x128xi32>
    %jit3A = arith.constant 1 : i32
    %jit3A_21 = arith.constant 0 : i32
    %broadcast_in_dim3A = vector.broadcast %jit3A : i32 to vector<1024x128xi32>
    %broadcast_in_dim3A_22 = vector.broadcast %jit3A_21 : i32 to vector<1024x128xi32>
    %select_n3A = arith.select %ge3A_20, %broadcast_in_dim3A, %broadcast_in_dim3A_22 : vector<1024x128xi1>, vector<1024x128xi32>
    %add3A_23 = arith.addi %mul3A_18, %select_n3A : vector<1024x128xi32>
    %lt3A = arith.constant 10000 : i32
    %lt3A_24 = vector.broadcast %lt3A : i32 to vector<1024x128xi32>
    %lt3A_25 = arith.cmpi slt, %add3A_23, %lt3A_24 : vector<1024x128xi32>
    %rsqrt3A = math.rsqrt %add3A_11 : vector<1024x128xf32>
    %jit3A_26 = arith.constant 0.000000e+00 : f32
    %broadcast_in_dim3A_27 = vector.broadcast %jit3A_26 : f32 to vector<1024x128xf32>
    %select_n3A_28 = arith.select %lt3A_25, %rsqrt3A, %broadcast_in_dim3A_27 : vector<1024x128xi1>, vector<1024x128xf32>
    %get3A_29 = arith.constant 0 : index
    %get3A_30 = arith.constant 0 : index
    %get3A_31 = arith.constant 0 : index
    %get3A_32 = vector.load %arg1[%get3A_29, %get3A_30, %get3A_31] : memref<1x1024x128xf32, #tpu.memory_space<vmem>>, vector<1x1024x128xf32>
    %get3A_33 = vector.shape_cast %get3A_32 : vector<1x1024x128xf32> to vector<1024x128xf32>
    %get3A_34 = arith.constant 0 : index
    %get3A_35 = arith.constant 0 : index
    %get3A_36 = arith.constant 0 : index
    %get3A_37 = vector.load %arg2[%get3A_34, %get3A_35, %get3A_36] : memref<1x1024x128xf32, #tpu.memory_space<vmem>>, vector<1x1024x128xf32>
    %get3A_38 = vector.shape_cast %get3A_37 : vector<1x1024x128xf32> to vector<1024x128xf32>
    %add3A_39 = arith.addf %get3A_33, %get3A_38 : vector<1024x128xf32>
    %mul3A_40 = arith.mulf %select_n3A_28, %add3A_39 : vector<1024x128xf32>
    %get3A_41 = arith.constant 0 : index
    %get3A_42 = arith.constant 0 : index
    %get3A_43 = vector.load %arg5[%get3A_41, %get3A_42] : memref<1x128xf32, #tpu.memory_space<vmem>>, vector<1x128xf32>
    %add3A_44 = vector.broadcast %get3A_43 : vector<1x128xf32> to vector<1024x128xf32>
    %add3A_45 = arith.addf %mul3A_40, %add3A_44 : vector<1024x128xf32>
    %max3A = arith.constant 0.000000e+00 : f32
    %max3A_46 = vector.broadcast %max3A : f32 to vector<1024x128xf32>
    %max3A_47 = arith.maximumf %add3A_45, %max3A_46 : vector<1024x128xf32>
    %slice3A = vector.extract_strided_slice %max3A_47 {offsets = [0, 0], sizes = [1024, 64], strides = [1, 1]} : vector<1024x128xf32> to vector<1024x64xf32>
    %get3A_48 = arith.constant 0 : index
    %get3A_49 = arith.constant 0 : index
    %get3A_50 = vector.load %arg6[%get3A_48, %get3A_49] : memref<64x64xf32, #tpu.memory_space<vmem>>, vector<64x64xf32>
    %dot_general3A = arith.constant dense<0.000000e+00> : vector<1024x64xf32>
    %dot_general3A_51 = tpu.matmul %slice3A, %get3A_50, %dot_general3A {dimension_numbers = #tpu.dot_dimension_numbers<[1], [0], [0], [1], [0, 0, 1, 1], [], []>, transpose_lhs_hint = false} : vector<1024x64xf32>, vector<64x64xf32>, vector<1024x64xf32> -> vector<1024x64xf32>
    %slice3A_52 = vector.extract_strided_slice %max3A_47 {offsets = [0, 64], sizes = [1024, 64], strides = [1, 1]} : vector<1024x128xf32> to vector<1024x64xf32>
    %get3A_53 = arith.constant 0 : index
    %get3A_54 = arith.constant 0 : index
    %get3A_55 = vector.load %arg6[%get3A_53, %get3A_54] : memref<64x64xf32, #tpu.memory_space<vmem>>, vector<64x64xf32>
    %dot_general3A_56 = arith.constant dense<0.000000e+00> : vector<1024x64xf32>
    %dot_general3A_57 = tpu.matmul %slice3A_52, %get3A_55, %dot_general3A_56 {dimension_numbers = #tpu.dot_dimension_numbers<[1], [0], [0], [1], [0, 0, 1, 1], [], []>, transpose_lhs_hint = false} : vector<1024x64xf32>, vector<64x64xf32>, vector<1024x64xf32> -> vector<1024x64xf32>
    %slice3A_58 = vector.extract_strided_slice %select_n3A_28 {offsets = [0, 0], sizes = [1024, 64], strides = [1, 1]} : vector<1024x128xf32> to vector<1024x64xf32>
    %mul3A_59 = arith.mulf %slice3A_58, %dot_general3A_51 : vector<1024x64xf32>
    %slice3A_60 = vector.extract_strided_slice %select_n3A_28 {offsets = [0, 64], sizes = [1024, 64], strides = [1, 1]} : vector<1024x128xf32> to vector<1024x64xf32>
    %mul3A_61 = arith.mulf %slice3A_60, %dot_general3A_57 : vector<1024x64xf32>
    %concatenate3A = tpu.concatenate %mul3A_59, %mul3A_61 in 1 : vector<1024x64xf32>, vector<1024x64xf32> -> vector<1024x128xf32>
    %swap3A = arith.constant 0 : index
    %swap3A_62 = arith.constant 0 : index
    %swap3A_63 = vector.load %arg7[%swap3A, %swap3A_62] : memref<1024x128xf32, #tpu.memory_space<vmem>>, vector<1024x128xf32>
    tpu.vector_store %arg7[%swap3A, %swap3A_62], %concatenate3A {strides = array<i32>} : memref<1024x128xf32, #tpu.memory_space<vmem>>, vector<1024x128xf32>,
    return
  }
  func.func @transform_0(%arg0: i32) -> (i32, i32, i32) {
    %c0_i32 = arith.constant 0 : i32
    %c0_i32_0 = arith.constant 0 : i32
    %c0_i32_1 = arith.constant 0 : i32
    return %c0_i32, %arg0, %c0_i32_0 : i32, i32, i32
  }
  func.func @transform_1(%arg0: i32) -> (i32, i32, i32) {
    %c1_i32 = arith.constant 1 : i32
    %c0_i32 = arith.constant 0 : i32
    %c0_i32_0 = arith.constant 0 : i32
    return %c1_i32, %arg0, %c0_i32 : i32, i32, i32
  }
  func.func @transform_2(%arg0: i32) -> (i32, i32, i32) {
    %c0_i32 = arith.constant 0 : i32
    %c0_i32_0 = arith.constant 0 : i32
    %c0_i32_1 = arith.constant 0 : i32
    return %c0_i32, %arg0, %c0_i32_0 : i32, i32, i32
  }
  func.func @transform_3(%arg0: i32) -> (i32, i32, i32) {
    %c1_i32 = arith.constant 1 : i32
    %c0_i32 = arith.constant 0 : i32
    %c0_i32_0 = arith.constant 0 : i32
    return %c1_i32, %arg0, %c0_i32 : i32, i32, i32
  }
  func.func @transform_4(%arg0: i32) -> (i32, i32) {
    %c0_i32 = arith.constant 0 : i32
    %c0_i32_0 = arith.constant 0 : i32
    %c0_i32_1 = arith.constant 0 : i32
    return %c0_i32, %c0_i32_0 : i32, i32
  }
  func.func @transform_5(%arg0: i32) -> (i32, i32) {
    %c0_i32 = arith.constant 0 : i32
    %c0_i32_0 = arith.constant 0 : i32
    %c0_i32_1 = arith.constant 0 : i32
    return %c0_i32, %c0_i32_0 : i32, i32
  }
  func.func @transform_6(%arg0: i32) -> (i32, i32) {
    %c0_i32 = arith.constant 0 : i32
    %c0_i32_0 = arith.constant 0 : i32
    return %arg0, %c0_i32 : i32, i32
  }
}

module attributes {stable_mosaic.version = 14 : i64} {
  func.func @body(%arg0: i32, %arg1: memref<1x1024x128xf32, #tpu.memory_space<vmem>>, %arg2: memref<1x1024x128xf32, #tpu.memory_space<vmem>>, %arg3: memref<1x1024x128xf32, #tpu.memory_space<vmem>>, %arg4: memref<1x1024x128xf32, #tpu.memory_space<vmem>>, %arg5: memref<1x128xf32, #tpu.memory_space<vmem>>, %arg6: memref<64x64xf32, #tpu.memory_space<vmem>>, %arg7: memref<1x64xf32, #tpu.memory_space<vmem>>, %arg8: memref<1024x128xf32, #tpu.memory_space<vmem>>) attributes {dimension_semantics = [#tpu.dimension_semantics<arbitrary>], iteration_bounds = array<i64: 5>, scalar_prefetch = 0 : i64, scratch_operands = 0 : i64, tpu.core_type = #tpu.core_type<tc>, window_params = [{transform_indices = @transform_0, window_bounds = array<i64: 1, 1024, 128>}, {transform_indices = @transform_1, window_bounds = array<i64: 1, 1024, 128>}, {transform_indices = @transform_2, window_bounds = array<i64: 1, 1024, 128>}, {transform_indices = @transform_3, window_bounds = array<i64: 1, 1024, 128>}, {pipeline_mode = #tpu.pipeline_mode<synchronous>, transform_indices = @transform_4, window_bounds = array<i64: 1, 128>}, {pipeline_mode = #tpu.pipeline_mode<synchronous>, transform_indices = @transform_5, window_bounds = array<i64: 64, 64>}, {pipeline_mode = #tpu.pipeline_mode<synchronous>, transform_indices = @transform_6, window_bounds = array<i64: 1, 64>}, {transform_indices = @transform_7, window_bounds = array<i64: 1024, 128>}]} {
    %get3A = arith.constant 0 : index
    %get3A_0 = arith.constant 0 : index
    %get3A_1 = arith.constant 0 : index
    %get3A_2 = vector.load %arg3[%get3A, %get3A_0, %get3A_1] : memref<1x1024x128xf32, #tpu.memory_space<vmem>>, vector<1x1024x128xf32>
    %get3A_3 = vector.shape_cast %get3A_2 : vector<1x1024x128xf32> to vector<1024x128xf32>
    %get3A_4 = arith.constant 0 : index
    %get3A_5 = arith.constant 0 : index
    %get3A_6 = arith.constant 0 : index
    %get3A_7 = vector.load %arg4[%get3A_4, %get3A_5, %get3A_6] : memref<1x1024x128xf32, #tpu.memory_space<vmem>>, vector<1x1024x128xf32>
    %get3A_8 = vector.shape_cast %get3A_7 : vector<1x1024x128xf32> to vector<1024x128xf32>
    %add3A = arith.addf %get3A_3, %get3A_8 : vector<1024x128xf32>
    %add3A_9 = arith.constant 1.000000e+00 : f32
    %add3A_10 = vector.broadcast %add3A_9 : f32 to vector<1024x128xf32>
    %add3A_11 = arith.addf %add3A, %add3A_10 : vector<1024x128xf32>
    %iota3A = tpu.iota {dimensions = array<i32: 0>} : vector<1024x128xi32>
    %iota3A_12 = tpu.iota {dimensions = array<i32: 1>} : vector<1024x128xi32>
    %mul3A = arith.constant 1024 : i32
    %mul3A_13 = arith.muli %arg0, %mul3A : i32
    %add3A_14 = vector.broadcast %mul3A_13 : i32 to vector<1024x128xi32>
    %add3A_15 = arith.addi %add3A_14, %iota3A : vector<1024x128xi32>
    %mul3A_16 = arith.constant 2 : i32
    %mul3A_17 = vector.broadcast %mul3A_16 : i32 to vector<1024x128xi32>
    %mul3A_18 = arith.muli %mul3A_17, %add3A_15 : vector<1024x128xi32>
    %ge3A = arith.constant 64 : i32
    %ge3A_19 = vector.broadcast %ge3A : i32 to vector<1024x128xi32>
    %ge3A_20 = arith.cmpi sge, %iota3A_12, %ge3A_19 : vector<1024x128xi32>
    %jit3A = arith.constant 1 : i32
    %jit3A_21 = arith.constant 0 : i32
    %broadcast_in_dim3A = vector.broadcast %jit3A : i32 to vector<1024x128xi32>
    %broadcast_in_dim3A_22 = vector.broadcast %jit3A_21 : i32 to vector<1024x128xi32>
    %select_n3A = arith.select %ge3A_20, %broadcast_in_dim3A, %broadcast_in_dim3A_22 : vector<1024x128xi1>, vector<1024x128xi32>
    %add3A_23 = arith.addi %mul3A_18, %select_n3A : vector<1024x128xi32>
    %lt3A = arith.constant 10000 : i32
    %lt3A_24 = vector.broadcast %lt3A : i32 to vector<1024x128xi32>
    %lt3A_25 = arith.cmpi slt, %add3A_23, %lt3A_24 : vector<1024x128xi32>
    %rsqrt3A = math.rsqrt %add3A_11 : vector<1024x128xf32>
    %jit3A_26 = arith.constant 0.000000e+00 : f32
    %broadcast_in_dim3A_27 = vector.broadcast %jit3A_26 : f32 to vector<1024x128xf32>
    %select_n3A_28 = arith.select %lt3A_25, %rsqrt3A, %broadcast_in_dim3A_27 : vector<1024x128xi1>, vector<1024x128xf32>
    %get3A_29 = arith.constant 0 : index
    %get3A_30 = arith.constant 0 : index
    %get3A_31 = arith.constant 0 : index
    %get3A_32 = vector.load %arg1[%get3A_29, %get3A_30, %get3A_31] : memref<1x1024x128xf32, #tpu.memory_space<vmem>>, vector<1x1024x128xf32>
    %get3A_33 = vector.shape_cast %get3A_32 : vector<1x1024x128xf32> to vector<1024x128xf32>
    %get3A_34 = arith.constant 0 : index
    %get3A_35 = arith.constant 0 : index
    %get3A_36 = arith.constant 0 : index
    %get3A_37 = vector.load %arg2[%get3A_34, %get3A_35, %get3A_36] : memref<1x1024x128xf32, #tpu.memory_space<vmem>>, vector<1x1024x128xf32>
    %get3A_38 = vector.shape_cast %get3A_37 : vector<1x1024x128xf32> to vector<1024x128xf32>
    %add3A_39 = arith.addf %get3A_33, %get3A_38 : vector<1024x128xf32>
    %mul3A_40 = arith.mulf %select_n3A_28, %add3A_39 : vector<1024x128xf32>
    %get3A_41 = arith.constant 0 : index
    %get3A_42 = arith.constant 0 : index
    %get3A_43 = vector.load %arg5[%get3A_41, %get3A_42] : memref<1x128xf32, #tpu.memory_space<vmem>>, vector<1x128xf32>
    %add3A_44 = vector.broadcast %get3A_43 : vector<1x128xf32> to vector<1024x128xf32>
    %add3A_45 = arith.addf %mul3A_40, %add3A_44 : vector<1024x128xf32>
    %max3A = arith.constant 0.000000e+00 : f32
    %max3A_46 = vector.broadcast %max3A : f32 to vector<1024x128xf32>
    %max3A_47 = arith.maximumf %add3A_45, %max3A_46 : vector<1024x128xf32>
    %slice3A = vector.extract_strided_slice %max3A_47 {offsets = [0, 0], sizes = [1024, 64], strides = [1, 1]} : vector<1024x128xf32> to vector<1024x64xf32>
    %get3A_48 = arith.constant 0 : index
    %get3A_49 = arith.constant 0 : index
    %get3A_50 = vector.load %arg6[%get3A_48, %get3A_49] : memref<64x64xf32, #tpu.memory_space<vmem>>, vector<64x64xf32>
    %dot_general3A = arith.constant dense<0.000000e+00> : vector<1024x64xf32>
    %dot_general3A_51 = tpu.matmul %slice3A, %get3A_50, %dot_general3A {dimension_numbers = #tpu.dot_dimension_numbers<[1], [0], [0], [1], [0, 0, 1, 1], [], []>, transpose_lhs_hint = false} : vector<1024x64xf32>, vector<64x64xf32>, vector<1024x64xf32> -> vector<1024x64xf32>
    %slice3A_52 = vector.extract_strided_slice %max3A_47 {offsets = [0, 64], sizes = [1024, 64], strides = [1, 1]} : vector<1024x128xf32> to vector<1024x64xf32>
    %get3A_53 = arith.constant 0 : index
    %get3A_54 = arith.constant 0 : index
    %get3A_55 = vector.load %arg6[%get3A_53, %get3A_54] : memref<64x64xf32, #tpu.memory_space<vmem>>, vector<64x64xf32>
    %dot_general3A_56 = arith.constant dense<0.000000e+00> : vector<1024x64xf32>
    %dot_general3A_57 = tpu.matmul %slice3A_52, %get3A_55, %dot_general3A_56 {dimension_numbers = #tpu.dot_dimension_numbers<[1], [0], [0], [1], [0, 0, 1, 1], [], []>, transpose_lhs_hint = false} : vector<1024x64xf32>, vector<64x64xf32>, vector<1024x64xf32> -> vector<1024x64xf32>
    %get3A_58 = arith.constant 0 : index
    %get3A_59 = arith.constant 0 : index
    %get3A_60 = vector.load %arg7[%get3A_58, %get3A_59] : memref<1x64xf32, #tpu.memory_space<vmem>>, vector<1x64xf32>
    %add3A_61 = vector.broadcast %get3A_60 : vector<1x64xf32> to vector<1024x64xf32>
    %add3A_62 = arith.addf %dot_general3A_51, %add3A_61 : vector<1024x64xf32>
    %get3A_63 = arith.constant 0 : index
    %get3A_64 = arith.constant 0 : index
    %get3A_65 = vector.load %arg7[%get3A_63, %get3A_64] : memref<1x64xf32, #tpu.memory_space<vmem>>, vector<1x64xf32>
    %add3A_66 = vector.broadcast %get3A_65 : vector<1x64xf32> to vector<1024x64xf32>
    %add3A_67 = arith.addf %dot_general3A_57, %add3A_66 : vector<1024x64xf32>
    %concatenate3A = tpu.concatenate %add3A_62, %add3A_67 in 1 : vector<1024x64xf32>, vector<1024x64xf32> -> vector<1024x128xf32>
    %swap3A = arith.constant 0 : index
    %swap3A_68 = arith.constant 0 : index
    %swap3A_69 = vector.load %arg8[%swap3A, %swap3A_68] : memref<1024x128xf32, #tpu.memory_space<vmem>>, vector<1024x128xf32>
    tpu.vector_store %arg8[%swap3A, %swap3A_68], %concatenate3A {strides = array<i32>} : memref<1024x128xf32, #tpu.memory_space<vmem>>, vector<1024x128xf32>,
    return
  }
  func.func @transform_0(%arg0: i32) -> (i32, i32, i32) {
    %c0_i32 = arith.constant 0 : i32
    %c0_i32_0 = arith.constant 0 : i32
    %c0_i32_1 = arith.constant 0 : i32
    return %c0_i32, %arg0, %c0_i32_0 : i32, i32, i32
  }
  func.func @transform_1(%arg0: i32) -> (i32, i32, i32) {
    %c1_i32 = arith.constant 1 : i32
    %c0_i32 = arith.constant 0 : i32
    %c0_i32_0 = arith.constant 0 : i32
    return %c1_i32, %arg0, %c0_i32 : i32, i32, i32
  }
  func.func @transform_2(%arg0: i32) -> (i32, i32, i32) {
    %c0_i32 = arith.constant 0 : i32
    %c0_i32_0 = arith.constant 0 : i32
    %c0_i32_1 = arith.constant 0 : i32
    return %c0_i32, %arg0, %c0_i32_0 : i32, i32, i32
  }
  func.func @transform_3(%arg0: i32) -> (i32, i32, i32) {
    %c1_i32 = arith.constant 1 : i32
    %c0_i32 = arith.constant 0 : i32
    %c0_i32_0 = arith.constant 0 : i32
    return %c1_i32, %arg0, %c0_i32 : i32, i32, i32
  }
  func.func @transform_4(%arg0: i32) -> (i32, i32) {
    %c0_i32 = arith.constant 0 : i32
    %c0_i32_0 = arith.constant 0 : i32
    %c0_i32_1 = arith.constant 0 : i32
    return %c0_i32, %c0_i32_0 : i32, i32
  }
  func.func @transform_5(%arg0: i32) -> (i32, i32) {
    %c0_i32 = arith.constant 0 : i32
    %c0_i32_0 = arith.constant 0 : i32
    %c0_i32_1 = arith.constant 0 : i32
    return %c0_i32, %c0_i32_0 : i32, i32
  }
  func.func @transform_6(%arg0: i32) -> (i32, i32) {
    %c0_i32 = arith.constant 0 : i32
    %c0_i32_0 = arith.constant 0 : i32
    %c0_i32_1 = arith.constant 0 : i32
    return %c0_i32, %c0_i32_0 : i32, i32
  }
  func.func @transform_7(%arg0: i32) -> (i32, i32) {
    %c0_i32 = arith.constant 0 : i32
    %c0_i32_0 = arith.constant 0 : i32
    return %arg0, %c0_i32 : i32, i32
  }
}

</mosaic_0001>

<sc_bundles>
// kernel: kernel.12.cloned.1.call-start
scs
__scs_entry_jumppad:
0x0: {  	(pc) =	sbr.rel $0x88, $3  }
0x1: {  	(tag) =	ssettag $0x0;
	lr =	simm.s32 $0x1  }
0x2: {  	[smem:$0x3F95] =	sst lr;
	_ =	strace $0xD0000000  }
0x3: {  	_ = 	snop  }
0x4: {  	_ = 	snop  }
0x5: {  	_ = 	snop  }
0x6: {  	_ = 	snop  }
0x7: {  	_ = 	snop  }
__scs_overlays_trampoline_lowered:
0x8: {  	[smem:$0x3FA4] =	sst s0  }
0x9: {  	[smem:$0x3FA5] =	sst s1  }
0xa: {  	[smem:$0x3FA6] =	sst s2  }
0xb: {  	[smem:$0x3FA7] =	sst s3  }
0xc: {  	[smem:$0x3FA8] =	sst s4  }
0xd: {  	[smem:$0x3FA9] =	sst s5  }
0xe: {  	[smem:$0x3FAA] =	sst s6  }
0xf: {  	[smem:$0x3FAB] =	sst s7  }
0x10: {  	[smem:$0x3FAC] =	sst s8  }
0x11: {  	[smem:$0x3FAD] =	sst s9;
	s0 =	simm.s32 @!p0 $0x0  }
0x12: {  	s1 =	sld [smem:$0x3F93];
	s0 =	simm.s32 @p0 $0x1  }
0x13: {  	[smem:$0x3FAE] =	sst s0;
	s0 =	simm.s32 @!p1 $0x0  }
0x14: {  	s2 =	sld [smem:$0x3F92];
	s0 =	simm.s32 @p1 $0x1  }
0x15: {  	[smem:$0x3FAF] =	sst s0;
	s0 =	simm.s32 @!p2 $0x0  }
0x16: {  	s3 =	sld [smem:$0x3FDB];
	s0 =	simm.s32 @p2 $0x1  }
0x17: {  	s4 =	simm.s32 $0x1BF5;
	[smem:$0x3FB1] =	sst s0  }
0x18: {  	s0 =	sld [smem:$0x3F94];
	_ =	swait.ge [sflag:s4], $0x0  }
0x19: {  	s7 =	sld [smem:$0x3F95]  }
0x1a: {  	s8 =	sadd.s32 $0xFFFFE003, lr  }
0x1b: {  	s9 =	sadd.s32 $0xFFFFFEF7, lr;
	s5 =	simm.s32 $0xFFFFFFFF;
	p2 =	slt.u32 s8, $0xFFFFF086  }
0x1c: {  	p1 =	slt.u32 s9, $0xF7A;
	s5 =	simm.s32 @!p2 $0x0  }
0x1d: {  	s5 =	simm.s32 @p1 $0x1;
	p0 =	seq.s32 s7, s2  }
0x1e: {  	s7 =	smul.u32 @!p0 $0xF7A, s2;
	p2 =	seq.s32 @!p0 s5, $0x0  }
0x1f: {  	s9 =	smul.u32 $0xF7A, s1;
	s8 =	simm.s32 @!p0 $0x1BF5;
	p2 =	por !p2, p0  }
0x20: {  	[sflag:s8] =	ssyncset.s32 @!p0 $0xFFFFF086;
	s6 =	sadd.s32 @!p0 s3, s7;
	s7 =	simm.s32 @!p0 $0x108  }
0x21: {  	s3 =	sadd.s32 s3, s9;
	s6 =	sadd.s32 @!p0 $0x88, s6;
	s7 =	simm.s32 @p2 $0x1082  }
0x22: {  	[simem:s7], [sflag:s8] =	dma.local @!p0 [hbm:s6], $0xF7A  }
0x23: {  	s9 =	sor.u32 $0xD0000000, s2;
	s6 =	simm.s32 $0x108;
	_ =	swait.ge @!p0 [sflag:s8], $0x0  }
0x24: {  	s3 =	sadd.s32 $0x88, s3;
	s6 =	simm.s32 @!p1 $0x1082;
	[sflag:s4] =	ssyncset.s32 $0xFFFFF086  }
0x25: {  	[simem:s6], [sflag:s4] =	dma.local [hbm:s3], $0xF7A  }
0x26: {  	[smem:$0x3F95] =	sst s1;
	(tag) =	ssettag s2;
	_ =	strace s9  }
0x27: {  	s1 =	sld [smem:$0x3FA5]  }
0x28: {  	s2 =	sld [smem:$0x3FA6]  }
0x29: {  	s4 =	sld [smem:$0x3FA8]  }
0x2a: {  	p0 =	seq.s32 s5, $0x0;
	s5 =	sld [smem:$0x3FA9]  }
0x2b: {  	s6 =	sld [smem:$0x3FAA]  }
0x2c: {  	s7 =	sld [smem:$0x3FAB]  }
0x2d: {  	s3 =	simm.s32 $0x108;
	s8 =	sld [smem:$0x3FAC]  }
0x2e: {  	s3 =	simm.s32 @!p0 $0x1082;
	s9 =	sld [smem:$0x3FAD]  }
0x2f: {  	lr =	sadd.s32 s0, s3;
	s0 =	sld [smem:$0x3FA4]  }
0x30: {  	s3 =	sld [smem:$0x3FA7]  }
0x31: {  	[smem:$0x3FB0] =	sst s10  }
0x32: {  	s10 =	sld [smem:$0x3FAE];
	_ =	sdelay $0x3  }
0x33: {  	p0 =	seq.s32 s10, $0x1;
	s10 =	sld [smem:$0x3FB0];
	_ =	sdelay $0x3  }
0x34: {  	[smem:$0x3FB0] =	sst s10  }
0x35: {  	s10 =	sld [smem:$0x3FAF];
	_ =	sdelay $0x3  }
0x36: {  	p1 =	seq.s32 s10, $0x1;
	s10 =	sld [smem:$0x3FB0];
	_ =	sdelay $0x3  }
0x37: {  	[smem:$0x3FB0] =	sst s10  }
0x38: {  	s10 =	sld [smem:$0x3FB1]  }
0x39: {  	_ = 	snop;
	(pc) =	sbr.ind lr, $3  }
0x3a: {  	_ = 	snop  }
0x3b: {  	_ = 	snop  }
0x3c: {  	p2 =	seq.s32 s10, $0x1;
	s10 =	sld [smem:$0x3FB0]  }
0x3d: {  	_ =	shalt  }
0x3e: {  	_ =	shalt  }
0x3f: {  	_ =	shalt  }
0x40: {  	_ =	shalt  }
0x41: {  	_ =	shalt  }
0x42: {  	_ =	shalt  }
0x43: {  	_ =	shalt  }
0x44: {  	_ =	shalt  }
0x45: {  	_ =	shalt  }
0x46: {  	_ =	shalt  }
0x47: {  	_ =	shalt  }
0x48: {  	_ =	shalt  }
0x49: {  	_ =	shalt  }
0x4a: {  	_ =	shalt  }
0x4b: {  	_ =	shalt  }
0x4c: {  	_ =	shalt  }
0x4d: {  	_ =	shalt  }
0x4e: {  	_ =	shalt  }
0x4f: {  	_ =	shalt  }
0x50: {  	_ =	shalt  }
0x51: {  	_ =	shalt  }
0x52: {  	_ =	shalt  }
0x53: {  	_ =	shalt  }
0x54: {  	_ =	shalt  }
0x55: {  	_ =	shalt  }
0x56: {  	_ =	shalt  }
0x57: {  	_ =	shalt  }
0x58: {  	_ =	shalt  }
0x59: {  	_ =	shalt  }
0x5a: {  	_ =	shalt  }
0x5b: {  	_ =	shalt  }
0x5c: {  	_ =	shalt  }
0x5d: {  	_ =	shalt  }
0x5e: {  	_ =	shalt  }
0x5f: {  	_ =	shalt  }
0x60: {  	_ =	shalt  }
0x61: {  	_ =	shalt  }
0x62: {  	_ =	shalt  }
0x63: {  	_ =	shalt  }
0x64: {  	_ =	shalt  }
0x65: {  	_ =	shalt  }
0x66: {  	_ =	shalt  }
0x67: {  	_ =	shalt  }
0x68: {  	_ =	shalt  }
0x69: {  	_ =	shalt  }
0x6a: {  	_ =	shalt  }
0x6b: {  	_ =	shalt  }
0x6c: {  	_ =	shalt  }
0x6d: {  	_ =	shalt  }
0x6e: {  	_ =	shalt  }
0x6f: {  	_ =	shalt  }
0x70: {  	_ =	shalt  }
0x71: {  	_ =	shalt  }
0x72: {  	_ =	shalt  }
0x73: {  	_ =	shalt  }
0x74: {  	_ =	shalt  }
0x75: {  	_ =	shalt  }
0x76: {  	_ =	shalt  }
0x77: {  	_ =	shalt  }
0x78: {  	_ =	shalt  }
0x79: {  	_ =	shalt  }
0x7a: {  	_ =	shalt  }
0x7b: {  	_ =	shalt  }
0x7c: {  	_ =	shalt  }
0x7d: {  	_ =	shalt  }
0x7e: {  	_ =	shalt  }
0x7f: {  	_ =	shalt  }
0x80: {  	_ =	shalt  }
0x81: {  	_ =	shalt  }
0x82: {  	_ =	shalt  }
0x83: {  	_ =	shalt  }
0x84: {  	_ =	shalt  }
0x85: {  	_ =	shalt  }
0x86: {  	_ =	shalt  }
0x87: {  	_ =	shalt  }
.Lfunc_end0:
.L_simem_size_0:
called_computation_lowered:
.L_overlay_start_0:
0x88: {  	s2 =	sld [smem:$0x3FD9]  }
0x89: {  	s3 =	sld [smem:$0x3FFE];
	_ =	sdelay $0x1  }
0x8a: {  	s1 =	srdreg.scid  }
0x8b: {  	s0 =	sand.u32 $0x1, s1  }
0x8c: {  	s17 =	sshll.u32 s0, $0xA;
	s2 =	sadd.s32 s3, s2  }
0x8d: {  	s2 =	sadd.s32 s2, s17  }
0x8e: {  	[smem:$0x3FBC] =	sst s2  }
0x8f: {  	_ = 	snop  }
0x90: {  	s2 =	sld [smem:$0x3FD0];
	(tm) =	ssettm $0x1  }
0x91: {  	s18 =	sld [smem:$0x3FFB];
	_ =	sdelay $0x3  }
0x92: {  	_ =	strace s18  }
0x93: {  	s3 =	sld [smem:$0x3FFC];
	_ =	sdelay $0x3  }
0x94: {  	_ =	strace s3  }
0x95: {  	s3 =	sld [smem:$0x3FFD];
	_ =	sdelay $0x3  }
0x96: {  	_ =	strace s3  }
0x97: {  	_ =	strace $0x8FFFFFFF  }
0x98: {  	s19 =	sld [smem:$0x3FDB];
	_ =	sdelay $0x1  }
0x99: {  	s4 =	simm.s32 $_scs_section_size  }
0x9a: {  	s5 =	simm.s32 $_size__tile_overlayer_lowered;
	s6 =	simm.s32 $_tile_overlayer_lowered  }
0x9b: {  	s22 =	simm.s32 $0x1BFF;
	s21 =	sshll.u32 s6, $0x1;
	s3 =	sadd.s32 s4, s19  }
0x9c: {  	s7 =	simm.s32 $0x0;
	s20 =	sshll.u32 s5, $0x1;
	s5 =	sadd.s32 s21, s3  }
0x9d: {  	[timem:s7], [sflag:s22] =	dma.local [hbm:s5], s20  }
0x9e: {  	_ =	swait.ge [sflag:s22], s20  }
0x9f: {  	s4 =	ssub.s32 $0x0, s20;
	[sflag:s22] =	ssyncset.done $0x0  }
0xa0: {  	[sflag:s22] =	ssyncadd.s32 s4;
	_ =	sdelay $0x1  }
0xa1: {  	s23 =	simm.s32 $0x1B8B  }
0xa2: {  	_ =	swait.ge [sflag:s23], $0x1  }
0xa3: {  	[sflag:s23] =	ssyncset.done $0x0  }
0xa4: {  	s25 =	simm.s32 $0x1B8E;
	s24 =	sld [smem:$0x3FFE];
	[sflag:s23] =	ssyncadd.s32 $0xFFFFFFFF  }
0xa5: {  	s26 =	simm.s32 $execute0_lowered;
	[smem:$0x3FD2] =	sst s25  }
0xa6: {  	s5 =	sshll.u32 s26, $0x1;
	_ =	strace $0x80000046;
	[dreg:$0x1] =	wrdreg $0xFFFFFFFF  }
0xa7: {  	s28 =	simm.s32 $_size_execute0_lowered;
	s3 =	sadd.s32 s3, s5;
	[dreg:$0x0] =	wrdreg $0x0  }
0xa8: {  	s5 =	sshll.u32 s28, $0x1;
	[dreg:$0x2] =	wrdreg s3  }
0xa9: {  	[dreg:$0x3] =	wrdreg s5  }
0xaa: {  	[dreg:$0x4] =	wrdreg $0xC0  }
0xab: {  	_ =	task [dreg:s7], $0x5FFFF  }
0xac: {  	[dreg:$0x1] =	wrdreg $0xFFFFFFFF  }
0xad: {  	[dreg:$0x0] =	wrdreg $0x60  }
0xae: {  	[dreg:$0x2] =	wrdreg s24  }
0xaf: {  	[dreg:$0x3] =	wrdreg s2  }
0xb0: {  	[dreg:$0x4] =	wrdreg $0x48000  }
0xb1: {  	[dreg:$0x5] =	wrdreg $0x9  }
0xb2: {  	_ =	task.clear_ibuf [dreg:s7], $0x6FFFF;
	_ =	strace $0x90000046  }
0xb3: {  	s29 =	simm.s32 $0x9;
	_ =	strace $0x80000048  }
0xb4: {  	_ =	swait.ge [sflag:s29], $0x1  }
0xb5: {  	[sflag:s29] =	ssyncadd.s32 $0xFFFFFFFF  }
0xb6: {  	_ =	strace $0x90000048  }
0xb7: {  	_ =	sfence  }
0xb8: {  	s30 =	sld [smem:$0x0];
	_ =	sdelay $0x2  }
0xb9: {  	s31 =	sshll.u32 s1, $0xD;
	s1 =	sshrl.u32 s1, $0x2  }
0xba: {  	s3 =	sand.u32 $0x4000, s31;
	s1 =	sadd.s32 s1, s30  }
0xbb: {  	s0 =	sor.u32 s3, s0;
	s1 =	sshll.u32 s1, $0x11  }
0xbc: {  	s0 =	sor.u32 s1, s0  }
0xbd: {  	s0 =	sadd.s32 $0x8F2B, s0  }
0xbe: {  	[sflag:s0] =	ssyncadd.remote.s32 $0x1  }
0xbf: {  	_ =	sfence.sel $0xFFFF  }
0xc0: {  	[dreg:$0x0] =	wrdreg $0xFFFFFFFF;
	(pc) =	sbr.abs _section_cstart, $3  }
0xc1: {  	[dreg:$0x1] =	wrdreg $0xFFFFFFFF  }
0xc2: {  	_ =	task.clear_ibuf [dreg:s7], $0x2FFFF;
	_ =	strace $0x9FFFFFFF  }
0xc3: {  	(tm) =	ssettm $0x7FFFFFFF  }
tec
execute0_lowered:
.L_overlay_start_1:
0x0: {  	(tag) =	ssettag $0x1  }
0x1: {  	s5 =	rddreg [dreg:$0x0]  }
0x2: {  	s0 =	srdreg.scid;
	s2 =	rddreg [dreg:$0x1]  }
0x3: {  	s3 =	rddreg [dreg:$0x2];
	s6 =	sand.u32 $0x1, s0  }
0x4: {  	s0 =	stileid.u32;
	s7 =	smul.u32 $0x28000, s6  }
0x5: {  	s1 =	rddreg [dreg:$0x3];
	s4 =	simm.s32 $0x0;
	s8 =	smul.u32 $0x2800, s0  }
0x6: {  	s13 =	simm.s32 $0x1;
	[smem:$0x7FF] =	sst s4;
	s29 =	smul.u32 $0xA000, s0  }
0x7: {  	_ =	strace $0x80000047;
	s9 =	smul.u32 $0x14000, s6;
	s6 =	ssub.s32 $0x2, s6  }
0x8: {  	s31 =	sshll.u32 s0, $0x6;
	s30 =	sshrl.u32 s6, $0x1;
	s7 =	sadd.s32 s8, s7  }
0x9: {  	s14 =	sshrl.u32 s29, $0x3;
	s9 =	sadd.s32 s9, s5;
	s11 =	ssub.s32 s6, s30  }
0xa: {  	s12 =	sadd.s32 s29, s3;
	s8 =	simm.s32 $0x2;
	s7 =	sshrl.u32 s7, $0x3  }
0xb: {  	s10 =	sadd.s32 s14, s5;
	s15 =	sadd.s32 $0x2BC00, s9;
	s9 =	simm.s32 $0x2800  }
0xc: {  	s7 =	sadd.s32 s7, s5;
	s6 =	sadd.s32 $0x17C00, s10;
	s10 =	sor.u32 $0x1C02, s31  }
0xd: {  	s14 =	sadd.s32 s14, s15;
	s15 =	simm.s32 $0x0;
	s5 =	sadd.s32 $0xDC00, s7  }
0xe: {  	s7 =	smax.u32 s11, $0x1;
	s11 =	sshrl.u32 s12, $0x3;
	s12 =	simm.s32 $0x80  }
.LBB2_1:
0xf: {  	[tilespmem:s4], [sflag:$0x2] =	stream.linear.gather [hbm4b:s5+s4], $0x2800, $0x38;
	[tilespmem:$0xE800] =	vst v63  }
0x10: {  	_ =	swait.ge [sflag:s8], $0x2800  }
0x11: {  	[sflag:s8] =	ssyncset.done $0x0  }
0x12: {  	[sflag:s8] =	ssyncadd.s32 $0xFFFFD800  }
0x13: {  	[tilespmem:s9], [sflag:$0x2] =	stream.linear.gather [hbm4b:s2+s4], $0x2000, $0x38;
	[tilespmem:$0xE800] =	vst v63  }
0x14: {  	_ =	swait.ge [sflag:s8], $0x2000  }
0x15: {  	[sflag:s8] =	ssyncset.done $0x0  }
0x16: {  	[sflag:s8] =	ssyncadd.s32 $0xFFFFE000  }
0x17: {  	[spmem:s11], [sflag:s10] =	dma.local [hbm:s6], $0x1400  }
0x18: {  	_ =	swait.ge [sflag:s8], $0x1400  }
0x19: {  	[sflag:s8] =	ssyncset.done $0x0  }
0x1a: {  	[sflag:s8] =	ssyncadd.s32 $0xFFFFEC00  }
0x1b: {  	s16 =	simm.s32 $0x0;
	[bflag:$0x0] =	sbarrier.arrive $0xFFFF  }
.LBB2_2:
0x1c: {  	p0 =	sne.s32 s16, $0x9E00  }
.Ltmp0:
0x1d: {  	_ = 	snop;
	(pc) =	sbr.rel @p0 .LBB2_2-.Ltmp0, $3  }
0x1e: {  	_ =	sdelay $0x1  }
0x1f: {  	s17 =	sshra.s32 s16, $0x2;
	s16 =	sadd.s32 $0x200, s16  }
0x20: {  	[spmem:s3] =	stream.indirect.scatter.add.f32 [tilespmem:s9], [sflag:$0x1], $0x40, s17, s12, $0xb8;
	[tilespmem:$0xE800] =	vst v63  }
0x21: {  	_ =	swait.ge [sflag:s13], $0x2000  }
0x22: {  	s16 =	simm.s32 $0x4F;
	[sflag:s13] =	ssyncset.done $0x0  }
.LBB2_4:
0x23: {  	p0 =	sne.s32 s16, $0x1;
	s16 =	sadd.s32 $0xFFFFFFFF, s16;
	[sflag:s13] =	ssyncadd.s32 $0xFFFFE000  }
.Ltmp1:
0x24: {  	(pc) =	sbr.rel @p0 .LBB2_4-.Ltmp1, $3  }
0x25: {  	_ =	sdelay $0x1  }
0x26: {  	_ =	swait.ge [sflag:s13], $0x2000  }
0x27: {  	[sflag:s13] =	ssyncset.done $0x0  }
0x28: {  	s15 =	sadd.s32 $0x1, s15  }
0x29: {  	[sflag:s13] =	ssyncadd.s32 $0xFFFFE000;
	p0 =	sne.s32 s15, s7  }
.Ltmp2:
0x2a: {  	[bflag:$0x0] =	sbarrier.arrive $0xFFFF;
	(pc) =	sbr.rel @p0 .LBB2_1-.Ltmp2, $4  }
0x2b: {  	[hbm:s14], [sflag:s10] =	dma.local [spmem:s11], $0x1400  }
0x2c: {  	_ =	swait.ge [sflag:s8], $0x1400  }
0x2d: {  	[sflag:s8] =	ssyncset.done $0x0  }
0x2e: {  	[sflag:s8] =	ssyncadd.s32 $0xFFFFEC00  }
0x2f: {  	_ =	sfence.sel $0x180000  }
0x30: {  	[bflag:$0x0] =	sbarrier.arrive $0xFFFF  }
0x31: {  	p0 =	sne.s32 s0, $0x0;
	_ =	strace $0x90000047  }
0x32: {  	s0 =	sadd.s32 @!p0 $0x100000, s1;
	[bflag:$0x2] =	sbarrier.arrive $0xFFFF  }
0x33: {  	[sflag:s0] =	ssyncadd.tile.s32 @!p0 $0x1;
	_ =	shalt  }
.Lfunc_end2:
_tile_overlayer_lowered:
.L_overlay_start_2:
0x34: {  	(tag) =	ssettag $0x2  }
0x35: {  	s0 =	rddreg [dreg:$0x0];
	s2 =	stileid.u32  }
0x36: {  	s1 =	rddreg [dreg:$0x1];
	p0 =	sne.s32 s2, $0x0  }
0x37: {  	s3 =	rddreg [dreg:$0x2];
	[bflag:$0x3] =	sbarrier.arrive $0xFFFF;
	s2 =	simm.s32 @!p0 $0x1C02  }
0x38: {  	[timem:s3], [sflag:s2] =	dma.local @!p0 [hbm:s0], s1  }
0x39: {  	s0 =	simm.s32 @!p0 $0x2  }
0x3a: {  	_ =	swait.ge @!p0 [sflag:s0], s1  }
0x3b: {  	s1 =	ssub.s32 @!p0 $0x0, s1;
	[sflag:s0] =	ssyncset.done @!p0 $0x0  }
0x3c: {  	[sflag:s0] =	ssyncadd.s32 @!p0 s1  }
0x3d: {  	[bflag:$0x3] =	sbarrier.arrive $0xFFFF  }
0x3e: {  	_ =	shalt  }

// kernel: kernel.15.cloned.1.call-start
scs
__scs_entry_jumppad:
0x0: {  	(pc) =	sbr.rel $0x88, $3  }
0x1: {  	(tag) =	ssettag $0x0;
	lr =	simm.s32 $0x1  }
0x2: {  	[smem:$0x3F95] =	sst lr;
	_ =	strace $0xD0000000  }
0x3: {  	_ = 	snop  }
0x4: {  	_ = 	snop  }
0x5: {  	_ = 	snop  }
0x6: {  	_ = 	snop  }
0x7: {  	_ = 	snop  }
__scs_overlays_trampoline_lowered:
0x8: {  	[smem:$0x3FA4] =	sst s0  }
0x9: {  	[smem:$0x3FA5] =	sst s1  }
0xa: {  	[smem:$0x3FA6] =	sst s2  }
0xb: {  	[smem:$0x3FA7] =	sst s3  }
0xc: {  	[smem:$0x3FA8] =	sst s4  }
0xd: {  	[smem:$0x3FA9] =	sst s5  }
0xe: {  	[smem:$0x3FAA] =	sst s6  }
0xf: {  	[smem:$0x3FAB] =	sst s7  }
0x10: {  	[smem:$0x3FAC] =	sst s8  }
0x11: {  	[smem:$0x3FAD] =	sst s9;
	s0 =	simm.s32 @!p0 $0x0  }
0x12: {  	s1 =	sld [smem:$0x3F93];
	s0 =	simm.s32 @p0 $0x1  }
0x13: {  	[smem:$0x3FAE] =	sst s0;
	s0 =	simm.s32 @!p1 $0x0  }
0x14: {  	s2 =	sld [smem:$0x3F92];
	s0 =	simm.s32 @p1 $0x1  }
0x15: {  	[smem:$0x3FAF] =	sst s0;
	s0 =	simm.s32 @!p2 $0x0  }
0x16: {  	s3 =	sld [smem:$0x3FDB];
	s0 =	simm.s32 @p2 $0x1  }
0x17: {  	s4 =	simm.s32 $0x1BF5;
	[smem:$0x3FB1] =	sst s0  }
0x18: {  	s0 =	sld [smem:$0x3F94];
	_ =	swait.ge [sflag:s4], $0x0  }
0x19: {  	s7 =	sld [smem:$0x3F95]  }
0x1a: {  	s8 =	sadd.s32 $0xFFFFE003, lr  }
0x1b: {  	s9 =	sadd.s32 $0xFFFFFEF7, lr;
	s5 =	simm.s32 $0xFFFFFFFF;
	p2 =	slt.u32 s8, $0xFFFFF086  }
0x1c: {  	p1 =	slt.u32 s9, $0xF7A;
	s5 =	simm.s32 @!p2 $0x0  }
0x1d: {  	s5 =	simm.s32 @p1 $0x1;
	p0 =	seq.s32 s7, s2  }
0x1e: {  	s7 =	smul.u32 @!p0 $0xF7A, s2;
	p2 =	seq.s32 @!p0 s5, $0x0  }
0x1f: {  	s9 =	smul.u32 $0xF7A, s1;
	s8 =	simm.s32 @!p0 $0x1BF5;
	p2 =	por !p2, p0  }
0x20: {  	[sflag:s8] =	ssyncset.s32 @!p0 $0xFFFFF086;
	s6 =	sadd.s32 @!p0 s3, s7;
	s7 =	simm.s32 @!p0 $0x108  }
0x21: {  	s3 =	sadd.s32 s3, s9;
	s6 =	sadd.s32 @!p0 $0x88, s6;
	s7 =	simm.s32 @p2 $0x1082  }
0x22: {  	[simem:s7], [sflag:s8] =	dma.local @!p0 [hbm:s6], $0xF7A  }
0x23: {  	s9 =	sor.u32 $0xD0000000, s2;
	s6 =	simm.s32 $0x108;
	_ =	swait.ge @!p0 [sflag:s8], $0x0  }
0x24: {  	s3 =	sadd.s32 $0x88, s3;
	s6 =	simm.s32 @!p1 $0x1082;
	[sflag:s4] =	ssyncset.s32 $0xFFFFF086  }
0x25: {  	[simem:s6], [sflag:s4] =	dma.local [hbm:s3], $0xF7A  }
0x26: {  	[smem:$0x3F95] =	sst s1;
	(tag) =	ssettag s2;
	_ =	strace s9  }
0x27: {  	s1 =	sld [smem:$0x3FA5]  }
0x28: {  	s2 =	sld [smem:$0x3FA6]  }
0x29: {  	s4 =	sld [smem:$0x3FA8]  }
0x2a: {  	p0 =	seq.s32 s5, $0x0;
	s5 =	sld [smem:$0x3FA9]  }
0x2b: {  	s6 =	sld [smem:$0x3FAA]  }
0x2c: {  	s7 =	sld [smem:$0x3FAB]  }
0x2d: {  	s3 =	simm.s32 $0x108;
	s8 =	sld [smem:$0x3FAC]  }
0x2e: {  	s3 =	simm.s32 @!p0 $0x1082;
	s9 =	sld [smem:$0x3FAD]  }
0x2f: {  	lr =	sadd.s32 s0, s3;
	s0 =	sld [smem:$0x3FA4]  }
0x30: {  	s3 =	sld [smem:$0x3FA7]  }
0x31: {  	[smem:$0x3FB0] =	sst s10  }
0x32: {  	s10 =	sld [smem:$0x3FAE];
	_ =	sdelay $0x3  }
0x33: {  	p0 =	seq.s32 s10, $0x1;
	s10 =	sld [smem:$0x3FB0];
	_ =	sdelay $0x3  }
0x34: {  	[smem:$0x3FB0] =	sst s10  }
0x35: {  	s10 =	sld [smem:$0x3FAF];
	_ =	sdelay $0x3  }
0x36: {  	p1 =	seq.s32 s10, $0x1;
	s10 =	sld [smem:$0x3FB0];
	_ =	sdelay $0x3  }
0x37: {  	[smem:$0x3FB0] =	sst s10  }
0x38: {  	s10 =	sld [smem:$0x3FB1]  }
0x39: {  	_ = 	snop;
	(pc) =	sbr.ind lr, $3  }
0x3a: {  	_ = 	snop  }
0x3b: {  	_ = 	snop  }
0x3c: {  	p2 =	seq.s32 s10, $0x1;
	s10 =	sld [smem:$0x3FB0]  }
0x3d: {  	_ =	shalt  }
0x3e: {  	_ =	shalt  }
0x3f: {  	_ =	shalt  }
0x40: {  	_ =	shalt  }
0x41: {  	_ =	shalt  }
0x42: {  	_ =	shalt  }
0x43: {  	_ =	shalt  }
0x44: {  	_ =	shalt  }
0x45: {  	_ =	shalt  }
0x46: {  	_ =	shalt  }
0x47: {  	_ =	shalt  }
0x48: {  	_ =	shalt  }
0x49: {  	_ =	shalt  }
0x4a: {  	_ =	shalt  }
0x4b: {  	_ =	shalt  }
0x4c: {  	_ =	shalt  }
0x4d: {  	_ =	shalt  }
0x4e: {  	_ =	shalt  }
0x4f: {  	_ =	shalt  }
0x50: {  	_ =	shalt  }
0x51: {  	_ =	shalt  }
0x52: {  	_ =	shalt  }
0x53: {  	_ =	shalt  }
0x54: {  	_ =	shalt  }
0x55: {  	_ =	shalt  }
0x56: {  	_ =	shalt  }
0x57: {  	_ =	shalt  }
0x58: {  	_ =	shalt  }
0x59: {  	_ =	shalt  }
0x5a: {  	_ =	shalt  }
0x5b: {  	_ =	shalt  }
0x5c: {  	_ =	shalt  }
0x5d: {  	_ =	shalt  }
0x5e: {  	_ =	shalt  }
0x5f: {  	_ =	shalt  }
0x60: {  	_ =	shalt  }
0x61: {  	_ =	shalt  }
0x62: {  	_ =	shalt  }
0x63: {  	_ =	shalt  }
0x64: {  	_ =	shalt  }
0x65: {  	_ =	shalt  }
0x66: {  	_ =	shalt  }
0x67: {  	_ =	shalt  }
0x68: {  	_ =	shalt  }
0x69: {  	_ =	shalt  }
0x6a: {  	_ =	shalt  }
0x6b: {  	_ =	shalt  }
0x6c: {  	_ =	shalt  }
0x6d: {  	_ =	shalt  }
0x6e: {  	_ =	shalt  }
0x6f: {  	_ =	shalt  }
0x70: {  	_ =	shalt  }
0x71: {  	_ =	shalt  }
0x72: {  	_ =	shalt  }
0x73: {  	_ =	shalt  }
0x74: {  	_ =	shalt  }
0x75: {  	_ =	shalt  }
0x76: {  	_ =	shalt  }
0x77: {  	_ =	shalt  }
0x78: {  	_ =	shalt  }
0x79: {  	_ =	shalt  }
0x7a: {  	_ =	shalt  }
0x7b: {  	_ =	shalt  }
0x7c: {  	_ =	shalt  }
0x7d: {  	_ =	shalt  }
0x7e: {  	_ =	shalt  }
0x7f: {  	_ =	shalt  }
0x80: {  	_ =	shalt  }
0x81: {  	_ =	shalt  }
0x82: {  	_ =	shalt  }
0x83: {  	_ =	shalt  }
0x84: {  	_ =	shalt  }
0x85: {  	_ =	shalt  }
0x86: {  	_ =	shalt  }
0x87: {  	_ =	shalt  }
.Lfunc_end0:
.L_simem_size_0:
called_computation.1_lowered:
.L_overlay_start_0:
0x88: {  	s2 =	sld [smem:$0x3FD9]  }
0x89: {  	s3 =	sld [smem:$0x3FFE];
	_ =	sdelay $0x1  }
0x8a: {  	s1 =	srdreg.scid  }
0x8b: {  	s0 =	sand.u32 $0x1, s1  }
0x8c: {  	s16 =	sshll.u32 s0, $0xA;
	s2 =	sadd.s32 s3, s2  }
0x8d: {  	s2 =	sadd.s32 s2, s16  }
0x8e: {  	[smem:$0x3FBC] =	sst s2  }
0x8f: {  	_ = 	snop  }
0x90: {  	(tm) =	ssettm $0x1  }
0x91: {  	s17 =	sld [smem:$0x3FFB];
	_ =	sdelay $0x3  }
0x92: {  	_ =	strace s17  }
0x93: {  	s2 =	sld [smem:$0x3FFC];
	_ =	sdelay $0x3  }
0x94: {  	_ =	strace s2  }
0x95: {  	s2 =	sld [smem:$0x3FFD];
	_ =	sdelay $0x3  }
0x96: {  	_ =	strace s2  }
0x97: {  	_ =	strace $0x8FFFFFFF  }
0x98: {  	s18 =	sld [smem:$0x3FDB];
	_ =	sdelay $0x1  }
0x99: {  	s19 =	simm.s32 $_scs_section_size  }
0x9a: {  	s4 =	simm.s32 $_size__tile_overlayer_lowered;
	s5 =	simm.s32 $_tile_overlayer_lowered  }
0x9b: {  	s22 =	simm.s32 $0x1BFF;
	s21 =	sshll.u32 s5, $0x1;
	s2 =	sadd.s32 s19, s18  }
0x9c: {  	s6 =	simm.s32 $0x0;
	s20 =	sshll.u32 s4, $0x1;
	s4 =	sadd.s32 s21, s2  }
0x9d: {  	[timem:s6], [sflag:s22] =	dma.local [hbm:s4], s20  }
0x9e: {  	_ =	swait.ge [sflag:s22], s20  }
0x9f: {  	s3 =	ssub.s32 $0x0, s20;
	[sflag:s22] =	ssyncset.done $0x0  }
0xa0: {  	[sflag:s22] =	ssyncadd.s32 s3;
	_ =	sdelay $0x1  }
0xa1: {  	s23 =	simm.s32 $0x1B8B  }
0xa2: {  	_ =	swait.ge [sflag:s23], $0x1  }
0xa3: {  	[sflag:s23] =	ssyncset.done $0x0  }
0xa4: {  	s25 =	simm.s32 $0x1B8E;
	s24 =	sld [smem:$0x3FFE];
	[sflag:s23] =	ssyncadd.s32 $0xFFFFFFFF  }
0xa5: {  	s26 =	simm.s32 $execute0_lowered;
	[smem:$0x3FD2] =	sst s25  }
0xa6: {  	s4 =	sshll.u32 s26, $0x1;
	_ =	strace $0x80000049;
	[dreg:$0x1] =	wrdreg $0xFFFFFFFF  }
0xa7: {  	s28 =	simm.s32 $_size_execute0_lowered;
	s2 =	sadd.s32 s2, s4;
	[dreg:$0x0] =	wrdreg $0x0  }
0xa8: {  	s4 =	sshll.u32 s28, $0x1;
	[dreg:$0x2] =	wrdreg s2  }
0xa9: {  	[dreg:$0x3] =	wrdreg s4  }
0xaa: {  	[dreg:$0x4] =	wrdreg $0xC0  }
0xab: {  	_ =	task [dreg:s6], $0x5FFFF  }
0xac: {  	[dreg:$0x1] =	wrdreg $0xFFFFFFFF  }
0xad: {  	[dreg:$0x0] =	wrdreg $0x60  }
0xae: {  	[dreg:$0x2] =	wrdreg s24  }
0xaf: {  	[dreg:$0x3] =	wrdreg $0x110000  }
0xb0: {  	[dreg:$0x4] =	wrdreg $0x9  }
0xb1: {  	_ =	task.clear_ibuf [dreg:s6], $0x5FFFF;
	_ =	strace $0x90000049  }
0xb2: {  	s29 =	simm.s32 $0x9;
	_ =	strace $0x8000004B  }
0xb3: {  	_ =	swait.ge [sflag:s29], $0x1  }
0xb4: {  	[sflag:s29] =	ssyncadd.s32 $0xFFFFFFFF  }
0xb5: {  	_ =	strace $0x9000004B  }
0xb6: {  	_ =	sfence  }
0xb7: {  	s30 =	sld [smem:$0x0];
	_ =	sdelay $0x2  }
0xb8: {  	s31 =	sshll.u32 s1, $0xD;
	s1 =	sshrl.u32 s1, $0x2  }
0xb9: {  	s3 =	sand.u32 $0x4000, s31;
	s1 =	sadd.s32 s1, s30  }
0xba: {  	s0 =	sor.u32 s3, s0;
	s1 =	sshll.u32 s1, $0x11  }
0xbb: {  	s0 =	sor.u32 s1, s0  }
0xbc: {  	s0 =	sadd.s32 $0x8F2B, s0  }
0xbd: {  	[sflag:s0] =	ssyncadd.remote.s32 $0x1  }
0xbe: {  	_ =	sfence.sel $0xFFFF  }
0xbf: {  	[dreg:$0x0] =	wrdreg $0xFFFFFFFF;
	(pc) =	sbr.abs _section_cstart, $3  }
0xc0: {  	[dreg:$0x1] =	wrdreg $0xFFFFFFFF  }
0xc1: {  	_ =	task.clear_ibuf [dreg:s6], $0x2FFFF;
	_ =	strace $0x9FFFFFFF  }
0xc2: {  	(tm) =	ssettm $0x7FFFFFFF  }
0xc3: {  	_ =	shalt  }
tec
execute0_lowered:
.L_overlay_start_1:
0x0: {  	(tag) =	ssettag $0x1  }
0x1: {  	s5 =	rddreg [dreg:$0x0]  }
0x2: {  	s0 =	srdreg.scid;
	s2 =	rddreg [dreg:$0x1]  }
0x3: {  	s1 =	stileid.u32;
	s3 =	simm.s32 $0x0;
	s13 =	simm.s32 $0x80  }
0x4: {  	s14 =	simm.s32 $0x5000;
	s15 =	simm.s32 $0x7000;
	s16 =	simm.s32 $0x100  }
0x5: {  	s17 =	simm.s32 $0x9000;
	s18 =	simm.s32 $0x180;
	s19 =	simm.s32 $0xB000  }
0x6: {  	s20 =	simm.s32 $0x200;
	s21 =	simm.s32 $0xD000;
	s22 =	simm.s32 $0x2  }
0x7: {  	s6 =	sand.u32 $0x1, s0;
	s0 =	rddreg [dreg:$0x2];
	s7 =	smul.u32 $0x2800, s1  }
0x8: {  	s23 =	simm.s32 $0x1;
	[smem:$0x7FF] =	sst s3;
	s10 =	smul.u32 $0xA000, s1  }
0x9: {  	s11 =	sadd.s32 $0x17C00, s5;
	s4 =	smul.u32 $0x28000, s6;
	_ =	strace $0x8000004A  }
0xa: {  	s8 =	smul.u32 $0x14000, s6;
	s9 =	ssub.s32 $0x2, s6;
	p0 =	seq.s32 s6, $0x0  }
0xb: {  	s31 =	sshrl.u32 s9, $0x1;
	s12 =	sadd.s32 s10, s2;
	s24 =	sshrl.u32 s10, $0x3  }
0xc: {  	s7 =	sadd.s32 s7, s4;
	s4 =	sadd.s32 $0x53C00, s5;
	s8 =	sadd.s32 s8, s5  }
0xd: {  	s9 =	ssub.s32 s9, s31;
	s7 =	sshrl.u32 s7, $0x3;
	s25 =	sadd.s32 $0x67C00, s8  }
0xe: {  	s11 =	smov.u32 @p0 s4;
	s8 =	smax.u32 s9, $0x1;
	s7 =	sadd.s32 s7, s5  }
0xf: {  	s9 =	sadd.s32 s11, s24;
	s11 =	sshrl.u32 s12, $0x3;
	s12 =	simm.s32 $0x3  }
0x10: {  	s5 =	sadd.s32 $0x3C00, s7;
	s6 =	sadd.s32 $0xDC00, s7;
	s7 =	sshll.u32 s1, $0x6  }
0x11: {  	s24 =	sadd.s32 s24, s25;
	s25 =	simm.s32 $0x0;
	s10 =	sor.u32 $0x1C02, s7  }
.LBB2_1:
0x12: {  	[spmem:s11], [sflag:s10] =	dma.local [hbm:s9], $0x1400  }
0x13: {  	[tilespmem:s3], [sflag:$0x3] =	stream.linear.gather [hbm4b:s5+s3], $0x2800, $0x38;
	[tilespmem:$0x1B000] =	vst v63  }
0x14: {  	_ =	swait.ge [sflag:s12], $0x2800  }
0x15: {  	[sflag:s12] =	ssyncset.done $0x0  }
0x16: {  	[sflag:s12] =	ssyncadd.s32 $0xFFFFD800  }
0x17: {  	[tilespmem:s14], [sflag:$0x1] =	stream.indirect.gather [hbm4b:s4+s13], $0x40, s3, s13, $0xb8;
	[tilespmem:$0x1B000] =	vst v63  }
0x18: {  	_ = 	snop  }
0x19: {  	[tilespmem:s15], [sflag:$0x1] =	stream.indirect.gather [hbm4b:s4+s13], $0x40, s13, s13, $0xb8;
	[tilespmem:$0x1B000] =	vst v63  }
0x1a: {  	_ = 	snop  }
0x1b: {  	[tilespmem:s17], [sflag:$0x1] =	stream.indirect.gather [hbm4b:s4+s13], $0x40, s16, s13, $0xb8;
	[tilespmem:$0x1B000] =	vst v63  }
0x1c: {  	_ = 	snop  }
0x1d: {  	[tilespmem:s19], [sflag:$0x1] =	stream.indirect.gather [hbm4b:s4+s13], $0x40, s18, s13, $0xb8;
	[tilespmem:$0x1B000] =	vst v63  }
0x1e: {  	_ = 	snop  }
0x1f: {  	[tilespmem:s21], [sflag:$0x1] =	stream.indirect.gather [hbm4b:s4+s13], $0x40, s20, s13, $0xb8;
	[tilespmem:$0x1B000] =	vst v63  }
0x20: {  	s26 =	simm.s32 $0x2800  }
0x21: {  	[tilespmem:s26], [sflag:$0x3] =	stream.linear.gather [hbm4b:s6+s3], $0x2800, $0x38;
	[tilespmem:$0x1B000] =	vst v63  }
0x22: {  	_ =	swait.ge [sflag:s12], $0x2800  }
0x23: {  	[sflag:s12] =	ssyncset.done $0x0  }
0x24: {  	[sflag:s12] =	ssyncadd.s32 $0xFFFFD800  }
0x25: {  	_ =	swait.ge [sflag:s22], $0x1400  }
0x26: {  	[sflag:s22] =	ssyncset.done $0x0  }
0x27: {  	[sflag:s22] =	ssyncadd.s32 $0xFFFFEC00  }
0x28: {  	s28 =	simm.s32 $0x280;
	s29 =	simm.s32 $0x0;
	[bflag:$0x0] =	sbarrier.arrive $0xFFFF  }
.LBB2_2:
0x29: {  	s30 =	smul.u32 $0xAB, s29;
	_ =	sdelay $0x1  }
0x2a: {  	s30 =	sshrl.u32 s30, $0xA  }
0x2b: {  	s30 =	sand.u32 $0x3F, s30  }
0x2c: {  	s30 =	smul.u32 $0x6, s30;
	_ =	sdelay $0x1  }
0x2d: {  	s30 =	ssub.s32 s29, s30  }
0x2e: {  	_ =	swait.ge [sflag:s23], $0x2000;
	s30 =	sand.u32 $0xFF, s30  }
0x2f: {  	[sflag:s23] =	ssyncset.done $0x0;
	s30 =	sshll.u32 s30, $0xD  }
0x30: {  	p0 =	seq.s32 s29, $0x0;
	[sflag:s23] =	ssyncadd.s32 $0xFFFFE000;
	s30 =	sadd.s32 $0x5000, s30  }
0x31: {  	[spmem:s2] =	stream.indirect.scatter.add.f32 [tilespmem:s30], [sflag:$0x2], $0x40, s26, s13, $0xb8;
	[tilespmem:$0x1B000] =	vst v63  }
0x32: {  	s30 =	simm.s32 @!p0 $0x2  }
0x33: {  	p1 =	sgt.u32 @!p0 s29, $0x4A;
	_ =	swait.ge @!p0 [sflag:s30], $0x2000  }
0x34: {  	p1 =	por p0, !p1;
	[sflag:s30] =	ssyncset.done @!p0 $0x0  }
0x35: {  	[sflag:s30] =	ssyncadd.s32 @!p0 $0xFFFFE000;
	s30 =	sadd.s32 @p1 $0x5, s29  }
0x36: {  	s31 =	smul.u32 @p1 $0xAB, s30;
	_ =	sdelay $0x1  }
0x37: {  	s31 =	sshrl.u32 @p1 s31, $0xA  }
0x38: {  	s31 =	sand.u32 @p1 $0x3F, s31  }
0x39: {  	s31 =	smul.u32 @p1 $0x6, s31  }
0x3a: {  	s29 =	sadd.s32 $0x1, s29  }
0x3b: {  	p0 =	sne.s32 s29, $0x50;
	s30 =	ssub.s32 @p1 s30, s31  }
.Ltmp0:
0x3c: {  	s30 =	sand.u32 @p1 $0xFF, s30;
	(pc) =	sbr.rel @p0 .LBB2_2-.Ltmp0, $4  }
0x3d: {  	s30 =	sshll.u32 @p1 s30, $0xD  }
0x3e: {  	s30 =	sadd.s32 @p1 $0x5000, s30  }
0x3f: {  	[tilespmem:s30], [sflag:$0x1] =	stream.indirect.gather @p1 [hbm4b:s4+s13], $0x40, s28, s13, $0xb8;
	[tilespmem:$0x1B000] =	vst v63  }
0x40: {  	s26 =	sadd.s32 $0x80, s26;
	s28 =	sadd.s32 $0x80, s28  }
0x41: {  	_ =	swait.ge [sflag:s22], $0x2000  }
0x42: {  	s25 =	sadd.s32 $0x1, s25;
	[sflag:s22] =	ssyncset.done $0x0  }
0x43: {  	p0 =	sne.s32 s25, s8;
	[sflag:s22] =	ssyncadd.s32 $0xFFFFE000  }
.Ltmp1:
0x44: {  	s26 =	sor.u32 $0x1C03, s7;
	[bflag:$0x0] =	sbarrier.arrive $0xFFFF;
	(pc) =	sbr.rel @p0 .LBB2_1-.Ltmp1, $4  }
0x45: {  	[hbm:s24], [sflag:s26] =	dma.local [spmem:s11], $0x1400  }
0x46: {  	_ =	swait.ge [sflag:s12], $0x1400  }
0x47: {  	[sflag:s12] =	ssyncset.done $0x0  }
0x48: {  	[sflag:s12] =	ssyncadd.s32 $0xFFFFEC00  }
0x49: {  	_ =	sfence.sel $0x180000  }
0x4a: {  	[bflag:$0x0] =	sbarrier.arrive $0xFFFF  }
0x4b: {  	p0 =	sne.s32 s1, $0x0;
	_ =	strace $0x9000004A  }
0x4c: {  	s0 =	sadd.s32 @!p0 $0x100000, s0;
	[bflag:$0x2] =	sbarrier.arrive $0xFFFF  }
0x4d: {  	[sflag:s0] =	ssyncadd.tile.s32 @!p0 $0x1;
	_ =	shalt  }
.Lfunc_end2:
_tile_overlayer_lowered:
.L_overlay_start_2:
0x4e: {  	(tag) =	ssettag $0x2  }
0x4f: {  	s0 =	rddreg [dreg:$0x0];
	s2 =	stileid.u32  }
0x50: {  	s1 =	rddreg [dreg:$0x1];
	p0 =	sne.s32 s2, $0x0  }
0x51: {  	s3 =	rddreg [dreg:$0x2];
	[bflag:$0x3] =	sbarrier.arrive $0xFFFF;
	s2 =	simm.s32 @!p0 $0x1C03  }
0x52: {  	[timem:s3], [sflag:s2] =	dma.local @!p0 [hbm:s0], s1  }
0x53: {  	s0 =	simm.s32 @!p0 $0x3  }
0x54: {  	_ =	swait.ge @!p0 [sflag:s0], s1  }
0x55: {  	s1 =	ssub.s32 @!p0 $0x0, s1;
	[sflag:s0] =	ssyncset.done @!p0 $0x0  }
0x56: {  	[sflag:s0] =	ssyncadd.s32 @!p0 s1  }
0x57: {  	[bflag:$0x3] =	sbarrier.arrive $0xFFFF  }
0x58: {  	_ =	shalt  }

// kernel: kernel.18.cloned.1.call-start
scs
__scs_entry_jumppad:
0x0: {  	(pc) =	sbr.rel $0x88, $3  }
0x1: {  	(tag) =	ssettag $0x0;
	lr =	simm.s32 $0x1  }
0x2: {  	[smem:$0x3F95] =	sst lr;
	_ =	strace $0xD0000000  }
0x3: {  	_ = 	snop  }
0x4: {  	_ = 	snop  }
0x5: {  	_ = 	snop  }
0x6: {  	_ = 	snop  }
0x7: {  	_ = 	snop  }
__scs_overlays_trampoline_lowered:
0x8: {  	[smem:$0x3FA4] =	sst s0  }
0x9: {  	[smem:$0x3FA5] =	sst s1  }
0xa: {  	[smem:$0x3FA6] =	sst s2  }
0xb: {  	[smem:$0x3FA7] =	sst s3  }
0xc: {  	[smem:$0x3FA8] =	sst s4  }
0xd: {  	[smem:$0x3FA9] =	sst s5  }
0xe: {  	[smem:$0x3FAA] =	sst s6  }
0xf: {  	[smem:$0x3FAB] =	sst s7  }
0x10: {  	[smem:$0x3FAC] =	sst s8  }
0x11: {  	[smem:$0x3FAD] =	sst s9;
	s0 =	simm.s32 @!p0 $0x0  }
0x12: {  	s1 =	sld [smem:$0x3F93];
	s0 =	simm.s32 @p0 $0x1  }
0x13: {  	[smem:$0x3FAE] =	sst s0;
	s0 =	simm.s32 @!p1 $0x0  }
0x14: {  	s2 =	sld [smem:$0x3F92];
	s0 =	simm.s32 @p1 $0x1  }
0x15: {  	[smem:$0x3FAF] =	sst s0;
	s0 =	simm.s32 @!p2 $0x0  }
0x16: {  	s3 =	sld [smem:$0x3FDB];
	s0 =	simm.s32 @p2 $0x1  }
0x17: {  	s4 =	simm.s32 $0x1BF5;
	[smem:$0x3FB1] =	sst s0  }
0x18: {  	s0 =	sld [smem:$0x3F94];
	_ =	swait.ge [sflag:s4], $0x0  }
0x19: {  	s7 =	sld [smem:$0x3F95]  }
0x1a: {  	s8 =	sadd.s32 $0xFFFFE003, lr  }
0x1b: {  	s9 =	sadd.s32 $0xFFFFFEF7, lr;
	s5 =	simm.s32 $0xFFFFFFFF;
	p2 =	slt.u32 s8, $0xFFFFF086  }
0x1c: {  	p1 =	slt.u32 s9, $0xF7A;
	s5 =	simm.s32 @!p2 $0x0  }
0x1d: {  	s5 =	simm.s32 @p1 $0x1;
	p0 =	seq.s32 s7, s2  }
0x1e: {  	s7 =	smul.u32 @!p0 $0xF7A, s2;
	p2 =	seq.s32 @!p0 s5, $0x0  }
0x1f: {  	s9 =	smul.u32 $0xF7A, s1;
	s8 =	simm.s32 @!p0 $0x1BF5;
	p2 =	por !p2, p0  }
0x20: {  	[sflag:s8] =	ssyncset.s32 @!p0 $0xFFFFF086;
	s6 =	sadd.s32 @!p0 s3, s7;
	s7 =	simm.s32 @!p0 $0x108  }
0x21: {  	s3 =	sadd.s32 s3, s9;
	s6 =	sadd.s32 @!p0 $0x88, s6;
	s7 =	simm.s32 @p2 $0x1082  }
0x22: {  	[simem:s7], [sflag:s8] =	dma.local @!p0 [hbm:s6], $0xF7A  }
0x23: {  	s9 =	sor.u32 $0xD0000000, s2;
	s6 =	simm.s32 $0x108;
	_ =	swait.ge @!p0 [sflag:s8], $0x0  }
0x24: {  	s3 =	sadd.s32 $0x88, s3;
	s6 =	simm.s32 @!p1 $0x1082;
	[sflag:s4] =	ssyncset.s32 $0xFFFFF086  }
0x25: {  	[simem:s6], [sflag:s4] =	dma.local [hbm:s3], $0xF7A  }
0x26: {  	[smem:$0x3F95] =	sst s1;
	(tag) =	ssettag s2;
	_ =	strace s9  }
0x27: {  	s1 =	sld [smem:$0x3FA5]  }
0x28: {  	s2 =	sld [smem:$0x3FA6]  }
0x29: {  	s4 =	sld [smem:$0x3FA8]  }
0x2a: {  	p0 =	seq.s32 s5, $0x0;
	s5 =	sld [smem:$0x3FA9]  }
0x2b: {  	s6 =	sld [smem:$0x3FAA]  }
0x2c: {  	s7 =	sld [smem:$0x3FAB]  }
0x2d: {  	s3 =	simm.s32 $0x108;
	s8 =	sld [smem:$0x3FAC]  }
0x2e: {  	s3 =	simm.s32 @!p0 $0x1082;
	s9 =	sld [smem:$0x3FAD]  }
0x2f: {  	lr =	sadd.s32 s0, s3;
	s0 =	sld [smem:$0x3FA4]  }
0x30: {  	s3 =	sld [smem:$0x3FA7]  }
0x31: {  	[smem:$0x3FB0] =	sst s10  }
0x32: {  	s10 =	sld [smem:$0x3FAE];
	_ =	sdelay $0x3  }
0x33: {  	p0 =	seq.s32 s10, $0x1;
	s10 =	sld [smem:$0x3FB0];
	_ =	sdelay $0x3  }
0x34: {  	[smem:$0x3FB0] =	sst s10  }
0x35: {  	s10 =	sld [smem:$0x3FAF];
	_ =	sdelay $0x3  }
0x36: {  	p1 =	seq.s32 s10, $0x1;
	s10 =	sld [smem:$0x3FB0];
	_ =	sdelay $0x3  }
0x37: {  	[smem:$0x3FB0] =	sst s10  }
0x38: {  	s10 =	sld [smem:$0x3FB1]  }
0x39: {  	_ = 	snop;
	(pc) =	sbr.ind lr, $3  }
0x3a: {  	_ = 	snop  }
0x3b: {  	_ = 	snop  }
0x3c: {  	p2 =	seq.s32 s10, $0x1;
	s10 =	sld [smem:$0x3FB0]  }
0x3d: {  	_ =	shalt  }
0x3e: {  	_ =	shalt  }
0x3f: {  	_ =	shalt  }
0x40: {  	_ =	shalt  }
0x41: {  	_ =	shalt  }
0x42: {  	_ =	shalt  }
0x43: {  	_ =	shalt  }
0x44: {  	_ =	shalt  }
0x45: {  	_ =	shalt  }
0x46: {  	_ =	shalt  }
0x47: {  	_ =	shalt  }
0x48: {  	_ =	shalt  }
0x49: {  	_ =	shalt  }
0x4a: {  	_ =	shalt  }
0x4b: {  	_ =	shalt  }
0x4c: {  	_ =	shalt  }
0x4d: {  	_ =	shalt  }
0x4e: {  	_ =	shalt  }
0x4f: {  	_ =	shalt  }
0x50: {  	_ =	shalt  }
0x51: {  	_ =	shalt  }
0x52: {  	_ =	shalt  }
0x53: {  	_ =	shalt  }
0x54: {  	_ =	shalt  }
0x55: {  	_ =	shalt  }
0x56: {  	_ =	shalt  }
0x57: {  	_ =	shalt  }
0x58: {  	_ =	shalt  }
0x59: {  	_ =	shalt  }
0x5a: {  	_ =	shalt  }
0x5b: {  	_ =	shalt  }
0x5c: {  	_ =	shalt  }
0x5d: {  	_ =	shalt  }
0x5e: {  	_ =	shalt  }
0x5f: {  	_ =	shalt  }
0x60: {  	_ =	shalt  }
0x61: {  	_ =	shalt  }
0x62: {  	_ =	shalt  }
0x63: {  	_ =	shalt  }
0x64: {  	_ =	shalt  }
0x65: {  	_ =	shalt  }
0x66: {  	_ =	shalt  }
0x67: {  	_ =	shalt  }
0x68: {  	_ =	shalt  }
0x69: {  	_ =	shalt  }
0x6a: {  	_ =	shalt  }
0x6b: {  	_ =	shalt  }
0x6c: {  	_ =	shalt  }
0x6d: {  	_ =	shalt  }
0x6e: {  	_ =	shalt  }
0x6f: {  	_ =	shalt  }
0x70: {  	_ =	shalt  }
0x71: {  	_ =	shalt  }
0x72: {  	_ =	shalt  }
0x73: {  	_ =	shalt  }
0x74: {  	_ =	shalt  }
0x75: {  	_ =	shalt  }
0x76: {  	_ =	shalt  }
0x77: {  	_ =	shalt  }
0x78: {  	_ =	shalt  }
0x79: {  	_ =	shalt  }
0x7a: {  	_ =	shalt  }
0x7b: {  	_ =	shalt  }
0x7c: {  	_ =	shalt  }
0x7d: {  	_ =	shalt  }
0x7e: {  	_ =	shalt  }
0x7f: {  	_ =	shalt  }
0x80: {  	_ =	shalt  }
0x81: {  	_ =	shalt  }
0x82: {  	_ =	shalt  }
0x83: {  	_ =	shalt  }
0x84: {  	_ =	shalt  }
0x85: {  	_ =	shalt  }
0x86: {  	_ =	shalt  }
0x87: {  	_ =	shalt  }
.Lfunc_end0:
.L_simem_size_0:
called_computation.2_lowered:
.L_overlay_start_0:
0x88: {  	s2 =	sld [smem:$0x3FD9]  }
0x89: {  	s3 =	sld [smem:$0x3FFE];
	_ =	sdelay $0x1  }
0x8a: {  	s1 =	srdreg.scid  }
0x8b: {  	s0 =	sand.u32 $0x1, s1  }
0x8c: {  	s16 =	sshll.u32 s0, $0xA;
	s2 =	sadd.s32 s3, s2  }
0x8d: {  	s2 =	sadd.s32 s2, s16  }
0x8e: {  	[smem:$0x3FBC] =	sst s2  }
0x8f: {  	_ = 	snop  }
0x90: {  	(tm) =	ssettm $0x1  }
0x91: {  	s17 =	sld [smem:$0x3FFB];
	_ =	sdelay $0x3  }
0x92: {  	_ =	strace s17  }
0x93: {  	s2 =	sld [smem:$0x3FFC];
	_ =	sdelay $0x3  }
0x94: {  	_ =	strace s2  }
0x95: {  	s2 =	sld [smem:$0x3FFD];
	_ =	sdelay $0x3  }
0x96: {  	_ =	strace s2  }
0x97: {  	_ =	strace $0x8FFFFFFF  }
0x98: {  	s18 =	sld [smem:$0x3FDB];
	_ =	sdelay $0x1  }
0x99: {  	s19 =	simm.s32 $_scs_section_size  }
0x9a: {  	s4 =	simm.s32 $_size__tile_overlayer_lowered;
	s5 =	simm.s32 $_tile_overlayer_lowered  }
0x9b: {  	s22 =	simm.s32 $0x1BFF;
	s21 =	sshll.u32 s5, $0x1;
	s2 =	sadd.s32 s19, s18  }
0x9c: {  	s6 =	simm.s32 $0x0;
	s20 =	sshll.u32 s4, $0x1;
	s4 =	sadd.s32 s21, s2  }
0x9d: {  	[timem:s6], [sflag:s22] =	dma.local [hbm:s4], s20  }
0x9e: {  	_ =	swait.ge [sflag:s22], s20  }
0x9f: {  	s3 =	ssub.s32 $0x0, s20;
	[sflag:s22] =	ssyncset.done $0x0  }
0xa0: {  	[sflag:s22] =	ssyncadd.s32 s3;
	_ =	sdelay $0x1  }
0xa1: {  	s23 =	simm.s32 $0x1B8B  }
0xa2: {  	_ =	swait.ge [sflag:s23], $0x1  }
0xa3: {  	[sflag:s23] =	ssyncset.done $0x0  }
0xa4: {  	s25 =	simm.s32 $0x1B8E;
	s24 =	sld [smem:$0x3FFE];
	[sflag:s23] =	ssyncadd.s32 $0xFFFFFFFF  }
0xa5: {  	s26 =	simm.s32 $execute0_lowered;
	[smem:$0x3FD2] =	sst s25  }
0xa6: {  	s4 =	sshll.u32 s26, $0x1;
	_ =	strace $0x8000004C;
	[dreg:$0x1] =	wrdreg $0xFFFFFFFF  }
0xa7: {  	s28 =	simm.s32 $_size_execute0_lowered;
	s2 =	sadd.s32 s2, s4;
	[dreg:$0x0] =	wrdreg $0x0  }
0xa8: {  	s4 =	sshll.u32 s28, $0x1;
	[dreg:$0x2] =	wrdreg s2  }
0xa9: {  	[dreg:$0x3] =	wrdreg s4  }
0xaa: {  	[dreg:$0x4] =	wrdreg $0xC0  }
0xab: {  	_ =	task [dreg:s6], $0x5FFFF  }
0xac: {  	[dreg:$0x1] =	wrdreg $0xFFFFFFFF  }
0xad: {  	[dreg:$0x0] =	wrdreg $0x60  }
0xae: {  	[dreg:$0x2] =	wrdreg s24  }
0xaf: {  	[dreg:$0x3] =	wrdreg $0x110000  }
0xb0: {  	[dreg:$0x4] =	wrdreg $0x9  }
0xb1: {  	_ =	task.clear_ibuf [dreg:s6], $0x5FFFF;
	_ =	strace $0x9000004C  }
0xb2: {  	s29 =	simm.s32 $0x9;
	_ =	strace $0x8000004E  }
0xb3: {  	_ =	swait.ge [sflag:s29], $0x1  }
0xb4: {  	[sflag:s29] =	ssyncadd.s32 $0xFFFFFFFF  }
0xb5: {  	_ =	strace $0x9000004E  }
0xb6: {  	_ =	sfence  }
0xb7: {  	s30 =	sld [smem:$0x0];
	_ =	sdelay $0x2  }
0xb8: {  	s31 =	sshll.u32 s1, $0xD;
	s1 =	sshrl.u32 s1, $0x2  }
0xb9: {  	s3 =	sand.u32 $0x4000, s31;
	s1 =	sadd.s32 s1, s30  }
0xba: {  	s0 =	sor.u32 s3, s0;
	s1 =	sshll.u32 s1, $0x11  }
0xbb: {  	s0 =	sor.u32 s1, s0  }
0xbc: {  	s0 =	sadd.s32 $0x8F2B, s0  }
0xbd: {  	[sflag:s0] =	ssyncadd.remote.s32 $0x1  }
0xbe: {  	_ =	sfence.sel $0xFFFF  }
0xbf: {  	[dreg:$0x0] =	wrdreg $0xFFFFFFFF;
	(pc) =	sbr.abs _section_cstart, $3  }
0xc0: {  	[dreg:$0x1] =	wrdreg $0xFFFFFFFF  }
0xc1: {  	_ =	task.clear_ibuf [dreg:s6], $0x2FFFF;
	_ =	strace $0x9FFFFFFF  }
0xc2: {  	(tm) =	ssettm $0x7FFFFFFF  }
0xc3: {  	_ =	shalt  }
tec
execute0_lowered:
.L_overlay_start_1:
0x0: {  	(tag) =	ssettag $0x1  }
0x1: {  	s5 =	rddreg [dreg:$0x0]  }
0x2: {  	s0 =	srdreg.scid;
	s2 =	rddreg [dreg:$0x1]  }
0x3: {  	s1 =	stileid.u32;
	s3 =	simm.s32 $0x0;
	s13 =	simm.s32 $0x80  }
0x4: {  	s14 =	simm.s32 $0x5000;
	s15 =	simm.s32 $0x7000;
	s16 =	simm.s32 $0x100  }
0x5: {  	s17 =	simm.s32 $0x9000;
	s18 =	simm.s32 $0x180;
	s19 =	simm.s32 $0xB000  }
0x6: {  	s20 =	simm.s32 $0x200;
	s21 =	simm.s32 $0xD000;
	s22 =	simm.s32 $0x2  }
0x7: {  	s6 =	sand.u32 $0x1, s0;
	s0 =	rddreg [dreg:$0x2];
	s7 =	smul.u32 $0x2800, s1  }
0x8: {  	s23 =	simm.s32 $0x1;
	[smem:$0x7FF] =	sst s3;
	s10 =	smul.u32 $0xA000, s1  }
0x9: {  	s11 =	sadd.s32 $0x17C00, s5;
	s4 =	smul.u32 $0x28000, s6;
	_ =	strace $0x8000004D  }
0xa: {  	s8 =	smul.u32 $0x14000, s6;
	s9 =	ssub.s32 $0x2, s6;
	p0 =	seq.s32 s6, $0x0  }
0xb: {  	s31 =	sshrl.u32 s9, $0x1;
	s12 =	sadd.s32 s10, s2;
	s24 =	sshrl.u32 s10, $0x3  }
0xc: {  	s7 =	sadd.s32 s7, s4;
	s4 =	sadd.s32 $0x2BC00, s5;
	s8 =	sadd.s32 s8, s5  }
0xd: {  	s9 =	ssub.s32 s9, s31;
	s7 =	sshrl.u32 s7, $0x3;
	s25 =	sadd.s32 $0x3FC00, s8  }
0xe: {  	s11 =	smov.u32 @p0 s4;
	s8 =	smax.u32 s9, $0x1;
	s7 =	sadd.s32 s7, s5  }
0xf: {  	s9 =	sadd.s32 s11, s24;
	s11 =	sshrl.u32 s12, $0x3;
	s12 =	simm.s32 $0x3  }
0x10: {  	s5 =	sadd.s32 $0x3C00, s7;
	s6 =	sadd.s32 $0xDC00, s7;
	s7 =	sshll.u32 s1, $0x6  }
0x11: {  	s24 =	sadd.s32 s24, s25;
	s25 =	simm.s32 $0x0;
	s10 =	sor.u32 $0x1C02, s7  }
.LBB2_1:
0x12: {  	[spmem:s11], [sflag:s10] =	dma.local [hbm:s9], $0x1400  }
0x13: {  	[tilespmem:s3], [sflag:$0x3] =	stream.linear.gather [hbm4b:s5+s3], $0x2800, $0x38;
	[tilespmem:$0x1B000] =	vst v63  }
0x14: {  	_ =	swait.ge [sflag:s12], $0x2800  }
0x15: {  	[sflag:s12] =	ssyncset.done $0x0  }
0x16: {  	[sflag:s12] =	ssyncadd.s32 $0xFFFFD800  }
0x17: {  	[tilespmem:s14], [sflag:$0x1] =	stream.indirect.gather [hbm4b:s4+s13], $0x40, s3, s13, $0xb8;
	[tilespmem:$0x1B000] =	vst v63  }
0x18: {  	_ = 	snop  }
0x19: {  	[tilespmem:s15], [sflag:$0x1] =	stream.indirect.gather [hbm4b:s4+s13], $0x40, s13, s13, $0xb8;
	[tilespmem:$0x1B000] =	vst v63  }
0x1a: {  	_ = 	snop  }
0x1b: {  	[tilespmem:s17], [sflag:$0x1] =	stream.indirect.gather [hbm4b:s4+s13], $0x40, s16, s13, $0xb8;
	[tilespmem:$0x1B000] =	vst v63  }
0x1c: {  	_ = 	snop  }
0x1d: {  	[tilespmem:s19], [sflag:$0x1] =	stream.indirect.gather [hbm4b:s4+s13], $0x40, s18, s13, $0xb8;
	[tilespmem:$0x1B000] =	vst v63  }
0x1e: {  	_ = 	snop  }
0x1f: {  	[tilespmem:s21], [sflag:$0x1] =	stream.indirect.gather [hbm4b:s4+s13], $0x40, s20, s13, $0xb8;
	[tilespmem:$0x1B000] =	vst v63  }
0x20: {  	s26 =	simm.s32 $0x2800  }
0x21: {  	[tilespmem:s26], [sflag:$0x3] =	stream.linear.gather [hbm4b:s6+s3], $0x2800, $0x38;
	[tilespmem:$0x1B000] =	vst v63  }
0x22: {  	_ =	swait.ge [sflag:s12], $0x2800  }
0x23: {  	[sflag:s12] =	ssyncset.done $0x0  }
0x24: {  	[sflag:s12] =	ssyncadd.s32 $0xFFFFD800  }
0x25: {  	_ =	swait.ge [sflag:s22], $0x1400  }
0x26: {  	[sflag:s22] =	ssyncset.done $0x0  }
0x27: {  	[sflag:s22] =	ssyncadd.s32 $0xFFFFEC00  }
0x28: {  	s28 =	simm.s32 $0x280;
	s29 =	simm.s32 $0x0;
	[bflag:$0x0] =	sbarrier.arrive $0xFFFF  }
.LBB2_2:
0x29: {  	s30 =	smul.u32 $0xAB, s29;
	_ =	sdelay $0x1  }
0x2a: {  	s30 =	sshrl.u32 s30, $0xA  }
0x2b: {  	s30 =	sand.u32 $0x3F, s30  }
0x2c: {  	s30 =	smul.u32 $0x6, s30;
	_ =	sdelay $0x1  }
0x2d: {  	s30 =	ssub.s32 s29, s30  }
0x2e: {  	_ =	swait.ge [sflag:s23], $0x2000;
	s30 =	sand.u32 $0xFF, s30  }
0x2f: {  	[sflag:s23] =	ssyncset.done $0x0;
	s30 =	sshll.u32 s30, $0xD  }
0x30: {  	p0 =	seq.s32 s29, $0x0;
	[sflag:s23] =	ssyncadd.s32 $0xFFFFE000;
	s30 =	sadd.s32 $0x5000, s30  }
0x31: {  	[spmem:s2] =	stream.indirect.scatter.add.f32 [tilespmem:s30], [sflag:$0x2], $0x40, s26, s13, $0xb8;
	[tilespmem:$0x1B000] =	vst v63  }
0x32: {  	s30 =	simm.s32 @!p0 $0x2  }
0x33: {  	p1 =	sgt.u32 @!p0 s29, $0x4A;
	_ =	swait.ge @!p0 [sflag:s30], $0x2000  }
0x34: {  	p1 =	por p0, !p1;
	[sflag:s30] =	ssyncset.done @!p0 $0x0  }
0x35: {  	[sflag:s30] =	ssyncadd.s32 @!p0 $0xFFFFE000;
	s30 =	sadd.s32 @p1 $0x5, s29  }
0x36: {  	s31 =	smul.u32 @p1 $0xAB, s30;
	_ =	sdelay $0x1  }
0x37: {  	s31 =	sshrl.u32 @p1 s31, $0xA  }
0x38: {  	s31 =	sand.u32 @p1 $0x3F, s31  }
0x39: {  	s31 =	smul.u32 @p1 $0x6, s31  }
0x3a: {  	s29 =	sadd.s32 $0x1, s29  }
0x3b: {  	p0 =	sne.s32 s29, $0x50;
	s30 =	ssub.s32 @p1 s30, s31  }
.Ltmp0:
0x3c: {  	s30 =	sand.u32 @p1 $0xFF, s30;
	(pc) =	sbr.rel @p0 .LBB2_2-.Ltmp0, $4  }
0x3d: {  	s30 =	sshll.u32 @p1 s30, $0xD  }
0x3e: {  	s30 =	sadd.s32 @p1 $0x5000, s30  }
0x3f: {  	[tilespmem:s30], [sflag:$0x1] =	stream.indirect.gather @p1 [hbm4b:s4+s13], $0x40, s28, s13, $0xb8;
	[tilespmem:$0x1B000] =	vst v63  }
0x40: {  	s26 =	sadd.s32 $0x80, s26;
	s28 =	sadd.s32 $0x80, s28  }
0x41: {  	_ =	swait.ge [sflag:s22], $0x2000  }
0x42: {  	s25 =	sadd.s32 $0x1, s25;
	[sflag:s22] =	ssyncset.done $0x0  }
0x43: {  	p0 =	sne.s32 s25, s8;
	[sflag:s22] =	ssyncadd.s32 $0xFFFFE000  }
.Ltmp1:
0x44: {  	s26 =	sor.u32 $0x1C03, s7;
	[bflag:$0x0] =	sbarrier.arrive $0xFFFF;
	(pc) =	sbr.rel @p0 .LBB2_1-.Ltmp1, $4  }
0x45: {  	[hbm:s24], [sflag:s26] =	dma.local [spmem:s11], $0x1400  }
0x46: {  	_ =	swait.ge [sflag:s12], $0x1400  }
0x47: {  	[sflag:s12] =	ssyncset.done $0x0  }
0x48: {  	[sflag:s12] =	ssyncadd.s32 $0xFFFFEC00  }
0x49: {  	_ =	sfence.sel $0x180000  }
0x4a: {  	[bflag:$0x0] =	sbarrier.arrive $0xFFFF  }
0x4b: {  	p0 =	sne.s32 s1, $0x0;
	_ =	strace $0x9000004D  }
0x4c: {  	s0 =	sadd.s32 @!p0 $0x100000, s0;
	[bflag:$0x2] =	sbarrier.arrive $0xFFFF  }
0x4d: {  	[sflag:s0] =	ssyncadd.tile.s32 @!p0 $0x1;
	_ =	shalt  }
.Lfunc_end2:
_tile_overlayer_lowered:
.L_overlay_start_2:
0x4e: {  	(tag) =	ssettag $0x2  }
0x4f: {  	s0 =	rddreg [dreg:$0x0];
	s2 =	stileid.u32  }
0x50: {  	s1 =	rddreg [dreg:$0x1];
	p0 =	sne.s32 s2, $0x0  }
0x51: {  	s3 =	rddreg [dreg:$0x2];
	[bflag:$0x3] =	sbarrier.arrive $0xFFFF;
	s2 =	simm.s32 @!p0 $0x1C03  }
0x52: {  	[timem:s3], [sflag:s2] =	dma.local @!p0 [hbm:s0], s1  }
0x53: {  	s0 =	simm.s32 @!p0 $0x3  }
0x54: {  	_ =	swait.ge @!p0 [sflag:s0], s1  }
0x55: {  	s1 =	ssub.s32 @!p0 $0x0, s1;
	[sflag:s0] =	ssyncset.done @!p0 $0x0  }
0x56: {  	[sflag:s0] =	ssyncadd.s32 @!p0 s1  }
0x57: {  	[bflag:$0x3] =	sbarrier.arrive $0xFFFF  }
0x58: {  	_ =	shalt  }

// kernel: kernel.21.cloned.1.call-start
scs
__scs_entry_jumppad:
0x0: {  	(pc) =	sbr.rel $0x88, $3  }
0x1: {  	(tag) =	ssettag $0x0;
	lr =	simm.s32 $0x1  }
0x2: {  	[smem:$0x3F95] =	sst lr;
	_ =	strace $0xD0000000  }
0x3: {  	_ = 	snop  }
0x4: {  	_ = 	snop  }
0x5: {  	_ = 	snop  }
0x6: {  	_ = 	snop  }
0x7: {  	_ = 	snop  }
__scs_overlays_trampoline_lowered:
0x8: {  	[smem:$0x3FA4] =	sst s0  }
0x9: {  	[smem:$0x3FA5] =	sst s1  }
0xa: {  	[smem:$0x3FA6] =	sst s2  }
0xb: {  	[smem:$0x3FA7] =	sst s3  }
0xc: {  	[smem:$0x3FA8] =	sst s4  }
0xd: {  	[smem:$0x3FA9] =	sst s5  }
0xe: {  	[smem:$0x3FAA] =	sst s6  }
0xf: {  	[smem:$0x3FAB] =	sst s7  }
0x10: {  	[smem:$0x3FAC] =	sst s8  }
0x11: {  	[smem:$0x3FAD] =	sst s9;
	s0 =	simm.s32 @!p0 $0x0  }
0x12: {  	s1 =	sld [smem:$0x3F93];
	s0 =	simm.s32 @p0 $0x1  }
0x13: {  	[smem:$0x3FAE] =	sst s0;
	s0 =	simm.s32 @!p1 $0x0  }
0x14: {  	s2 =	sld [smem:$0x3F92];
	s0 =	simm.s32 @p1 $0x1  }
0x15: {  	[smem:$0x3FAF] =	sst s0;
	s0 =	simm.s32 @!p2 $0x0  }
0x16: {  	s3 =	sld [smem:$0x3FDB];
	s0 =	simm.s32 @p2 $0x1  }
0x17: {  	s4 =	simm.s32 $0x1BF5;
	[smem:$0x3FB1] =	sst s0  }
0x18: {  	s0 =	sld [smem:$0x3F94];
	_ =	swait.ge [sflag:s4], $0x0  }
0x19: {  	s7 =	sld [smem:$0x3F95]  }
0x1a: {  	s8 =	sadd.s32 $0xFFFFE003, lr  }
0x1b: {  	s9 =	sadd.s32 $0xFFFFFEF7, lr;
	s5 =	simm.s32 $0xFFFFFFFF;
	p2 =	slt.u32 s8, $0xFFFFF086  }
0x1c: {  	p1 =	slt.u32 s9, $0xF7A;
	s5 =	simm.s32 @!p2 $0x0  }
0x1d: {  	s5 =	simm.s32 @p1 $0x1;
	p0 =	seq.s32 s7, s2  }
0x1e: {  	s7 =	smul.u32 @!p0 $0xF7A, s2;
	p2 =	seq.s32 @!p0 s5, $0x0  }
0x1f: {  	s9 =	smul.u32 $0xF7A, s1;
	s8 =	simm.s32 @!p0 $0x1BF5;
	p2 =	por !p2, p0  }
0x20: {  	[sflag:s8] =	ssyncset.s32 @!p0 $0xFFFFF086;
	s6 =	sadd.s32 @!p0 s3, s7;
	s7 =	simm.s32 @!p0 $0x108  }
0x21: {  	s3 =	sadd.s32 s3, s9;
	s6 =	sadd.s32 @!p0 $0x88, s6;
	s7 =	simm.s32 @p2 $0x1082  }
0x22: {  	[simem:s7], [sflag:s8] =	dma.local @!p0 [hbm:s6], $0xF7A  }
0x23: {  	s9 =	sor.u32 $0xD0000000, s2;
	s6 =	simm.s32 $0x108;
	_ =	swait.ge @!p0 [sflag:s8], $0x0  }
0x24: {  	s3 =	sadd.s32 $0x88, s3;
	s6 =	simm.s32 @!p1 $0x1082;
	[sflag:s4] =	ssyncset.s32 $0xFFFFF086  }
0x25: {  	[simem:s6], [sflag:s4] =	dma.local [hbm:s3], $0xF7A  }
0x26: {  	[smem:$0x3F95] =	sst s1;
	(tag) =	ssettag s2;
	_ =	strace s9  }
0x27: {  	s1 =	sld [smem:$0x3FA5]  }
0x28: {  	s2 =	sld [smem:$0x3FA6]  }
0x29: {  	s4 =	sld [smem:$0x3FA8]  }
0x2a: {  	p0 =	seq.s32 s5, $0x0;
	s5 =	sld [smem:$0x3FA9]  }
0x2b: {  	s6 =	sld [smem:$0x3FAA]  }
0x2c: {  	s7 =	sld [smem:$0x3FAB]  }
0x2d: {  	s3 =	simm.s32 $0x108;
	s8 =	sld [smem:$0x3FAC]  }
0x2e: {  	s3 =	simm.s32 @!p0 $0x1082;
	s9 =	sld [smem:$0x3FAD]  }
0x2f: {  	lr =	sadd.s32 s0, s3;
	s0 =	sld [smem:$0x3FA4]  }
0x30: {  	s3 =	sld [smem:$0x3FA7]  }
0x31: {  	[smem:$0x3FB0] =	sst s10  }
0x32: {  	s10 =	sld [smem:$0x3FAE];
	_ =	sdelay $0x3  }
0x33: {  	p0 =	seq.s32 s10, $0x1;
	s10 =	sld [smem:$0x3FB0];
	_ =	sdelay $0x3  }
0x34: {  	[smem:$0x3FB0] =	sst s10  }
0x35: {  	s10 =	sld [smem:$0x3FAF];
	_ =	sdelay $0x3  }
0x36: {  	p1 =	seq.s32 s10, $0x1;
	s10 =	sld [smem:$0x3FB0];
	_ =	sdelay $0x3  }
0x37: {  	[smem:$0x3FB0] =	sst s10  }
0x38: {  	s10 =	sld [smem:$0x3FB1]  }
0x39: {  	_ = 	snop;
	(pc) =	sbr.ind lr, $3  }
0x3a: {  	_ = 	snop  }
0x3b: {  	_ = 	snop  }
0x3c: {  	p2 =	seq.s32 s10, $0x1;
	s10 =	sld [smem:$0x3FB0]  }
0x3d: {  	_ =	shalt  }
0x3e: {  	_ =	shalt  }
0x3f: {  	_ =	shalt  }
0x40: {  	_ =	shalt  }
0x41: {  	_ =	shalt  }
0x42: {  	_ =	shalt  }
0x43: {  	_ =	shalt  }
0x44: {  	_ =	shalt  }
0x45: {  	_ =	shalt  }
0x46: {  	_ =	shalt  }
0x47: {  	_ =	shalt  }
0x48: {  	_ =	shalt  }
0x49: {  	_ =	shalt  }
0x4a: {  	_ =	shalt  }
0x4b: {  	_ =	shalt  }
0x4c: {  	_ =	shalt  }
0x4d: {  	_ =	shalt  }
0x4e: {  	_ =	shalt  }
0x4f: {  	_ =	shalt  }
0x50: {  	_ =	shalt  }
0x51: {  	_ =	shalt  }
0x52: {  	_ =	shalt  }
0x53: {  	_ =	shalt  }
0x54: {  	_ =	shalt  }
0x55: {  	_ =	shalt  }
0x56: {  	_ =	shalt  }
0x57: {  	_ =	shalt  }
0x58: {  	_ =	shalt  }
0x59: {  	_ =	shalt  }
0x5a: {  	_ =	shalt  }
0x5b: {  	_ =	shalt  }
0x5c: {  	_ =	shalt  }
0x5d: {  	_ =	shalt  }
0x5e: {  	_ =	shalt  }
0x5f: {  	_ =	shalt  }
0x60: {  	_ =	shalt  }
0x61: {  	_ =	shalt  }
0x62: {  	_ =	shalt  }
0x63: {  	_ =	shalt  }
0x64: {  	_ =	shalt  }
0x65: {  	_ =	shalt  }
0x66: {  	_ =	shalt  }
0x67: {  	_ =	shalt  }
0x68: {  	_ =	shalt  }
0x69: {  	_ =	shalt  }
0x6a: {  	_ =	shalt  }
0x6b: {  	_ =	shalt  }
0x6c: {  	_ =	shalt  }
0x6d: {  	_ =	shalt  }
0x6e: {  	_ =	shalt  }
0x6f: {  	_ =	shalt  }
0x70: {  	_ =	shalt  }
0x71: {  	_ =	shalt  }
0x72: {  	_ =	shalt  }
0x73: {  	_ =	shalt  }
0x74: {  	_ =	shalt  }
0x75: {  	_ =	shalt  }
0x76: {  	_ =	shalt  }
0x77: {  	_ =	shalt  }
0x78: {  	_ =	shalt  }
0x79: {  	_ =	shalt  }
0x7a: {  	_ =	shalt  }
0x7b: {  	_ =	shalt  }
0x7c: {  	_ =	shalt  }
0x7d: {  	_ =	shalt  }
0x7e: {  	_ =	shalt  }
0x7f: {  	_ =	shalt  }
0x80: {  	_ =	shalt  }
0x81: {  	_ =	shalt  }
0x82: {  	_ =	shalt  }
0x83: {  	_ =	shalt  }
0x84: {  	_ =	shalt  }
0x85: {  	_ =	shalt  }
0x86: {  	_ =	shalt  }
0x87: {  	_ =	shalt  }
.Lfunc_end0:
.L_simem_size_0:
called_computation.3_lowered:
.L_overlay_start_0:
0x88: {  	s2 =	sld [smem:$0x3FD9]  }
0x89: {  	s3 =	sld [smem:$0x3FFE];
	_ =	sdelay $0x1  }
0x8a: {  	s1 =	srdreg.scid  }
0x8b: {  	s0 =	sand.u32 $0x1, s1  }
0x8c: {  	s16 =	sshll.u32 s0, $0xA;
	s2 =	sadd.s32 s3, s2  }
0x8d: {  	s2 =	sadd.s32 s2, s16  }
0x8e: {  	[smem:$0x3FBC] =	sst s2  }
0x8f: {  	_ = 	snop  }
0x90: {  	(tm) =	ssettm $0x1  }
0x91: {  	s17 =	sld [smem:$0x3FFB];
	_ =	sdelay $0x3  }
0x92: {  	_ =	strace s17  }
0x93: {  	s2 =	sld [smem:$0x3FFC];
	_ =	sdelay $0x3  }
0x94: {  	_ =	strace s2  }
0x95: {  	s2 =	sld [smem:$0x3FFD];
	_ =	sdelay $0x3  }
0x96: {  	_ =	strace s2  }
0x97: {  	_ =	strace $0x8FFFFFFF  }
0x98: {  	s18 =	sld [smem:$0x3FDB];
	_ =	sdelay $0x1  }
0x99: {  	s19 =	simm.s32 $_scs_section_size  }
0x9a: {  	s4 =	simm.s32 $_size__tile_overlayer_lowered;
	s5 =	simm.s32 $_tile_overlayer_lowered  }
0x9b: {  	s22 =	simm.s32 $0x1BFF;
	s21 =	sshll.u32 s5, $0x1;
	s2 =	sadd.s32 s19, s18  }
0x9c: {  	s6 =	simm.s32 $0x0;
	s20 =	sshll.u32 s4, $0x1;
	s4 =	sadd.s32 s21, s2  }
0x9d: {  	[timem:s6], [sflag:s22] =	dma.local [hbm:s4], s20  }
0x9e: {  	_ =	swait.ge [sflag:s22], s20  }
0x9f: {  	s3 =	ssub.s32 $0x0, s20;
	[sflag:s22] =	ssyncset.done $0x0  }
0xa0: {  	[sflag:s22] =	ssyncadd.s32 s3;
	_ =	sdelay $0x1  }
0xa1: {  	s23 =	simm.s32 $0x1B8B  }
0xa2: {  	_ =	swait.ge [sflag:s23], $0x1  }
0xa3: {  	[sflag:s23] =	ssyncset.done $0x0  }
0xa4: {  	s25 =	simm.s32 $0x1B8E;
	s24 =	sld [smem:$0x3FFE];
	[sflag:s23] =	ssyncadd.s32 $0xFFFFFFFF  }
0xa5: {  	s26 =	simm.s32 $execute0_lowered;
	[smem:$0x3FD2] =	sst s25  }
0xa6: {  	s4 =	sshll.u32 s26, $0x1;
	_ =	strace $0x8000004F;
	[dreg:$0x1] =	wrdreg $0xFFFFFFFF  }
0xa7: {  	s28 =	simm.s32 $_size_execute0_lowered;
	s2 =	sadd.s32 s2, s4;
	[dreg:$0x0] =	wrdreg $0x0  }
0xa8: {  	s4 =	sshll.u32 s28, $0x1;
	[dreg:$0x2] =	wrdreg s2  }
0xa9: {  	[dreg:$0x3] =	wrdreg s4  }
0xaa: {  	[dreg:$0x4] =	wrdreg $0xC0  }
0xab: {  	_ =	task [dreg:s6], $0x5FFFF  }
0xac: {  	[dreg:$0x1] =	wrdreg $0xFFFFFFFF  }
0xad: {  	[dreg:$0x0] =	wrdreg $0x60  }
0xae: {  	[dreg:$0x2] =	wrdreg s24  }
0xaf: {  	[dreg:$0x3] =	wrdreg $0x110000  }
0xb0: {  	[dreg:$0x4] =	wrdreg $0x9  }
0xb1: {  	_ =	task.clear_ibuf [dreg:s6], $0x5FFFF;
	_ =	strace $0x9000004F  }
0xb2: {  	s29 =	simm.s32 $0x9;
	_ =	strace $0x80000051  }
0xb3: {  	_ =	swait.ge [sflag:s29], $0x1  }
0xb4: {  	[sflag:s29] =	ssyncadd.s32 $0xFFFFFFFF  }
0xb5: {  	_ =	strace $0x90000051  }
0xb6: {  	_ =	sfence  }
0xb7: {  	s30 =	sld [smem:$0x0];
	_ =	sdelay $0x2  }
0xb8: {  	s31 =	sshll.u32 s1, $0xD;
	s1 =	sshrl.u32 s1, $0x2  }
0xb9: {  	s3 =	sand.u32 $0x4000, s31;
	s1 =	sadd.s32 s1, s30  }
0xba: {  	s0 =	sor.u32 s3, s0;
	s1 =	sshll.u32 s1, $0x11  }
0xbb: {  	s0 =	sor.u32 s1, s0  }
0xbc: {  	s0 =	sadd.s32 $0x8F2B, s0  }
0xbd: {  	[sflag:s0] =	ssyncadd.remote.s32 $0x1  }
0xbe: {  	_ =	sfence.sel $0xFFFF  }
0xbf: {  	[dreg:$0x0] =	wrdreg $0xFFFFFFFF;
	(pc) =	sbr.abs _section_cstart, $3  }
0xc0: {  	[dreg:$0x1] =	wrdreg $0xFFFFFFFF  }
0xc1: {  	_ =	task.clear_ibuf [dreg:s6], $0x2FFFF;
	_ =	strace $0x9FFFFFFF  }
0xc2: {  	(tm) =	ssettm $0x7FFFFFFF  }
0xc3: {  	_ =	shalt  }
tec
execute0_lowered:
.L_overlay_start_1:
0x0: {  	(tag) =	ssettag $0x1  }
0x1: {  	s5 =	rddreg [dreg:$0x0]  }
0x2: {  	s0 =	srdreg.scid;
	s2 =	rddreg [dreg:$0x1]  }
0x3: {  	s1 =	stileid.u32;
	s3 =	simm.s32 $0x0;
	s13 =	simm.s32 $0x80  }
0x4: {  	s14 =	simm.s32 $0x5000;
	s15 =	simm.s32 $0x7000;
	s16 =	simm.s32 $0x100  }
0x5: {  	s17 =	simm.s32 $0x9000;
	s18 =	simm.s32 $0x180;
	s19 =	simm.s32 $0xB000  }
0x6: {  	s20 =	simm.s32 $0x200;
	s21 =	simm.s32 $0xD000;
	s22 =	simm.s32 $0x2  }
0x7: {  	s6 =	sand.u32 $0x1, s0;
	s0 =	rddreg [dreg:$0x2];
	s7 =	smul.u32 $0x2800, s1  }
0x8: {  	s23 =	simm.s32 $0x1;
	[smem:$0x7FF] =	sst s3;
	s10 =	smul.u32 $0xA000, s1  }
0x9: {  	s11 =	sadd.s32 $0x17C00, s5;
	s4 =	smul.u32 $0x28000, s6;
	_ =	strace $0x80000050  }
0xa: {  	s8 =	smul.u32 $0x14000, s6;
	s9 =	ssub.s32 $0x2, s6;
	p0 =	seq.s32 s6, $0x0  }
0xb: {  	s31 =	sshrl.u32 s9, $0x1;
	s12 =	sadd.s32 s10, s2;
	s24 =	sshrl.u32 s10, $0x3  }
0xc: {  	s7 =	sadd.s32 s7, s4;
	s4 =	sadd.s32 $0x2BC00, s5;
	s8 =	sadd.s32 s8, s5  }
0xd: {  	s9 =	ssub.s32 s9, s31;
	s7 =	sshrl.u32 s7, $0x3;
	s25 =	sadd.s32 $0x3FC00, s8  }
0xe: {  	s11 =	smov.u32 @p0 s4;
	s8 =	smax.u32 s9, $0x1;
	s7 =	sadd.s32 s7, s5  }
0xf: {  	s9 =	sadd.s32 s11, s24;
	s11 =	sshrl.u32 s12, $0x3;
	s12 =	simm.s32 $0x3  }
0x10: {  	s5 =	sadd.s32 $0x3C00, s7;
	s6 =	sadd.s32 $0xDC00, s7;
	s7 =	sshll.u32 s1, $0x6  }
0x11: {  	s24 =	sadd.s32 s24, s25;
	s25 =	simm.s32 $0x0;
	s10 =	sor.u32 $0x1C02, s7  }
.LBB2_1:
0x12: {  	[spmem:s11], [sflag:s10] =	dma.local [hbm:s9], $0x1400  }
0x13: {  	[tilespmem:s3], [sflag:$0x3] =	stream.linear.gather [hbm4b:s5+s3], $0x2800, $0x38;
	[tilespmem:$0x1B000] =	vst v63  }
0x14: {  	_ =	swait.ge [sflag:s12], $0x2800  }
0x15: {  	[sflag:s12] =	ssyncset.done $0x0  }
0x16: {  	[sflag:s12] =	ssyncadd.s32 $0xFFFFD800  }
0x17: {  	[tilespmem:s14], [sflag:$0x1] =	stream.indirect.gather [hbm4b:s4+s13], $0x40, s3, s13, $0xb8;
	[tilespmem:$0x1B000] =	vst v63  }
0x18: {  	_ = 	snop  }
0x19: {  	[tilespmem:s15], [sflag:$0x1] =	stream.indirect.gather [hbm4b:s4+s13], $0x40, s13, s13, $0xb8;
	[tilespmem:$0x1B000] =	vst v63  }
0x1a: {  	_ = 	snop  }
0x1b: {  	[tilespmem:s17], [sflag:$0x1] =	stream.indirect.gather [hbm4b:s4+s13], $0x40, s16, s13, $0xb8;
	[tilespmem:$0x1B000] =	vst v63  }
0x1c: {  	_ = 	snop  }
0x1d: {  	[tilespmem:s19], [sflag:$0x1] =	stream.indirect.gather [hbm4b:s4+s13], $0x40, s18, s13, $0xb8;
	[tilespmem:$0x1B000] =	vst v63  }
0x1e: {  	_ = 	snop  }
0x1f: {  	[tilespmem:s21], [sflag:$0x1] =	stream.indirect.gather [hbm4b:s4+s13], $0x40, s20, s13, $0xb8;
	[tilespmem:$0x1B000] =	vst v63  }
0x20: {  	s26 =	simm.s32 $0x2800  }
0x21: {  	[tilespmem:s26], [sflag:$0x3] =	stream.linear.gather [hbm4b:s6+s3], $0x2800, $0x38;
	[tilespmem:$0x1B000] =	vst v63  }
0x22: {  	_ =	swait.ge [sflag:s12], $0x2800  }
0x23: {  	[sflag:s12] =	ssyncset.done $0x0  }
0x24: {  	[sflag:s12] =	ssyncadd.s32 $0xFFFFD800  }
0x25: {  	_ =	swait.ge [sflag:s22], $0x1400  }
0x26: {  	[sflag:s22] =	ssyncset.done $0x0  }
0x27: {  	[sflag:s22] =	ssyncadd.s32 $0xFFFFEC00  }
0x28: {  	s28 =	simm.s32 $0x280;
	s29 =	simm.s32 $0x0;
	[bflag:$0x0] =	sbarrier.arrive $0xFFFF  }
.LBB2_2:
0x29: {  	s30 =	smul.u32 $0xAB, s29;
	_ =	sdelay $0x1  }
0x2a: {  	s30 =	sshrl.u32 s30, $0xA  }
0x2b: {  	s30 =	sand.u32 $0x3F, s30  }
0x2c: {  	s30 =	smul.u32 $0x6, s30;
	_ =	sdelay $0x1  }
0x2d: {  	s30 =	ssub.s32 s29, s30  }
0x2e: {  	_ =	swait.ge [sflag:s23], $0x2000;
	s30 =	sand.u32 $0xFF, s30  }
0x2f: {  	[sflag:s23] =	ssyncset.done $0x0;
	s30 =	sshll.u32 s30, $0xD  }
0x30: {  	p0 =	seq.s32 s29, $0x0;
	[sflag:s23] =	ssyncadd.s32 $0xFFFFE000;
	s30 =	sadd.s32 $0x5000, s30  }
0x31: {  	[spmem:s2] =	stream.indirect.scatter.add.f32 [tilespmem:s30], [sflag:$0x2], $0x40, s26, s13, $0xb8;
	[tilespmem:$0x1B000] =	vst v63  }
0x32: {  	s30 =	simm.s32 @!p0 $0x2  }
0x33: {  	p1 =	sgt.u32 @!p0 s29, $0x4A;
	_ =	swait.ge @!p0 [sflag:s30], $0x2000  }
0x34: {  	p1 =	por p0, !p1;
	[sflag:s30] =	ssyncset.done @!p0 $0x0  }
0x35: {  	[sflag:s30] =	ssyncadd.s32 @!p0 $0xFFFFE000;
	s30 =	sadd.s32 @p1 $0x5, s29  }
0x36: {  	s31 =	smul.u32 @p1 $0xAB, s30;
	_ =	sdelay $0x1  }
0x37: {  	s31 =	sshrl.u32 @p1 s31, $0xA  }
0x38: {  	s31 =	sand.u32 @p1 $0x3F, s31  }
0x39: {  	s31 =	smul.u32 @p1 $0x6, s31  }
0x3a: {  	s29 =	sadd.s32 $0x1, s29  }
0x3b: {  	p0 =	sne.s32 s29, $0x50;
	s30 =	ssub.s32 @p1 s30, s31  }
.Ltmp0:
0x3c: {  	s30 =	sand.u32 @p1 $0xFF, s30;
	(pc) =	sbr.rel @p0 .LBB2_2-.Ltmp0, $4  }
0x3d: {  	s30 =	sshll.u32 @p1 s30, $0xD  }
0x3e: {  	s30 =	sadd.s32 @p1 $0x5000, s30  }
0x3f: {  	[tilespmem:s30], [sflag:$0x1] =	stream.indirect.gather @p1 [hbm4b:s4+s13], $0x40, s28, s13, $0xb8;
	[tilespmem:$0x1B000] =	vst v63  }
0x40: {  	s26 =	sadd.s32 $0x80, s26;
	s28 =	sadd.s32 $0x80, s28  }
0x41: {  	_ =	swait.ge [sflag:s22], $0x2000  }
0x42: {  	s25 =	sadd.s32 $0x1, s25;
	[sflag:s22] =	ssyncset.done $0x0  }
0x43: {  	p0 =	sne.s32 s25, s8;
	[sflag:s22] =	ssyncadd.s32 $0xFFFFE000  }
.Ltmp1:
0x44: {  	s26 =	sor.u32 $0x1C03, s7;
	[bflag:$0x0] =	sbarrier.arrive $0xFFFF;
	(pc) =	sbr.rel @p0 .LBB2_1-.Ltmp1, $4  }
0x45: {  	[hbm:s24], [sflag:s26] =	dma.local [spmem:s11], $0x1400  }
0x46: {  	_ =	swait.ge [sflag:s12], $0x1400  }
0x47: {  	[sflag:s12] =	ssyncset.done $0x0  }
0x48: {  	[sflag:s12] =	ssyncadd.s32 $0xFFFFEC00  }
0x49: {  	_ =	sfence.sel $0x180000  }
0x4a: {  	[bflag:$0x0] =	sbarrier.arrive $0xFFFF  }
0x4b: {  	p0 =	sne.s32 s1, $0x0;
	_ =	strace $0x90000050  }
0x4c: {  	s0 =	sadd.s32 @!p0 $0x100000, s0;
	[bflag:$0x2] =	sbarrier.arrive $0xFFFF  }
0x4d: {  	[sflag:s0] =	ssyncadd.tile.s32 @!p0 $0x1;
	_ =	shalt  }
.Lfunc_end2:
_tile_overlayer_lowered:
.L_overlay_start_2:
0x4e: {  	(tag) =	ssettag $0x2  }
0x4f: {  	s0 =	rddreg [dreg:$0x0];
	s2 =	stileid.u32  }
0x50: {  	s1 =	rddreg [dreg:$0x1];
	p0 =	sne.s32 s2, $0x0  }
0x51: {  	s3 =	rddreg [dreg:$0x2];
	[bflag:$0x3] =	sbarrier.arrive $0xFFFF;
	s2 =	simm.s32 @!p0 $0x1C03  }
0x52: {  	[timem:s3], [sflag:s2] =	dma.local @!p0 [hbm:s0], s1  }
0x53: {  	s0 =	simm.s32 @!p0 $0x3  }
0x54: {  	_ =	swait.ge @!p0 [sflag:s0], s1  }
0x55: {  	s1 =	ssub.s32 @!p0 $0x0, s1;
	[sflag:s0] =	ssyncset.done @!p0 $0x0  }
0x56: {  	[sflag:s0] =	ssyncadd.s32 @!p0 s1  }
0x57: {  	[bflag:$0x3] =	sbarrier.arrive $0xFFFF  }
0x58: {  	_ =	shalt  }

// kernel: kernel.24.cloned.1.call-start
scs
__scs_entry_jumppad:
0x0: {  	(pc) =	sbr.rel $0x88, $3  }
0x1: {  	(tag) =	ssettag $0x0;
	lr =	simm.s32 $0x1  }
0x2: {  	[smem:$0x3F95] =	sst lr;
	_ =	strace $0xD0000000  }
0x3: {  	_ = 	snop  }
0x4: {  	_ = 	snop  }
0x5: {  	_ = 	snop  }
0x6: {  	_ = 	snop  }
0x7: {  	_ = 	snop  }
__scs_overlays_trampoline_lowered:
0x8: {  	[smem:$0x3FA4] =	sst s0  }
0x9: {  	[smem:$0x3FA5] =	sst s1  }
0xa: {  	[smem:$0x3FA6] =	sst s2  }
0xb: {  	[smem:$0x3FA7] =	sst s3  }
0xc: {  	[smem:$0x3FA8] =	sst s4  }
0xd: {  	[smem:$0x3FA9] =	sst s5  }
0xe: {  	[smem:$0x3FAA] =	sst s6  }
0xf: {  	[smem:$0x3FAB] =	sst s7  }
0x10: {  	[smem:$0x3FAC] =	sst s8  }
0x11: {  	[smem:$0x3FAD] =	sst s9;
	s0 =	simm.s32 @!p0 $0x0  }
0x12: {  	s1 =	sld [smem:$0x3F93];
	s0 =	simm.s32 @p0 $0x1  }
0x13: {  	[smem:$0x3FAE] =	sst s0;
	s0 =	simm.s32 @!p1 $0x0  }
0x14: {  	s2 =	sld [smem:$0x3F92];
	s0 =	simm.s32 @p1 $0x1  }
0x15: {  	[smem:$0x3FAF] =	sst s0;
	s0 =	simm.s32 @!p2 $0x0  }
0x16: {  	s3 =	sld [smem:$0x3FDB];
	s0 =	simm.s32 @p2 $0x1  }
0x17: {  	s4 =	simm.s32 $0x1BF5;
	[smem:$0x3FB1] =	sst s0  }
0x18: {  	s0 =	sld [smem:$0x3F94];
	_ =	swait.ge [sflag:s4], $0x0  }
0x19: {  	s7 =	sld [smem:$0x3F95]  }
0x1a: {  	s8 =	sadd.s32 $0xFFFFE003, lr  }
0x1b: {  	s9 =	sadd.s32 $0xFFFFFEF7, lr;
	s5 =	simm.s32 $0xFFFFFFFF;
	p2 =	slt.u32 s8, $0xFFFFF086  }
0x1c: {  	p1 =	slt.u32 s9, $0xF7A;
	s5 =	simm.s32 @!p2 $0x0  }
0x1d: {  	s5 =	simm.s32 @p1 $0x1;
	p0 =	seq.s32 s7, s2  }
0x1e: {  	s7 =	smul.u32 @!p0 $0xF7A, s2;
	p2 =	seq.s32 @!p0 s5, $0x0  }
0x1f: {  	s9 =	smul.u32 $0xF7A, s1;
	s8 =	simm.s32 @!p0 $0x1BF5;
	p2 =	por !p2, p0  }
0x20: {  	[sflag:s8] =	ssyncset.s32 @!p0 $0xFFFFF086;
	s6 =	sadd.s32 @!p0 s3, s7;
	s7 =	simm.s32 @!p0 $0x108  }
0x21: {  	s3 =	sadd.s32 s3, s9;
	s6 =	sadd.s32 @!p0 $0x88, s6;
	s7 =	simm.s32 @p2 $0x1082  }
0x22: {  	[simem:s7], [sflag:s8] =	dma.local @!p0 [hbm:s6], $0xF7A  }
0x23: {  	s9 =	sor.u32 $0xD0000000, s2;
	s6 =	simm.s32 $0x108;
	_ =	swait.ge @!p0 [sflag:s8], $0x0  }
0x24: {  	s3 =	sadd.s32 $0x88, s3;
	s6 =	simm.s32 @!p1 $0x1082;
	[sflag:s4] =	ssyncset.s32 $0xFFFFF086  }
0x25: {  	[simem:s6], [sflag:s4] =	dma.local [hbm:s3], $0xF7A  }
0x26: {  	[smem:$0x3F95] =	sst s1;
	(tag) =	ssettag s2;
	_ =	strace s9  }
0x27: {  	s1 =	sld [smem:$0x3FA5]  }
0x28: {  	s2 =	sld [smem:$0x3FA6]  }
0x29: {  	s4 =	sld [smem:$0x3FA8]  }
0x2a: {  	p0 =	seq.s32 s5, $0x0;
	s5 =	sld [smem:$0x3FA9]  }
0x2b: {  	s6 =	sld [smem:$0x3FAA]  }
0x2c: {  	s7 =	sld [smem:$0x3FAB]  }
0x2d: {  	s3 =	simm.s32 $0x108;
	s8 =	sld [smem:$0x3FAC]  }
0x2e: {  	s3 =	simm.s32 @!p0 $0x1082;
	s9 =	sld [smem:$0x3FAD]  }
0x2f: {  	lr =	sadd.s32 s0, s3;
	s0 =	sld [smem:$0x3FA4]  }
0x30: {  	s3 =	sld [smem:$0x3FA7]  }
0x31: {  	[smem:$0x3FB0] =	sst s10  }
0x32: {  	s10 =	sld [smem:$0x3FAE];
	_ =	sdelay $0x3  }
0x33: {  	p0 =	seq.s32 s10, $0x1;
	s10 =	sld [smem:$0x3FB0];
	_ =	sdelay $0x3  }
0x34: {  	[smem:$0x3FB0] =	sst s10  }
0x35: {  	s10 =	sld [smem:$0x3FAF];
	_ =	sdelay $0x3  }
0x36: {  	p1 =	seq.s32 s10, $0x1;
	s10 =	sld [smem:$0x3FB0];
	_ =	sdelay $0x3  }
0x37: {  	[smem:$0x3FB0] =	sst s10  }
0x38: {  	s10 =	sld [smem:$0x3FB1]  }
0x39: {  	_ = 	snop;
	(pc) =	sbr.ind lr, $3  }
0x3a: {  	_ = 	snop  }
0x3b: {  	_ = 	snop  }
0x3c: {  	p2 =	seq.s32 s10, $0x1;
	s10 =	sld [smem:$0x3FB0]  }
0x3d: {  	_ =	shalt  }
0x3e: {  	_ =	shalt  }
0x3f: {  	_ =	shalt  }
0x40: {  	_ =	shalt  }
0x41: {  	_ =	shalt  }
0x42: {  	_ =	shalt  }
0x43: {  	_ =	shalt  }
0x44: {  	_ =	shalt  }
0x45: {  	_ =	shalt  }
0x46: {  	_ =	shalt  }
0x47: {  	_ =	shalt  }
0x48: {  	_ =	shalt  }
0x49: {  	_ =	shalt  }
0x4a: {  	_ =	shalt  }
0x4b: {  	_ =	shalt  }
0x4c: {  	_ =	shalt  }
0x4d: {  	_ =	shalt  }
0x4e: {  	_ =	shalt  }
0x4f: {  	_ =	shalt  }
0x50: {  	_ =	shalt  }
0x51: {  	_ =	shalt  }
0x52: {  	_ =	shalt  }
0x53: {  	_ =	shalt  }
0x54: {  	_ =	shalt  }
0x55: {  	_ =	shalt  }
0x56: {  	_ =	shalt  }
0x57: {  	_ =	shalt  }
0x58: {  	_ =	shalt  }
0x59: {  	_ =	shalt  }
0x5a: {  	_ =	shalt  }
0x5b: {  	_ =	shalt  }
0x5c: {  	_ =	shalt  }
0x5d: {  	_ =	shalt  }
0x5e: {  	_ =	shalt  }
0x5f: {  	_ =	shalt  }
0x60: {  	_ =	shalt  }
0x61: {  	_ =	shalt  }
0x62: {  	_ =	shalt  }
0x63: {  	_ =	shalt  }
0x64: {  	_ =	shalt  }
0x65: {  	_ =	shalt  }
0x66: {  	_ =	shalt  }
0x67: {  	_ =	shalt  }
0x68: {  	_ =	shalt  }
0x69: {  	_ =	shalt  }
0x6a: {  	_ =	shalt  }
0x6b: {  	_ =	shalt  }
0x6c: {  	_ =	shalt  }
0x6d: {  	_ =	shalt  }
0x6e: {  	_ =	shalt  }
0x6f: {  	_ =	shalt  }
0x70: {  	_ =	shalt  }
0x71: {  	_ =	shalt  }
0x72: {  	_ =	shalt  }
0x73: {  	_ =	shalt  }
0x74: {  	_ =	shalt  }
0x75: {  	_ =	shalt  }
0x76: {  	_ =	shalt  }
0x77: {  	_ =	shalt  }
0x78: {  	_ =	shalt  }
0x79: {  	_ =	shalt  }
0x7a: {  	_ =	shalt  }
0x7b: {  	_ =	shalt  }
0x7c: {  	_ =	shalt  }
0x7d: {  	_ =	shalt  }
0x7e: {  	_ =	shalt  }
0x7f: {  	_ =	shalt  }
0x80: {  	_ =	shalt  }
0x81: {  	_ =	shalt  }
0x82: {  	_ =	shalt  }
0x83: {  	_ =	shalt  }
0x84: {  	_ =	shalt  }
0x85: {  	_ =	shalt  }
0x86: {  	_ =	shalt  }
0x87: {  	_ =	shalt  }
.Lfunc_end0:
.L_simem_size_0:
called_computation.4_lowered:
.L_overlay_start_0:
0x88: {  	s2 =	sld [smem:$0x3FD9]  }
0x89: {  	s3 =	sld [smem:$0x3FFE];
	_ =	sdelay $0x1  }
0x8a: {  	s1 =	srdreg.scid  }
0x8b: {  	s0 =	sand.u32 $0x1, s1  }
0x8c: {  	s16 =	sshll.u32 s0, $0xA;
	s2 =	sadd.s32 s3, s2  }
0x8d: {  	s2 =	sadd.s32 s2, s16  }
0x8e: {  	[smem:$0x3FBC] =	sst s2  }
0x8f: {  	_ = 	snop  }
0x90: {  	(tm) =	ssettm $0x1  }
0x91: {  	s17 =	sld [smem:$0x3FFB];
	_ =	sdelay $0x3  }
0x92: {  	_ =	strace s17  }
0x93: {  	s2 =	sld [smem:$0x3FFC];
	_ =	sdelay $0x3  }
0x94: {  	_ =	strace s2  }
0x95: {  	s2 =	sld [smem:$0x3FFD];
	_ =	sdelay $0x3  }
0x96: {  	_ =	strace s2  }
0x97: {  	_ =	strace $0x8FFFFFFF  }
0x98: {  	s18 =	sld [smem:$0x3FDB];
	_ =	sdelay $0x1  }
0x99: {  	s19 =	simm.s32 $_scs_section_size  }
0x9a: {  	s4 =	simm.s32 $_size__tile_overlayer_lowered;
	s5 =	simm.s32 $_tile_overlayer_lowered  }
0x9b: {  	s22 =	simm.s32 $0x1BFF;
	s21 =	sshll.u32 s5, $0x1;
	s2 =	sadd.s32 s19, s18  }
0x9c: {  	s6 =	simm.s32 $0x0;
	s20 =	sshll.u32 s4, $0x1;
	s4 =	sadd.s32 s21, s2  }
0x9d: {  	[timem:s6], [sflag:s22] =	dma.local [hbm:s4], s20  }
0x9e: {  	_ =	swait.ge [sflag:s22], s20  }
0x9f: {  	s3 =	ssub.s32 $0x0, s20;
	[sflag:s22] =	ssyncset.done $0x0  }
0xa0: {  	[sflag:s22] =	ssyncadd.s32 s3;
	_ =	sdelay $0x1  }
0xa1: {  	s23 =	simm.s32 $0x1B8B  }
0xa2: {  	_ =	swait.ge [sflag:s23], $0x1  }
0xa3: {  	[sflag:s23] =	ssyncset.done $0x0  }
0xa4: {  	s25 =	simm.s32 $0x1B8E;
	s24 =	sld [smem:$0x3FFE];
	[sflag:s23] =	ssyncadd.s32 $0xFFFFFFFF  }
0xa5: {  	s26 =	simm.s32 $execute0_lowered;
	[smem:$0x3FD2] =	sst s25  }
0xa6: {  	s4 =	sshll.u32 s26, $0x1;
	_ =	strace $0x80000052;
	[dreg:$0x1] =	wrdreg $0xFFFFFFFF  }
0xa7: {  	s28 =	simm.s32 $_size_execute0_lowered;
	s2 =	sadd.s32 s2, s4;
	[dreg:$0x0] =	wrdreg $0x0  }
0xa8: {  	s4 =	sshll.u32 s28, $0x1;
	[dreg:$0x2] =	wrdreg s2  }
0xa9: {  	[dreg:$0x3] =	wrdreg s4  }
0xaa: {  	[dreg:$0x4] =	wrdreg $0xC0  }
0xab: {  	_ =	task [dreg:s6], $0x5FFFF  }
0xac: {  	[dreg:$0x1] =	wrdreg $0xFFFFFFFF  }
0xad: {  	[dreg:$0x0] =	wrdreg $0x60  }
0xae: {  	[dreg:$0x2] =	wrdreg s24  }
0xaf: {  	[dreg:$0x3] =	wrdreg $0x110000  }
0xb0: {  	[dreg:$0x4] =	wrdreg $0x9  }
0xb1: {  	_ =	task.clear_ibuf [dreg:s6], $0x5FFFF;
	_ =	strace $0x90000052  }
0xb2: {  	s29 =	simm.s32 $0x9;
	_ =	strace $0x80000054  }
0xb3: {  	_ =	swait.ge [sflag:s29], $0x1  }
0xb4: {  	[sflag:s29] =	ssyncadd.s32 $0xFFFFFFFF  }
0xb5: {  	_ =	strace $0x90000054  }
0xb6: {  	_ =	sfence  }
0xb7: {  	s30 =	sld [smem:$0x0];
	_ =	sdelay $0x2  }
0xb8: {  	s31 =	sshll.u32 s1, $0xD;
	s1 =	sshrl.u32 s1, $0x2  }
0xb9: {  	s3 =	sand.u32 $0x4000, s31;
	s1 =	sadd.s32 s1, s30  }
0xba: {  	s0 =	sor.u32 s3, s0;
	s1 =	sshll.u32 s1, $0x11  }
0xbb: {  	s0 =	sor.u32 s1, s0  }
0xbc: {  	s0 =	sadd.s32 $0x8F2B, s0  }
0xbd: {  	[sflag:s0] =	ssyncadd.remote.s32 $0x1  }
0xbe: {  	_ =	sfence.sel $0xFFFF  }
0xbf: {  	[dreg:$0x0] =	wrdreg $0xFFFFFFFF;
	(pc) =	sbr.abs _section_cstart, $3  }
0xc0: {  	[dreg:$0x1] =	wrdreg $0xFFFFFFFF  }
0xc1: {  	_ =	task.clear_ibuf [dreg:s6], $0x2FFFF;
	_ =	strace $0x9FFFFFFF  }
0xc2: {  	(tm) =	ssettm $0x7FFFFFFF  }
0xc3: {  	_ =	shalt  }
tec
execute0_lowered:
.L_overlay_start_1:
0x0: {  	(tag) =	ssettag $0x1  }
0x1: {  	s5 =	rddreg [dreg:$0x0]  }
0x2: {  	s0 =	srdreg.scid;
	s2 =	rddreg [dreg:$0x1]  }
0x3: {  	s1 =	stileid.u32;
	s3 =	simm.s32 $0x0;
	s13 =	simm.s32 $0x80  }
0x4: {  	s14 =	simm.s32 $0x5000;
	s15 =	simm.s32 $0x7000;
	s16 =	simm.s32 $0x100  }
0x5: {  	s17 =	simm.s32 $0x9000;
	s18 =	simm.s32 $0x180;
	s19 =	simm.s32 $0xB000  }
0x6: {  	s20 =	simm.s32 $0x200;
	s21 =	simm.s32 $0xD000;
	s22 =	simm.s32 $0x2  }
0x7: {  	s6 =	sand.u32 $0x1, s0;
	s0 =	rddreg [dreg:$0x2];
	s7 =	smul.u32 $0x2800, s1  }
0x8: {  	s23 =	simm.s32 $0x1;
	[smem:$0x7FF] =	sst s3;
	s10 =	smul.u32 $0xA000, s1  }
0x9: {  	s11 =	sadd.s32 $0x17C00, s5;
	s4 =	smul.u32 $0x28000, s6;
	_ =	strace $0x80000053  }
0xa: {  	s8 =	smul.u32 $0x14000, s6;
	s9 =	ssub.s32 $0x2, s6;
	p0 =	seq.s32 s6, $0x0  }
0xb: {  	s31 =	sshrl.u32 s9, $0x1;
	s12 =	sadd.s32 s10, s2;
	s24 =	sshrl.u32 s10, $0x3  }
0xc: {  	s7 =	sadd.s32 s7, s4;
	s4 =	sadd.s32 $0x2BC00, s5;
	s8 =	sadd.s32 s8, s5  }
0xd: {  	s9 =	ssub.s32 s9, s31;
	s7 =	sshrl.u32 s7, $0x3;
	s25 =	sadd.s32 $0x3FC00, s8  }
0xe: {  	s11 =	smov.u32 @p0 s4;
	s8 =	smax.u32 s9, $0x1;
	s7 =	sadd.s32 s7, s5  }
0xf: {  	s9 =	sadd.s32 s11, s24;
	s11 =	sshrl.u32 s12, $0x3;
	s12 =	simm.s32 $0x3  }
0x10: {  	s5 =	sadd.s32 $0x3C00, s7;
	s6 =	sadd.s32 $0xDC00, s7;
	s7 =	sshll.u32 s1, $0x6  }
0x11: {  	s24 =	sadd.s32 s24, s25;
	s25 =	simm.s32 $0x0;
	s10 =	sor.u32 $0x1C02, s7  }
.LBB2_1:
0x12: {  	[spmem:s11], [sflag:s10] =	dma.local [hbm:s9], $0x1400  }
0x13: {  	[tilespmem:s3], [sflag:$0x3] =	stream.linear.gather [hbm4b:s5+s3], $0x2800, $0x38;
	[tilespmem:$0x1B000] =	vst v63  }
0x14: {  	_ =	swait.ge [sflag:s12], $0x2800  }
0x15: {  	[sflag:s12] =	ssyncset.done $0x0  }
0x16: {  	[sflag:s12] =	ssyncadd.s32 $0xFFFFD800  }
0x17: {  	[tilespmem:s14], [sflag:$0x1] =	stream.indirect.gather [hbm4b:s4+s13], $0x40, s3, s13, $0xb8;
	[tilespmem:$0x1B000] =	vst v63  }
0x18: {  	_ = 	snop  }
0x19: {  	[tilespmem:s15], [sflag:$0x1] =	stream.indirect.gather [hbm4b:s4+s13], $0x40, s13, s13, $0xb8;
	[tilespmem:$0x1B000] =	vst v63  }
0x1a: {  	_ = 	snop  }
0x1b: {  	[tilespmem:s17], [sflag:$0x1] =	stream.indirect.gather [hbm4b:s4+s13], $0x40, s16, s13, $0xb8;
	[tilespmem:$0x1B000] =	vst v63  }
0x1c: {  	_ = 	snop  }
0x1d: {  	[tilespmem:s19], [sflag:$0x1] =	stream.indirect.gather [hbm4b:s4+s13], $0x40, s18, s13, $0xb8;
	[tilespmem:$0x1B000] =	vst v63  }
0x1e: {  	_ = 	snop  }
0x1f: {  	[tilespmem:s21], [sflag:$0x1] =	stream.indirect.gather [hbm4b:s4+s13], $0x40, s20, s13, $0xb8;
	[tilespmem:$0x1B000] =	vst v63  }
0x20: {  	s26 =	simm.s32 $0x2800  }
0x21: {  	[tilespmem:s26], [sflag:$0x3] =	stream.linear.gather [hbm4b:s6+s3], $0x2800, $0x38;
	[tilespmem:$0x1B000] =	vst v63  }
0x22: {  	_ =	swait.ge [sflag:s12], $0x2800  }
0x23: {  	[sflag:s12] =	ssyncset.done $0x0  }
0x24: {  	[sflag:s12] =	ssyncadd.s32 $0xFFFFD800  }
0x25: {  	_ =	swait.ge [sflag:s22], $0x1400  }
0x26: {  	[sflag:s22] =	ssyncset.done $0x0  }
0x27: {  	[sflag:s22] =	ssyncadd.s32 $0xFFFFEC00  }
0x28: {  	s28 =	simm.s32 $0x280;
	s29 =	simm.s32 $0x0;
	[bflag:$0x0] =	sbarrier.arrive $0xFFFF  }
.LBB2_2:
0x29: {  	s30 =	smul.u32 $0xAB, s29;
	_ =	sdelay $0x1  }
0x2a: {  	s30 =	sshrl.u32 s30, $0xA  }
0x2b: {  	s30 =	sand.u32 $0x3F, s30  }
0x2c: {  	s30 =	smul.u32 $0x6, s30;
	_ =	sdelay $0x1  }
0x2d: {  	s30 =	ssub.s32 s29, s30  }
0x2e: {  	_ =	swait.ge [sflag:s23], $0x2000;
	s30 =	sand.u32 $0xFF, s30  }
0x2f: {  	[sflag:s23] =	ssyncset.done $0x0;
	s30 =	sshll.u32 s30, $0xD  }
0x30: {  	p0 =	seq.s32 s29, $0x0;
	[sflag:s23] =	ssyncadd.s32 $0xFFFFE000;
	s30 =	sadd.s32 $0x5000, s30  }
0x31: {  	[spmem:s2] =	stream.indirect.scatter.add.f32 [tilespmem:s30], [sflag:$0x2], $0x40, s26, s13, $0xb8;
	[tilespmem:$0x1B000] =	vst v63  }
0x32: {  	s30 =	simm.s32 @!p0 $0x2  }
0x33: {  	p1 =	sgt.u32 @!p0 s29, $0x4A;
	_ =	swait.ge @!p0 [sflag:s30], $0x2000  }
0x34: {  	p1 =	por p0, !p1;
	[sflag:s30] =	ssyncset.done @!p0 $0x0  }
0x35: {  	[sflag:s30] =	ssyncadd.s32 @!p0 $0xFFFFE000;
	s30 =	sadd.s32 @p1 $0x5, s29  }
0x36: {  	s31 =	smul.u32 @p1 $0xAB, s30;
	_ =	sdelay $0x1  }
0x37: {  	s31 =	sshrl.u32 @p1 s31, $0xA  }
0x38: {  	s31 =	sand.u32 @p1 $0x3F, s31  }
0x39: {  	s31 =	smul.u32 @p1 $0x6, s31  }
0x3a: {  	s29 =	sadd.s32 $0x1, s29  }
0x3b: {  	p0 =	sne.s32 s29, $0x50;
	s30 =	ssub.s32 @p1 s30, s31  }
.Ltmp0:
0x3c: {  	s30 =	sand.u32 @p1 $0xFF, s30;
	(pc) =	sbr.rel @p0 .LBB2_2-.Ltmp0, $4  }
0x3d: {  	s30 =	sshll.u32 @p1 s30, $0xD  }
0x3e: {  	s30 =	sadd.s32 @p1 $0x5000, s30  }
0x3f: {  	[tilespmem:s30], [sflag:$0x1] =	stream.indirect.gather @p1 [hbm4b:s4+s13], $0x40, s28, s13, $0xb8;
	[tilespmem:$0x1B000] =	vst v63  }
0x40: {  	s26 =	sadd.s32 $0x80, s26;
	s28 =	sadd.s32 $0x80, s28  }
0x41: {  	_ =	swait.ge [sflag:s22], $0x2000  }
0x42: {  	s25 =	sadd.s32 $0x1, s25;
	[sflag:s22] =	ssyncset.done $0x0  }
0x43: {  	p0 =	sne.s32 s25, s8;
	[sflag:s22] =	ssyncadd.s32 $0xFFFFE000  }
.Ltmp1:
0x44: {  	s26 =	sor.u32 $0x1C03, s7;
	[bflag:$0x0] =	sbarrier.arrive $0xFFFF;
	(pc) =	sbr.rel @p0 .LBB2_1-.Ltmp1, $4  }
0x45: {  	[hbm:s24], [sflag:s26] =	dma.local [spmem:s11], $0x1400  }
0x46: {  	_ =	swait.ge [sflag:s12], $0x1400  }
0x47: {  	[sflag:s12] =	ssyncset.done $0x0  }
0x48: {  	[sflag:s12] =	ssyncadd.s32 $0xFFFFEC00  }
0x49: {  	_ =	sfence.sel $0x180000  }
0x4a: {  	[bflag:$0x0] =	sbarrier.arrive $0xFFFF  }
0x4b: {  	p0 =	sne.s32 s1, $0x0;
	_ =	strace $0x90000053  }
0x4c: {  	s0 =	sadd.s32 @!p0 $0x100000, s0;
	[bflag:$0x2] =	sbarrier.arrive $0xFFFF  }
0x4d: {  	[sflag:s0] =	ssyncadd.tile.s32 @!p0 $0x1;
	_ =	shalt  }
.Lfunc_end2:
_tile_overlayer_lowered:
.L_overlay_start_2:
0x4e: {  	(tag) =	ssettag $0x2  }
0x4f: {  	s0 =	rddreg [dreg:$0x0];
	s2 =	stileid.u32  }
0x50: {  	s1 =	rddreg [dreg:$0x1];
	p0 =	sne.s32 s2, $0x0  }
0x51: {  	s3 =	rddreg [dreg:$0x2];
	[bflag:$0x3] =	sbarrier.arrive $0xFFFF;
	s2 =	simm.s32 @!p0 $0x1C03  }
0x52: {  	[timem:s3], [sflag:s2] =	dma.local @!p0 [hbm:s0], s1  }
0x53: {  	s0 =	simm.s32 @!p0 $0x3  }
0x54: {  	_ =	swait.ge @!p0 [sflag:s0], s1  }
0x55: {  	s1 =	ssub.s32 @!p0 $0x0, s1;
	[sflag:s0] =	ssyncset.done @!p0 $0x0  }
0x56: {  	[sflag:s0] =	ssyncadd.s32 @!p0 s1  }
0x57: {  	[bflag:$0x3] =	sbarrier.arrive $0xFFFF  }
0x58: {  	_ =	shalt  }

</sc_bundles>
